<compile_context>
chip_gen: v7x
topology: tpu7x:2x2x1
jax: 0.10.2.dev20260603
libtpu: 0.0.44.dev20260713+nightly
codegen_flags: <defaults>
</compile_context>

<pallas_src>
import jax
import jax.numpy as jnp
from jax import lax
from jax.experimental import pallas as pl
from jax.experimental.pallas import tpu as pltpu
from jax.experimental.pallas import tpu_sc as plsc

N = 2048
D = 512
E = 65536
P = 8
NC, NS = 2, 16
NW = NC * NS

CH = 128
EPW = E // NW
NCHUNK = EPW // CH

EPS = E // NS
BLK = 64
NBLK = N // BLK
BPC = NBLK // NC
ACC_ROWS = BLK * N
DUMMY_ROWS = 512
ROWS_PER_SUB = BLK // NS
MYROWS = ROWS_PER_SUB * N
ZCH = 2048

RB = 16

_mesh = plsc.VectorSubcoreMesh(
    core_axis_name="c", subcore_axis_name="s", num_cores=NC, num_subcores=NS)
_sc_params = pltpu.CompilerParams(use_tc_tiling_on_sc=False)


def _proj_body(obj_ref, wst_ref, wot_ref, bs_ref, bo_ref, sd_ref,
               s_ref, o_ref, head_ref):
    obj = obj_ref[...]
    s_ref[...] = (jnp.dot(obj, wst_ref[...], preferred_element_type=jnp.float32)
                  + bs_ref[0:1, :])
    o_ref[...] = (jnp.dot(obj, wot_ref[...], preferred_element_type=jnp.float32)
                  + bo_ref[0:1, :])
    head_ref[...] = jnp.full((8, 128), jnp.min(sd_ref[...]), jnp.int32)


_proj_call = pl.pallas_call(
    _proj_body,
    out_shape=[
        jax.ShapeDtypeStruct((N, D), jnp.float32),
        jax.ShapeDtypeStruct((N, D), jnp.float32),
        jax.ShapeDtypeStruct((8, 128), jnp.int32),
    ],
)


def _gather_body(sproj_h, oproj_h, src_h, dst_h, sg_h, og_h,
                 idx_v, rows_v, sem):
    cid = lax.axis_index("c")
    sid = lax.axis_index("s")
    wid = sid * NC + cid
    base = wid * EPW

    def chunk(i, carry):
        e0 = pl.multiple_of(base + i * CH, CH)
        pltpu.sync_copy(src_h.at[pl.ds(e0, CH)], idx_v)
        pltpu.async_copy(sproj_h.at[idx_v], rows_v, sem).wait()
        pltpu.sync_copy(rows_v, sg_h.at[pl.ds(e0, CH)])
        pltpu.sync_copy(dst_h.at[pl.ds(e0, CH)], idx_v)
        pltpu.async_copy(oproj_h.at[idx_v], rows_v, sem).wait()
        pltpu.sync_copy(rows_v, og_h.at[pl.ds(e0, CH)])
        return carry

    lax.fori_loop(0, NCHUNK, chunk, 0)


_gather_call = pl.kernel(
    _gather_body,
    out_type=[
        jax.ShapeDtypeStruct((E, D), jnp.float32),
        jax.ShapeDtypeStruct((E, D), jnp.float32),
    ],
    mesh=_mesh,
    compiler_params=_sc_params,
    scratch_types=[
        pltpu.VMEM((CH,), jnp.int32),
        pltpu.VMEM((CH, D), jnp.float32),
        pltpu.SemaphoreType.DMA,
    ],
)


EB = 1024
VR = 4 * EB


def _af_body(sg_ref, og_ref, u_ref, ww_ref, bw_ref, af_ref):
    p = (sg_ref[...] * og_ref[...] * u_ref[...]).reshape(EB, 4, 128)
    x = sum(
        jnp.dot(p[:, j, :], ww_ref[j], preferred_element_type=jnp.float32)
        for j in range(4))
    x3 = x.reshape(EB // 16, 16, 128)
    k2d = (lax.broadcasted_iota(jnp.int32, (16, 128), 0)
           == lax.broadcasted_iota(jnp.int32, (16, 128), 1) // P
           ).astype(jnp.float32)
    af_ref[...] = jnp.sum(x3 * k2d[None], axis=1) + bw_ref[0:1, :]


_af_call = pl.pallas_call(
    _af_body,
    grid=(E // EB,),
    in_specs=[
        pl.BlockSpec((VR, 128), lambda i: (i, 0)),
        pl.BlockSpec((VR, 128), lambda i: (i, 0)),
        pl.BlockSpec((VR, 128), lambda i: (i, 0)),
        pl.BlockSpec((4, 128, 128), lambda i: (0, 0, 0)),
        pl.BlockSpec((8, 128), lambda i: (0, 0)),
    ],
    out_specs=pl.BlockSpec((EB * P // 128, 128), lambda i: (i, 0)),
    out_shape=jax.ShapeDtypeStruct((E * P // 128, 128), jnp.float32),
)


def _scatter_body(af_h, src_h, dst_h, head_h, zeros_h, t_h,
                  af2_v, src_v, dst_v, cidx_v, zbuf_v, head_v, acc_ref):
    cid = lax.axis_index("c")
    sid = lax.axis_index("s")
    pltpu.sync_copy(head_h, head_v)
    hv = head_v[...]
    e0 = sid * EPS
    pltpu.sync_copy(src_h.at[pl.ds(e0, EPS)], src_v)
    pltpu.sync_copy(dst_h.at[pl.ds(e0, EPS)], dst_v)
    pltpu.sync_copy(af_h.at[pl.ds(e0, EPS)], af2_v)
    pltpu.sync_copy(zeros_h, zbuf_v)

    lane = lax.iota(jnp.int32, 16)
    myrow0 = sid * MYROWS

    acc_sh = acc_ref

    def run_block(b, carry, acc_sh):
        base = (cid * BPC + b) * BLK
        for z in range(MYROWS // ZCH):
            pltpu.sync_copy(zbuf_v, acc_sh.at[pl.ds(myrow0 + z * ZCH, ZCH)])
        plsc.subcore_barrier()

        def civ(i, c2):
            sv = src_v[pl.ds(i * 16, 16)] - hv - base
            dv = dst_v[pl.ds(i * 16, 16)] - hv
            ok = (sv >= 0) & (sv < BLK)
            ii = sv * N + dv
            dmy = ACC_ROWS + (i % 32) * 16 + lane
            cidx_v[i // 8, pl.ds((i % 8) * 16, 16)] = jnp.where(ok, ii, dmy)
            return c2

        lax.fori_loop(0, EPS // 16, civ, 0)
        for j in range(EPS // CH):
            pltpu.sync_copy(af2_v.at[pl.ds(j * CH, CH)],
                            acc_sh.at[cidx_v.at[j]], add=True)
        plsc.subcore_barrier()
        r0 = base + sid * ROWS_PER_SUB
        for z in range(ROWS_PER_SUB):
            pltpu.sync_copy(acc_sh.at[pl.ds(myrow0 + z * ZCH, ZCH)],
                            t_h.at[r0 + z])
        return carry

    lax.fori_loop(0, BPC, lambda b, c: run_block(b, c, acc_sh), 0)


_scatter_call = pl.kernel(
    _scatter_body,
    out_type=jax.ShapeDtypeStruct((N, N, P), jnp.float32),
    mesh=_mesh,
    compiler_params=_sc_params,
    scratch_types=[
        pltpu.VMEM((EPS, P), jnp.float32),
        pltpu.VMEM((EPS,), jnp.int32),
        pltpu.VMEM((EPS,), jnp.int32),
        pltpu.VMEM((EPS // CH, CH), jnp.int32),
        pltpu.VMEM((ZCH, P), jnp.float32),
        pltpu.VMEM((16,), jnp.int32),
        pltpu.VMEM_SHARED((ACC_ROWS + DUMMY_ROWS, P), jnp.float32),
    ],
)


TROWS = N * N * P // 128
BR = RB * N * P // 128


def _sig_mask_block(t_ref, bias_ref, b):
    a = jax.nn.sigmoid(t_ref[...] + bias_ref[0, 0])
    ri = lax.broadcasted_iota(jnp.int32, (BR, 128), 0)
    li = lax.broadcasted_iota(jnp.int32, (BR, 128), 1)
    m = (ri % 128) * 16 + li // P
    i_glob = b * RB + ri // 128
    return jnp.where(m == i_glob, 0.0, a)


def _rowsum_body(t_ref, bias_ref, s_ref):
    b = pl.program_id(0)
    a = _sig_mask_block(t_ref, bias_ref, b)
    ssum = jnp.sum(a.reshape(RB, 128, 128), axis=1)
    i0 = lax.broadcasted_iota(jnp.int32, (128, 128), 0)
    i1 = lax.broadcasted_iota(jnp.int32, (128, 128), 1)
    m2 = (i0 % P == i1 % P).astype(jnp.float32)
    q = jnp.dot(ssum, m2, preferred_element_type=jnp.float32)
    w0 = lax.broadcasted_iota(jnp.int32, (RB, 128), 0)
    w1 = lax.broadcasted_iota(jnp.int32, (RB, 128), 1)
    sel = (w0 == w1 // P).astype(jnp.float32)
    s_ref[...] = (1.0 / jnp.sum(q * sel, axis=0, keepdims=True)).reshape(1, 1, 128)


_rowsum_call = pl.pallas_call(
    _rowsum_body,
    grid=(N // RB,),
    in_specs=[
        pl.BlockSpec((BR, 128), lambda i: (i, 0)),
        pl.BlockSpec((8, 128), lambda i: (0, 0)),
    ],
    out_specs=pl.BlockSpec((1, 1, 128), lambda i: (i, 0, 0)),
    out_shape=jax.ShapeDtypeStruct((N // RB, 1, 128), jnp.float32),
)


def _norm_body(t_ref, s_ref, bias_ref, o_ref):
    b = pl.program_id(0)
    a = _sig_mask_block(t_ref, bias_ref, b)
    rs = s_ref[...].reshape(128, 128)
    factor = jnp.broadcast_to(rs[None], (RB, 128, 128)).reshape(BR, 128)
    o_ref[...] = a * factor


_norm_call = pl.pallas_call(
    _norm_body,
    grid=(N // RB,),
    in_specs=[
        pl.BlockSpec((BR, 128), lambda i: (i, 0)),
        pl.BlockSpec((N // RB, 1, 128), lambda i: (0, 0, 0)),
        pl.BlockSpec((8, 128), lambda i: (0, 0)),
    ],
    out_specs=pl.BlockSpec((BR, 128), lambda i: (i, 0)),
    out_shape=jax.ShapeDtypeStruct((TROWS, 128), jnp.float32),
)


def kernel(obj_feats, rel_inds, union_feats, n_nodes, Ws, bs, Wo, bo, Ww, bw):
    src = rel_inds[:, 1]
    dst = rel_inds[:, 2]
    sd = rel_inds[:, 1:3].reshape(E // 64, 128)
    bias = jnp.broadcast_to(
        (jnp.asarray(n_nodes, jnp.float32) - jnp.float32(N)).reshape(1, 1),
        (8, 128))

    s_proj, o_proj, head_arr = _proj_call(
        obj_feats, Ws.T, Wo.T,
        jnp.broadcast_to(bs.reshape(1, D), (8, D)),
        jnp.broadcast_to(bo.reshape(1, D), (8, D)), sd)
    head16 = head_arr[0, :16]

    sg, og = _gather_call(s_proj, o_proj, src, dst)
    wexp = jnp.tile(Ww, (16, 1)).T.reshape(4, 128, 128)
    af_packed = _af_call(
        sg.reshape(E * 4, 128), og.reshape(E * 4, 128),
        union_feats.reshape(E * 4, 128), wexp,
        jnp.broadcast_to(jnp.tile(bw, 16)[None, :], (8, 128)))

    t = _scatter_call(af_packed.reshape(E, P), src, dst, head16,
                      jnp.zeros((ZCH, P), jnp.float32))
    t128 = t.reshape(TROWS, 128)
    s_recip = _rowsum_call(t128, bias)
    out = _norm_call(t128, s_recip, bias)
    return out.reshape(N, N, P)

# --- scband reference (transcript-rebuilt; emitter-appended) ---
"""Pipeline reference for scband-get-atten-map-mc-67095979099056 (READ-ONLY COPY).

The authoritative reference and input builder live on the scoring server;
editing this copy changes nothing except your own understanding.
"""

import jax, jax.numpy as jnp
import numpy as np

D = 512
P = 8
N_NODES = 2048
N_EDGES = 65536


def setup_inputs(seed: int = 0) -> dict:
    key = jax.random.key(seed)
    ks = jax.random.split(key, 10)
    obj_feats = jax.random.normal(ks[0], (N_NODES, D), dtype=jnp.float32)
    rel_inds = jax.random.randint(ks[1], (N_EDGES, 3), 0, N_NODES, dtype=jnp.int64 if jax.config.jax_enable_x64 else jnp.int32).astype(jnp.int32)
    union_feats = jax.random.normal(ks[2], (N_EDGES, D), dtype=jnp.float32)
    Ws = jax.random.normal(ks[3], (D, D), dtype=jnp.float32) * 0.02
    bs = jnp.zeros((D,), dtype=jnp.float32)
    Wo = jax.random.normal(ks[4], (D, D), dtype=jnp.float32) * 0.02
    bo = jnp.zeros((D,), dtype=jnp.float32)
    Ww = jax.random.normal(ks[5], (P, D), dtype=jnp.float32) * 0.02
    bw = jnp.zeros((P,), dtype=jnp.float32)
    return {"obj_feats": obj_feats, "rel_inds": rel_inds, "union_feats": union_feats, "n_nodes": N_NODES, "Ws": Ws, "bs": bs, "Wo": Wo, "bo": bo, "Ww": Ww, "bw": bw}


def reference(obj_feats, rel_inds, union_feats, n_nodes, Ws, bs, Wo, bo, Ww, bw):
    # subject/object linear projections (nn.Linear: x @ W.T + b)
    s_proj = obj_feats @ Ws.T + bs
    o_proj = obj_feats @ Wo.T + bo
    src = rel_inds[:, 1]
    dst = rel_inds[:, 2]
    # gather per-edge subject/object features and combine
    prod = s_proj[src] * o_proj[dst]
    atten_f = (prod * union_feats) @ Ww.T + bw  # [E, P]
    head = jnp.min(rel_inds[:, 1:])
    p = Ww.shape[0]
    n = obj_feats.shape[0]
    atten_tensor = jnp.zeros((n, n, p), dtype=jnp.float32)
    atten_tensor = atten_tensor.at[src - head, dst - head].add(atten_f)
    remove_self_mask = 1.0 - jnp.eye(n, dtype=jnp.float32)[:, :, None]
    atten_tensor = jax.nn.sigmoid(atten_tensor + (jnp.asarray(n_nodes) - n).astype(jnp.float32))
    atten_tensor = atten_tensor * remove_self_mask
    # faithful to torch broadcasting: [n,n,p] / [n,p] -> divide by column sums
    return atten_tensor / atten_tensor.sum(axis=1)

if __name__ == "__main__":
    import jax
    _d = setup_inputs()
    print(jax.jit(kernel)(*tuple(_d.values())))

</pallas_src>

<mosaic_0001>
#map = affine_map<(d0, d1) -> (0, 0)>
#map1 = affine_map<(d0, d1) -> (0)>
module attributes {stable_mosaic.version = 14 : i64} {
  func.func @_gather_body(%arg0: i32, %arg1: i32, %arg2: memref<2048x512xf32, #tpu.memory_space<hbm>>, %arg3: memref<2048x512xf32, #tpu.memory_space<hbm>>, %arg4: memref<65536xi32, #tpu.memory_space<hbm>>, %arg5: memref<65536xi32, #tpu.memory_space<hbm>>, %arg6: memref<65536x512xf32, #tpu.memory_space<hbm>>, %arg7: memref<65536x512xf32, #tpu.memory_space<hbm>>, %arg8: memref<128xi32, #tpu.memory_space<vmem>>, %arg9: memref<128x512xf32, #tpu.memory_space<vmem>>, %arg10: memref<!tpu.dma_semaphore, #tpu.memory_space<semaphore_mem>>) attributes {dimension_semantics = [#tpu.dimension_semantics<core_parallel>, #tpu.dimension_semantics<subcore_parallel>], iteration_bounds = array<i64: 2, 16>, scalar_prefetch = 0 : i64, scratch_operands = 3 : i64, tpu.core_type = #tpu.core_type<sc_vector_subcore>, window_params = [{transform_indices = #map}, {transform_indices = #map}, {transform_indices = #map1}, {transform_indices = #map1}, {transform_indices = #map}, {transform_indices = #map}]} {
    %mul3A = arith.constant 2 : i32
    %mul3A_0 = arith.muli %arg1, %mul3A : i32
    %add3A = arith.addi %mul3A_0, %arg0 : i32
    %mul3A_1 = arith.constant 2048 : i32
    %mul3A_2 = arith.muli %add3A, %mul3A_1 : i32
    %scan3A = arith.constant 0 : i32
    %scan3A_3 = arith.constant 0 : i32
    %scan3A_4 = arith.constant 16 : i32
    %scan3A_5 = arith.addi %scan3A_3, %scan3A_4 : i32
    %scan3A_6 = arith.constant 1 : i32
    scf.for %scan3A_8 = %scan3A_3 to %scan3A_5 step %scan3A_6  : i32 {
      %mul3A_9 = arith.constant 128 : i32
      %mul3A_10 = arith.muli %scan3A_8, %mul3A_9 : i32
      %add3A_11 = arith.addi %mul3A_2, %mul3A_10 : i32
      %multiple_of3A = tpu.assume_multiple %add3A_11, 128 : i32
      "tpu.region"() ({
        %run_scoped3A = tpu.sem_alloc : memref<!tpu.dma_semaphore, #tpu.memory_space<semaphore_mem>>
        %dma_start3A_22 = tpu.memref_slice %arg4[%multiple_of3A] : memref<65536xi32, #tpu.memory_space<hbm>> -> memref<128xi32, #tpu.memory_space<hbm>>
        %dma_start3A_23 = tpu.memref_slice %arg4[%multiple_of3A] : memref<65536xi32, #tpu.memory_space<hbm>> -> memref<128xi32, #tpu.memory_space<hbm>>
        tpu.enqueue_dma source(%dma_start3A_23 : memref<128xi32, #tpu.memory_space<hbm>>) target(%arg8 : memref<128xi32, #tpu.memory_space<vmem>>) target_semaphore(%run_scoped3A : memref<!tpu.dma_semaphore, #tpu.memory_space<semaphore_mem>>)
        %dma_wait3A_24 = tpu.memref_slice %arg4[%multiple_of3A] : memref<65536xi32, #tpu.memory_space<hbm>> -> memref<128xi32, #tpu.memory_space<hbm>>
        %dma_wait3A_25 = tpu.memref_slice %arg4[%multiple_of3A] : memref<65536xi32, #tpu.memory_space<hbm>> -> memref<128xi32, #tpu.memory_space<hbm>>
        tpu.wait_dma2 semaphore(%run_scoped3A : memref<!tpu.dma_semaphore, #tpu.memory_space<semaphore_mem>>) src(%dma_wait3A_25 : memref<128xi32, #tpu.memory_space<hbm>>) dst(%arg8 : memref<128xi32, #tpu.memory_space<vmem>>)
        tpu.yield
      }) : () -> ()
      %dma_start3A = arith.constant 0 : i32
      %dma_start3A_12 = arith.constant 0 : i32
      %dma_start3A_13 = tpu.memref_slice %arg2[%dma_start3A, %dma_start3A_12] : memref<2048x512xf32, #tpu.memory_space<hbm>> -> memref<2048x512xf32, #tpu.memory_space<hbm>>
      tpu.enqueue_indirect_dma source(%dma_start3A_13 : memref<2048x512xf32, #tpu.memory_space<hbm>>) target(%arg9 : memref<128x512xf32, #tpu.memory_space<vmem>>) offsets(%arg8 : memref<128xi32, #tpu.memory_space<vmem>>) semaphore(%arg10 : memref<!tpu.dma_semaphore, #tpu.memory_space<semaphore_mem>>)
      %dma_wait3A = arith.constant 0 : i32
      %dma_wait3A_14 = arith.constant 0 : i32
      %dma_wait3A_15 = tpu.memref_slice %arg2[%dma_wait3A, %dma_wait3A_14] : memref<2048x512xf32, #tpu.memory_space<hbm>> -> memref<2048x512xf32, #tpu.memory_space<hbm>>
      tpu.wait_indirect_dma semaphore(%arg10 : memref<!tpu.dma_semaphore, #tpu.memory_space<semaphore_mem>>) src(%dma_wait3A_15 : memref<2048x512xf32, #tpu.memory_space<hbm>>) dst(%arg9 : memref<128x512xf32, #tpu.memory_space<vmem>>)
      "tpu.region"() ({
        %run_scoped3A = tpu.sem_alloc : memref<!tpu.dma_semaphore, #tpu.memory_space<semaphore_mem>>
        %dma_start3A_22 = arith.constant 0 : i32
        %dma_start3A_23 = tpu.memref_slice %arg6[%multiple_of3A, %dma_start3A_22] : memref<65536x512xf32, #tpu.memory_space<hbm>> -> memref<128x512xf32, #tpu.memory_space<hbm>>
        %dma_start3A_24 = arith.constant 0 : i32
        %dma_start3A_25 = tpu.memref_slice %arg6[%multiple_of3A, %dma_start3A_24] : memref<65536x512xf32, #tpu.memory_space<hbm>> -> memref<128x512xf32, #tpu.memory_space<hbm>>
        tpu.enqueue_dma source(%arg9 : memref<128x512xf32, #tpu.memory_space<vmem>>) target(%dma_start3A_25 : memref<128x512xf32, #tpu.memory_space<hbm>>) target_semaphore(%run_scoped3A : memref<!tpu.dma_semaphore, #tpu.memory_space<semaphore_mem>>)
        %dma_wait3A_26 = arith.constant 0 : i32
        %dma_wait3A_27 = tpu.memref_slice %arg6[%multiple_of3A, %dma_wait3A_26] : memref<65536x512xf32, #tpu.memory_space<hbm>> -> memref<128x512xf32, #tpu.memory_space<hbm>>
        %dma_wait3A_28 = arith.constant 0 : i32
        %dma_wait3A_29 = tpu.memref_slice %arg6[%multiple_of3A, %dma_wait3A_28] : memref<65536x512xf32, #tpu.memory_space<hbm>> -> memref<128x512xf32, #tpu.memory_space<hbm>>
        tpu.wait_dma2 semaphore(%run_scoped3A : memref<!tpu.dma_semaphore, #tpu.memory_space<semaphore_mem>>) src(%arg9 : memref<128x512xf32, #tpu.memory_space<vmem>>) dst(%dma_wait3A_29 : memref<128x512xf32, #tpu.memory_space<hbm>>)
        tpu.yield
      }) : () -> ()
      "tpu.region"() ({
        %run_scoped3A = tpu.sem_alloc : memref<!tpu.dma_semaphore, #tpu.memory_space<semaphore_mem>>
        %dma_start3A_22 = tpu.memref_slice %arg5[%multiple_of3A] : memref<65536xi32, #tpu.memory_space<hbm>> -> memref<128xi32, #tpu.memory_space<hbm>>
        %dma_start3A_23 = tpu.memref_slice %arg5[%multiple_of3A] : memref<65536xi32, #tpu.memory_space<hbm>> -> memref<128xi32, #tpu.memory_space<hbm>>
        tpu.enqueue_dma source(%dma_start3A_23 : memref<128xi32, #tpu.memory_space<hbm>>) target(%arg8 : memref<128xi32, #tpu.memory_space<vmem>>) target_semaphore(%run_scoped3A : memref<!tpu.dma_semaphore, #tpu.memory_space<semaphore_mem>>)
        %dma_wait3A_24 = tpu.memref_slice %arg5[%multiple_of3A] : memref<65536xi32, #tpu.memory_space<hbm>> -> memref<128xi32, #tpu.memory_space<hbm>>
        %dma_wait3A_25 = tpu.memref_slice %arg5[%multiple_of3A] : memref<65536xi32, #tpu.memory_space<hbm>> -> memref<128xi32, #tpu.memory_space<hbm>>
        tpu.wait_dma2 semaphore(%run_scoped3A : memref<!tpu.dma_semaphore, #tpu.memory_space<semaphore_mem>>) src(%dma_wait3A_25 : memref<128xi32, #tpu.memory_space<hbm>>) dst(%arg8 : memref<128xi32, #tpu.memory_space<vmem>>)
        tpu.yield
      }) : () -> ()
      %dma_start3A_16 = arith.constant 0 : i32
      %dma_start3A_17 = arith.constant 0 : i32
      %dma_start3A_18 = tpu.memref_slice %arg3[%dma_start3A_16, %dma_start3A_17] : memref<2048x512xf32, #tpu.memory_space<hbm>> -> memref<2048x512xf32, #tpu.memory_space<hbm>>
      tpu.enqueue_indirect_dma source(%dma_start3A_18 : memref<2048x512xf32, #tpu.memory_space<hbm>>) target(%arg9 : memref<128x512xf32, #tpu.memory_space<vmem>>) offsets(%arg8 : memref<128xi32, #tpu.memory_space<vmem>>) semaphore(%arg10 : memref<!tpu.dma_semaphore, #tpu.memory_space<semaphore_mem>>)
      %dma_wait3A_19 = arith.constant 0 : i32
      %dma_wait3A_20 = arith.constant 0 : i32
      %dma_wait3A_21 = tpu.memref_slice %arg3[%dma_wait3A_19, %dma_wait3A_20] : memref<2048x512xf32, #tpu.memory_space<hbm>> -> memref<2048x512xf32, #tpu.memory_space<hbm>>
      tpu.wait_indirect_dma semaphore(%arg10 : memref<!tpu.dma_semaphore, #tpu.memory_space<semaphore_mem>>) src(%dma_wait3A_21 : memref<2048x512xf32, #tpu.memory_space<hbm>>) dst(%arg9 : memref<128x512xf32, #tpu.memory_space<vmem>>)
      "tpu.region"() ({
        %run_scoped3A = tpu.sem_alloc : memref<!tpu.dma_semaphore, #tpu.memory_space<semaphore_mem>>
        %dma_start3A_22 = arith.constant 0 : i32
        %dma_start3A_23 = tpu.memref_slice %arg7[%multiple_of3A, %dma_start3A_22] : memref<65536x512xf32, #tpu.memory_space<hbm>> -> memref<128x512xf32, #tpu.memory_space<hbm>>
        %dma_start3A_24 = arith.constant 0 : i32
        %dma_start3A_25 = tpu.memref_slice %arg7[%multiple_of3A, %dma_start3A_24] : memref<65536x512xf32, #tpu.memory_space<hbm>> -> memref<128x512xf32, #tpu.memory_space<hbm>>
        tpu.enqueue_dma source(%arg9 : memref<128x512xf32, #tpu.memory_space<vmem>>) target(%dma_start3A_25 : memref<128x512xf32, #tpu.memory_space<hbm>>) target_semaphore(%run_scoped3A : memref<!tpu.dma_semaphore, #tpu.memory_space<semaphore_mem>>)
        %dma_wait3A_26 = arith.constant 0 : i32
        %dma_wait3A_27 = tpu.memref_slice %arg7[%multiple_of3A, %dma_wait3A_26] : memref<65536x512xf32, #tpu.memory_space<hbm>> -> memref<128x512xf32, #tpu.memory_space<hbm>>
        %dma_wait3A_28 = arith.constant 0 : i32
        %dma_wait3A_29 = tpu.memref_slice %arg7[%multiple_of3A, %dma_wait3A_28] : memref<65536x512xf32, #tpu.memory_space<hbm>> -> memref<128x512xf32, #tpu.memory_space<hbm>>
        tpu.wait_dma2 semaphore(%run_scoped3A : memref<!tpu.dma_semaphore, #tpu.memory_space<semaphore_mem>>) src(%arg9 : memref<128x512xf32, #tpu.memory_space<vmem>>) dst(%dma_wait3A_29 : memref<128x512xf32, #tpu.memory_space<hbm>>)
        tpu.yield
      }) : () -> ()
    }
    %scan3A_7 = arith.constant 16 : i32
    return
  }
}

#map = affine_map<(d0, d1) -> (0, 0)>
#map1 = affine_map<(d0, d1) -> (0)>
#map2 = affine_map<(d0, d1) -> (0, 0, 0)>
module attributes {stable_mosaic.version = 14 : i64} {
  func.func @_scatter_body(%arg0: i32, %arg1: i32, %arg2: memref<65536x8xf32, #tpu.memory_space<hbm>>, %arg3: memref<65536xi32, #tpu.memory_space<hbm>>, %arg4: memref<65536xi32, #tpu.memory_space<hbm>>, %arg5: memref<16xi32, #tpu.memory_space<hbm>>, %arg6: memref<2048x8xf32, #tpu.memory_space<hbm>>, %arg7: memref<2048x2048x8xf32, #tpu.memory_space<hbm>>, %arg8: memref<4096x8xf32, #tpu.memory_space<vmem>>, %arg9: memref<4096xi32, #tpu.memory_space<vmem>>, %arg10: memref<4096xi32, #tpu.memory_space<vmem>>, %arg11: memref<32x128xi32, #tpu.memory_space<vmem>>, %arg12: memref<2048x8xf32, #tpu.memory_space<vmem>>, %arg13: memref<16xi32, #tpu.memory_space<vmem>>, %arg14: memref<131584x8xf32, #tpu.memory_space<vmem_shared>>) attributes {dimension_semantics = [#tpu.dimension_semantics<core_parallel>, #tpu.dimension_semantics<subcore_parallel>], iteration_bounds = array<i64: 2, 16>, scalar_prefetch = 0 : i64, scratch_operands = 7 : i64, tpu.core_type = #tpu.core_type<sc_vector_subcore>, window_params = [{transform_indices = #map}, {transform_indices = #map1}, {transform_indices = #map1}, {transform_indices = #map1}, {transform_indices = #map}, {transform_indices = #map2}]} {
    "tpu.region"() ({
      %run_scoped3A = tpu.sem_alloc : memref<!tpu.dma_semaphore, #tpu.memory_space<semaphore_mem>>
      tpu.enqueue_dma source(%arg5 : memref<16xi32, #tpu.memory_space<hbm>>) target(%arg13 : memref<16xi32, #tpu.memory_space<vmem>>) target_semaphore(%run_scoped3A : memref<!tpu.dma_semaphore, #tpu.memory_space<semaphore_mem>>)
      tpu.wait_dma2 semaphore(%run_scoped3A : memref<!tpu.dma_semaphore, #tpu.memory_space<semaphore_mem>>) src(%arg5 : memref<16xi32, #tpu.memory_space<hbm>>) dst(%arg13 : memref<16xi32, #tpu.memory_space<vmem>>)
      tpu.yield
    }) : () -> ()
    %get3A = arith.constant 0 : index
    %get3A_0 = tpu.vector_load %arg13[%get3A] {strides = array<i32>} : memref<16xi32, #tpu.memory_space<vmem>>, vector<16xi32>,
    %get3A_1 = vector.shape_cast %get3A_0 : vector<16xi32> to vector<16xi32>
    %mul3A = arith.constant 4096 : i32
    %mul3A_2 = arith.muli %arg1, %mul3A : i32
    "tpu.region"() ({
      %run_scoped3A = tpu.sem_alloc : memref<!tpu.dma_semaphore, #tpu.memory_space<semaphore_mem>>
      %dma_start3A = tpu.memref_slice %arg3[%mul3A_2] : memref<65536xi32, #tpu.memory_space<hbm>> -> memref<4096xi32, #tpu.memory_space<hbm>>
      %dma_start3A_10 = tpu.memref_slice %arg3[%mul3A_2] : memref<65536xi32, #tpu.memory_space<hbm>> -> memref<4096xi32, #tpu.memory_space<hbm>>
      tpu.enqueue_dma source(%dma_start3A_10 : memref<4096xi32, #tpu.memory_space<hbm>>) target(%arg9 : memref<4096xi32, #tpu.memory_space<vmem>>) target_semaphore(%run_scoped3A : memref<!tpu.dma_semaphore, #tpu.memory_space<semaphore_mem>>)
      %dma_wait3A = tpu.memref_slice %arg3[%mul3A_2] : memref<65536xi32, #tpu.memory_space<hbm>> -> memref<4096xi32, #tpu.memory_space<hbm>>
      %dma_wait3A_11 = tpu.memref_slice %arg3[%mul3A_2] : memref<65536xi32, #tpu.memory_space<hbm>> -> memref<4096xi32, #tpu.memory_space<hbm>>
      tpu.wait_dma2 semaphore(%run_scoped3A : memref<!tpu.dma_semaphore, #tpu.memory_space<semaphore_mem>>) src(%dma_wait3A_11 : memref<4096xi32, #tpu.memory_space<hbm>>) dst(%arg9 : memref<4096xi32, #tpu.memory_space<vmem>>)
      tpu.yield
    }) : () -> ()
    "tpu.region"() ({
      %run_scoped3A = tpu.sem_alloc : memref<!tpu.dma_semaphore, #tpu.memory_space<semaphore_mem>>
      %dma_start3A = tpu.memref_slice %arg4[%mul3A_2] : memref<65536xi32, #tpu.memory_space<hbm>> -> memref<4096xi32, #tpu.memory_space<hbm>>
      %dma_start3A_10 = tpu.memref_slice %arg4[%mul3A_2] : memref<65536xi32, #tpu.memory_space<hbm>> -> memref<4096xi32, #tpu.memory_space<hbm>>
      tpu.enqueue_dma source(%dma_start3A_10 : memref<4096xi32, #tpu.memory_space<hbm>>) target(%arg10 : memref<4096xi32, #tpu.memory_space<vmem>>) target_semaphore(%run_scoped3A : memref<!tpu.dma_semaphore, #tpu.memory_space<semaphore_mem>>)
      %dma_wait3A = tpu.memref_slice %arg4[%mul3A_2] : memref<65536xi32, #tpu.memory_space<hbm>> -> memref<4096xi32, #tpu.memory_space<hbm>>
      %dma_wait3A_11 = tpu.memref_slice %arg4[%mul3A_2] : memref<65536xi32, #tpu.memory_space<hbm>> -> memref<4096xi32, #tpu.memory_space<hbm>>
      tpu.wait_dma2 semaphore(%run_scoped3A : memref<!tpu.dma_semaphore, #tpu.memory_space<semaphore_mem>>) src(%dma_wait3A_11 : memref<4096xi32, #tpu.memory_space<hbm>>) dst(%arg10 : memref<4096xi32, #tpu.memory_space<vmem>>)
      tpu.yield
    }) : () -> ()
    "tpu.region"() ({
      %run_scoped3A = tpu.sem_alloc : memref<!tpu.dma_semaphore, #tpu.memory_space<semaphore_mem>>
      %dma_start3A = arith.constant 0 : i32
      %dma_start3A_10 = tpu.memref_slice %arg2[%mul3A_2, %dma_start3A] : memref<65536x8xf32, #tpu.memory_space<hbm>> -> memref<4096x8xf32, #tpu.memory_space<hbm>>
      %dma_start3A_11 = arith.constant 0 : i32
      %dma_start3A_12 = tpu.memref_slice %arg2[%mul3A_2, %dma_start3A_11] : memref<65536x8xf32, #tpu.memory_space<hbm>> -> memref<4096x8xf32, #tpu.memory_space<hbm>>
      tpu.enqueue_dma source(%dma_start3A_12 : memref<4096x8xf32, #tpu.memory_space<hbm>>) target(%arg8 : memref<4096x8xf32, #tpu.memory_space<vmem>>) target_semaphore(%run_scoped3A : memref<!tpu.dma_semaphore, #tpu.memory_space<semaphore_mem>>)
      %dma_wait3A = arith.constant 0 : i32
      %dma_wait3A_13 = tpu.memref_slice %arg2[%mul3A_2, %dma_wait3A] : memref<65536x8xf32, #tpu.memory_space<hbm>> -> memref<4096x8xf32, #tpu.memory_space<hbm>>
      %dma_wait3A_14 = arith.constant 0 : i32
      %dma_wait3A_15 = tpu.memref_slice %arg2[%mul3A_2, %dma_wait3A_14] : memref<65536x8xf32, #tpu.memory_space<hbm>> -> memref<4096x8xf32, #tpu.memory_space<hbm>>
      tpu.wait_dma2 semaphore(%run_scoped3A : memref<!tpu.dma_semaphore, #tpu.memory_space<semaphore_mem>>) src(%dma_wait3A_15 : memref<4096x8xf32, #tpu.memory_space<hbm>>) dst(%arg8 : memref<4096x8xf32, #tpu.memory_space<vmem>>)
      tpu.yield
    }) : () -> ()
    "tpu.region"() ({
      %run_scoped3A = tpu.sem_alloc : memref<!tpu.dma_semaphore, #tpu.memory_space<semaphore_mem>>
      tpu.enqueue_dma source(%arg6 : memref<2048x8xf32, #tpu.memory_space<hbm>>) target(%arg12 : memref<2048x8xf32, #tpu.memory_space<vmem>>) target_semaphore(%run_scoped3A : memref<!tpu.dma_semaphore, #tpu.memory_space<semaphore_mem>>)
      tpu.wait_dma2 semaphore(%run_scoped3A : memref<!tpu.dma_semaphore, #tpu.memory_space<semaphore_mem>>) src(%arg6 : memref<2048x8xf32, #tpu.memory_space<hbm>>) dst(%arg12 : memref<2048x8xf32, #tpu.memory_space<vmem>>)
      tpu.yield
    }) : () -> ()
    %iota3A = tpu.iota {dimensions = array<i32: 0>} : vector<16xi32>
    %mul3A_3 = arith.constant 8192 : i32
    %mul3A_4 = arith.muli %arg1, %mul3A_3 : i32
    %scan3A = arith.constant 0 : i32
    %scan3A_5 = arith.constant 0 : i32
    %scan3A_6 = arith.constant 16 : i32
    %scan3A_7 = arith.addi %scan3A_5, %scan3A_6 : i32
    %scan3A_8 = arith.constant 1 : i32
    scf.for %scan3A_10 = %scan3A_5 to %scan3A_7 step %scan3A_8  : i32 {
      %mul3A_11 = arith.constant 16 : i32
      %mul3A_12 = arith.muli %arg0, %mul3A_11 : i32
      %add3A = arith.addi %mul3A_12, %scan3A_10 : i32
      %mul3A_13 = arith.constant 64 : i32
      %mul3A_14 = arith.muli %add3A, %mul3A_13 : i32
      %add3A_15 = arith.constant 0 : i32
      %add3A_16 = arith.addi %mul3A_4, %add3A_15 : i32
      "tpu.region"() ({
        %run_scoped3A_80 = tpu.sem_alloc : memref<!tpu.dma_semaphore, #tpu.memory_space<semaphore_mem>>
        %dma_start3A = arith.constant 0 : i32
        %dma_start3A_81 = tpu.memref_slice %arg14[%add3A_16, %dma_start3A] : memref<131584x8xf32, #tpu.memory_space<vmem_shared>> -> memref<2048x8xf32, #tpu.memory_space<vmem_shared>>
        %dma_start3A_82 = arith.constant 0 : i32
        %dma_start3A_83 = tpu.memref_slice %arg14[%add3A_16, %dma_start3A_82] : memref<131584x8xf32, #tpu.memory_space<vmem_shared>> -> memref<2048x8xf32, #tpu.memory_space<vmem_shared>>
        tpu.enqueue_dma source(%arg12 : memref<2048x8xf32, #tpu.memory_space<vmem>>) target(%dma_start3A_83 : memref<2048x8xf32, #tpu.memory_space<vmem_shared>>) target_semaphore(%run_scoped3A_80 : memref<!tpu.dma_semaphore, #tpu.memory_space<semaphore_mem>>)
        %dma_wait3A = arith.constant 0 : i32
        %dma_wait3A_84 = tpu.memref_slice %arg14[%add3A_16, %dma_wait3A] : memref<131584x8xf32, #tpu.memory_space<vmem_shared>> -> memref<2048x8xf32, #tpu.memory_space<vmem_shared>>
        %dma_wait3A_85 = arith.constant 0 : i32
        %dma_wait3A_86 = tpu.memref_slice %arg14[%add3A_16, %dma_wait3A_85] : memref<131584x8xf32, #tpu.memory_space<vmem_shared>> -> memref<2048x8xf32, #tpu.memory_space<vmem_shared>>
        tpu.wait_dma2 semaphore(%run_scoped3A_80 : memref<!tpu.dma_semaphore, #tpu.memory_space<semaphore_mem>>) src(%arg12 : memref<2048x8xf32, #tpu.memory_space<vmem>>) dst(%dma_wait3A_86 : memref<2048x8xf32, #tpu.memory_space<vmem_shared>>)
        tpu.yield
      }) : () -> ()
      %add3A_17 = arith.constant 2048 : i32
      %add3A_18 = arith.addi %mul3A_4, %add3A_17 : i32
      "tpu.region"() ({
        %run_scoped3A_80 = tpu.sem_alloc : memref<!tpu.dma_semaphore, #tpu.memory_space<semaphore_mem>>
        %dma_start3A = arith.constant 0 : i32
        %dma_start3A_81 = tpu.memref_slice %arg14[%add3A_18, %dma_start3A] : memref<131584x8xf32, #tpu.memory_space<vmem_shared>> -> memref<2048x8xf32, #tpu.memory_space<vmem_shared>>
        %dma_start3A_82 = arith.constant 0 : i32
        %dma_start3A_83 = tpu.memref_slice %arg14[%add3A_18, %dma_start3A_82] : memref<131584x8xf32, #tpu.memory_space<vmem_shared>> -> memref<2048x8xf32, #tpu.memory_space<vmem_shared>>
        tpu.enqueue_dma source(%arg12 : memref<2048x8xf32, #tpu.memory_space<vmem>>) target(%dma_start3A_83 : memref<2048x8xf32, #tpu.memory_space<vmem_shared>>) target_semaphore(%run_scoped3A_80 : memref<!tpu.dma_semaphore, #tpu.memory_space<semaphore_mem>>)
        %dma_wait3A = arith.constant 0 : i32
        %dma_wait3A_84 = tpu.memref_slice %arg14[%add3A_18, %dma_wait3A] : memref<131584x8xf32, #tpu.memory_space<vmem_shared>> -> memref<2048x8xf32, #tpu.memory_space<vmem_shared>>
        %dma_wait3A_85 = arith.constant 0 : i32
        %dma_wait3A_86 = tpu.memref_slice %arg14[%add3A_18, %dma_wait3A_85] : memref<131584x8xf32, #tpu.memory_space<vmem_shared>> -> memref<2048x8xf32, #tpu.memory_space<vmem_shared>>
        tpu.wait_dma2 semaphore(%run_scoped3A_80 : memref<!tpu.dma_semaphore, #tpu.memory_space<semaphore_mem>>) src(%arg12 : memref<2048x8xf32, #tpu.memory_space<vmem>>) dst(%dma_wait3A_86 : memref<2048x8xf32, #tpu.memory_space<vmem_shared>>)
        tpu.yield
      }) : () -> ()
      %add3A_19 = arith.constant 4096 : i32
      %add3A_20 = arith.addi %mul3A_4, %add3A_19 : i32
      "tpu.region"() ({
        %run_scoped3A_80 = tpu.sem_alloc : memref<!tpu.dma_semaphore, #tpu.memory_space<semaphore_mem>>
        %dma_start3A = arith.constant 0 : i32
        %dma_start3A_81 = tpu.memref_slice %arg14[%add3A_20, %dma_start3A] : memref<131584x8xf32, #tpu.memory_space<vmem_shared>> -> memref<2048x8xf32, #tpu.memory_space<vmem_shared>>
        %dma_start3A_82 = arith.constant 0 : i32
        %dma_start3A_83 = tpu.memref_slice %arg14[%add3A_20, %dma_start3A_82] : memref<131584x8xf32, #tpu.memory_space<vmem_shared>> -> memref<2048x8xf32, #tpu.memory_space<vmem_shared>>
        tpu.enqueue_dma source(%arg12 : memref<2048x8xf32, #tpu.memory_space<vmem>>) target(%dma_start3A_83 : memref<2048x8xf32, #tpu.memory_space<vmem_shared>>) target_semaphore(%run_scoped3A_80 : memref<!tpu.dma_semaphore, #tpu.memory_space<semaphore_mem>>)
        %dma_wait3A = arith.constant 0 : i32
        %dma_wait3A_84 = tpu.memref_slice %arg14[%add3A_20, %dma_wait3A] : memref<131584x8xf32, #tpu.memory_space<vmem_shared>> -> memref<2048x8xf32, #tpu.memory_space<vmem_shared>>
        %dma_wait3A_85 = arith.constant 0 : i32
        %dma_wait3A_86 = tpu.memref_slice %arg14[%add3A_20, %dma_wait3A_85] : memref<131584x8xf32, #tpu.memory_space<vmem_shared>> -> memref<2048x8xf32, #tpu.memory_space<vmem_shared>>
        tpu.wait_dma2 semaphore(%run_scoped3A_80 : memref<!tpu.dma_semaphore, #tpu.memory_space<semaphore_mem>>) src(%arg12 : memref<2048x8xf32, #tpu.memory_space<vmem>>) dst(%dma_wait3A_86 : memref<2048x8xf32, #tpu.memory_space<vmem_shared>>)
        tpu.yield
      }) : () -> ()
      %add3A_21 = arith.constant 6144 : i32
      %add3A_22 = arith.addi %mul3A_4, %add3A_21 : i32
      "tpu.region"() ({
        %run_scoped3A_80 = tpu.sem_alloc : memref<!tpu.dma_semaphore, #tpu.memory_space<semaphore_mem>>
        %dma_start3A = arith.constant 0 : i32
        %dma_start3A_81 = tpu.memref_slice %arg14[%add3A_22, %dma_start3A] : memref<131584x8xf32, #tpu.memory_space<vmem_shared>> -> memref<2048x8xf32, #tpu.memory_space<vmem_shared>>
        %dma_start3A_82 = arith.constant 0 : i32
        %dma_start3A_83 = tpu.memref_slice %arg14[%add3A_22, %dma_start3A_82] : memref<131584x8xf32, #tpu.memory_space<vmem_shared>> -> memref<2048x8xf32, #tpu.memory_space<vmem_shared>>
        tpu.enqueue_dma source(%arg12 : memref<2048x8xf32, #tpu.memory_space<vmem>>) target(%dma_start3A_83 : memref<2048x8xf32, #tpu.memory_space<vmem_shared>>) target_semaphore(%run_scoped3A_80 : memref<!tpu.dma_semaphore, #tpu.memory_space<semaphore_mem>>)
        %dma_wait3A = arith.constant 0 : i32
        %dma_wait3A_84 = tpu.memref_slice %arg14[%add3A_22, %dma_wait3A] : memref<131584x8xf32, #tpu.memory_space<vmem_shared>> -> memref<2048x8xf32, #tpu.memory_space<vmem_shared>>
        %dma_wait3A_85 = arith.constant 0 : i32
        %dma_wait3A_86 = tpu.memref_slice %arg14[%add3A_22, %dma_wait3A_85] : memref<131584x8xf32, #tpu.memory_space<vmem_shared>> -> memref<2048x8xf32, #tpu.memory_space<vmem_shared>>
        tpu.wait_dma2 semaphore(%run_scoped3A_80 : memref<!tpu.dma_semaphore, #tpu.memory_space<semaphore_mem>>) src(%arg12 : memref<2048x8xf32, #tpu.memory_space<vmem>>) dst(%dma_wait3A_86 : memref<2048x8xf32, #tpu.memory_space<vmem_shared>>)
        tpu.yield
      }) : () -> ()
      %barrier3A = arith.constant 0 : index
      tpu.barrier barrier_id(%barrier3A)
      %scan3A_23 = arith.constant 0 : i32
      %scan3A_24 = arith.constant 0 : i32
      %scan3A_25 = arith.constant 256 : i32
      %scan3A_26 = arith.addi %scan3A_24, %scan3A_25 : i32
      %scan3A_27 = arith.constant 1 : i32
      scf.for %scan3A_80 = %scan3A_24 to %scan3A_26 step %scan3A_27  : i32 {
        %mul3A_81 = arith.constant 16 : i32
        %mul3A_82 = arith.muli %scan3A_80, %mul3A_81 : i32
        %get3A_83 = arith.index_cast %mul3A_82 : i32 to index
        %get3A_84 = tpu.vector_load %arg9[%get3A_83] {strides = array<i32>} : memref<4096xi32, #tpu.memory_space<vmem>>, vector<16xi32>,
        %get3A_85 = vector.shape_cast %get3A_84 : vector<16xi32> to vector<16xi32>
        %sub3A = arith.subi %get3A_85, %get3A_1 : vector<16xi32>
        %sub3A_86 = vector.broadcast %mul3A_14 : i32 to vector<16xi32>
        %sub3A_87 = arith.subi %sub3A, %sub3A_86 : vector<16xi32>
        %mul3A_88 = arith.constant 16 : i32
        %mul3A_89 = arith.muli %scan3A_80, %mul3A_88 : i32
        %get3A_90 = arith.index_cast %mul3A_89 : i32 to index
        %get3A_91 = tpu.vector_load %arg10[%get3A_90] {strides = array<i32>} : memref<4096xi32, #tpu.memory_space<vmem>>, vector<16xi32>,
        %get3A_92 = vector.shape_cast %get3A_91 : vector<16xi32> to vector<16xi32>
        %sub3A_93 = arith.subi %get3A_92, %get3A_1 : vector<16xi32>
        %ge3A = arith.constant 0 : i32
        %ge3A_94 = vector.broadcast %ge3A : i32 to vector<16xi32>
        %ge3A_95 = arith.cmpi sge, %sub3A_87, %ge3A_94 : vector<16xi32>
        %lt3A = arith.constant 64 : i32
        %lt3A_96 = vector.broadcast %lt3A : i32 to vector<16xi32>
        %lt3A_97 = arith.cmpi slt, %sub3A_87, %lt3A_96 : vector<16xi32>
        %and3A = arith.andi %ge3A_95, %lt3A_97 : vector<16xi1>
        %mul3A_98 = arith.constant 2048 : i32
        %mul3A_99 = vector.broadcast %mul3A_98 : i32 to vector<16xi32>
        %mul3A_100 = arith.muli %sub3A_87, %mul3A_99 : vector<16xi32>
        %add3A_101 = arith.addi %mul3A_100, %sub3A_93 : vector<16xi32>
        %jit3A = arith.constant 32 : i32
        %eq3A = arith.constant 0 : i32
        %eq3A_102 = arith.cmpi eq, %jit3A, %eq3A : i32
        %jit3A_103 = arith.constant 1 : i32
        %select_n3A = arith.select %eq3A_102, %jit3A_103, %jit3A : i32
        %rem3A = arith.remsi %scan3A_80, %select_n3A : i32
        %ne3A = arith.constant 0 : i32
        %ne3A_104 = arith.cmpi ne, %rem3A, %ne3A : i32
        %lt3A_105 = arith.constant 0 : i32
        %lt3A_106 = arith.cmpi slt, %rem3A, %lt3A_105 : i32
        %lt3A_107 = arith.constant 0 : i32
        %lt3A_108 = arith.cmpi slt, %select_n3A, %lt3A_107 : i32
        %ne3A_109 = arith.xori %lt3A_106, %lt3A_108 : i1
        %and3A_110 = arith.andi %ne3A_109, %ne3A_104 : i1
        %add3A_111 = arith.addi %rem3A, %select_n3A : i32
        %select_n3A_112 = arith.select %and3A_110, %add3A_111, %rem3A : i32
        %mul3A_113 = arith.constant 16 : i32
        %mul3A_114 = arith.muli %select_n3A_112, %mul3A_113 : i32
        %add3A_115 = arith.constant 131072 : i32
        %add3A_116 = arith.addi %add3A_115, %mul3A_114 : i32
        %add3A_117 = vector.broadcast %add3A_116 : i32 to vector<16xi32>
        %add3A_118 = arith.addi %add3A_117, %iota3A : vector<16xi32>
        %select_n3A_119 = arith.select %and3A, %add3A_101, %add3A_118 : vector<16xi1>, vector<16xi32>
        %jit3A_120 = arith.constant 8 : i32
        %div3A = arith.divsi %scan3A_80, %jit3A_120 : i32
        %sign3A = arith.constant 0 : i32
        %sign3A_121 = arith.cmpi sgt, %scan3A_80, %sign3A : i32
        %sign3A_122 = arith.extui %sign3A_121 : i1 to i32
        %sign3A_123 = arith.constant 0 : i32
        %sign3A_124 = arith.cmpi slt, %scan3A_80, %sign3A_123 : i32
        %sign3A_125 = arith.extui %sign3A_124 : i1 to i32
        %sign3A_126 = arith.subi %sign3A_122, %sign3A_125 : i32
        %sign3A_127 = arith.constant 0 : i32
        %sign3A_128 = arith.cmpi sgt, %jit3A_120, %sign3A_127 : i32
        %sign3A_129 = arith.extui %sign3A_128 : i1 to i32
        %sign3A_130 = arith.constant 0 : i32
        %sign3A_131 = arith.cmpi slt, %jit3A_120, %sign3A_130 : i32
        %sign3A_132 = arith.extui %sign3A_131 : i1 to i32
        %sign3A_133 = arith.subi %sign3A_129, %sign3A_132 : i32
        %ne3A_134 = arith.cmpi ne, %sign3A_126, %sign3A_133 : i32
        %rem3A_135 = arith.remsi %scan3A_80, %jit3A_120 : i32
        %ne3A_136 = arith.constant 0 : i32
        %ne3A_137 = arith.cmpi ne, %rem3A_135, %ne3A_136 : i32
        %and3A_138 = arith.andi %ne3A_134, %ne3A_137 : i1
        %sub3A_139 = arith.constant 1 : i32
        %sub3A_140 = arith.subi %div3A, %sub3A_139 : i32
        %select_n3A_141 = arith.select %and3A_138, %sub3A_140, %div3A : i32
        %jit3A_142 = arith.constant 8 : i32
        %eq3A_143 = arith.constant 0 : i32
        %eq3A_144 = arith.cmpi eq, %jit3A_142, %eq3A_143 : i32
        %jit3A_145 = arith.constant 1 : i32
        %select_n3A_146 = arith.select %eq3A_144, %jit3A_145, %jit3A_142 : i32
        %rem3A_147 = arith.remsi %scan3A_80, %select_n3A_146 : i32
        %ne3A_148 = arith.constant 0 : i32
        %ne3A_149 = arith.cmpi ne, %rem3A_147, %ne3A_148 : i32
        %lt3A_150 = arith.constant 0 : i32
        %lt3A_151 = arith.cmpi slt, %rem3A_147, %lt3A_150 : i32
        %lt3A_152 = arith.constant 0 : i32
        %lt3A_153 = arith.cmpi slt, %select_n3A_146, %lt3A_152 : i32
        %ne3A_154 = arith.xori %lt3A_151, %lt3A_153 : i1
        %and3A_155 = arith.andi %ne3A_154, %ne3A_149 : i1
        %add3A_156 = arith.addi %rem3A_147, %select_n3A_146 : i32
        %select_n3A_157 = arith.select %and3A_155, %add3A_156, %rem3A_147 : i32
        %mul3A_158 = arith.constant 16 : i32
        %mul3A_159 = arith.muli %select_n3A_157, %mul3A_158 : i32
        %swap3A = arith.index_cast %select_n3A_141 : i32 to index
        %swap3A_160 = arith.index_cast %mul3A_159 : i32 to index
        %swap3A_161 = tpu.vector_load %arg11[%swap3A, %swap3A_160] {strides = array<i32>} : memref<32x128xi32, #tpu.memory_space<vmem>>, vector<1x16xi32>,
        %swap3A_162 = vector.shape_cast %swap3A_161 : vector<1x16xi32> to vector<16xi32>
        %swap3A_163 = vector.shape_cast %select_n3A_119 : vector<16xi32> to vector<1x16xi32>
        tpu.vector_store %arg11[%swap3A, %swap3A_160], %swap3A_163 {strides = array<i32>} : memref<32x128xi32, #tpu.memory_space<vmem>>, vector<1x16xi32>,
      }
      %scan3A_28 = arith.constant 256 : i32
      %run_scoped3A = arith.constant 0 : i32
      "tpu.region"() ({
        %run_scoped3A_80 = tpu.sem_alloc : memref<!tpu.dma_semaphore, #tpu.memory_space<semaphore_mem>>
        %dma_start3A = arith.constant 0 : i32
        %dma_start3A_81 = arith.constant 0 : i32
        %dma_start3A_82 = tpu.memref_slice %arg8[%dma_start3A, %dma_start3A_81] : memref<4096x8xf32, #tpu.memory_space<vmem>> -> memref<128x8xf32, #tpu.memory_space<vmem>>
        %dma_start3A_83 = arith.constant 0 : i32
        %dma_start3A_84 = tpu.memref_slice %arg11[%run_scoped3A, %dma_start3A_83] : memref<32x128xi32, #tpu.memory_space<vmem>> -> memref<1x128xi32, #tpu.memory_space<vmem>>
        %dma_start3A_85 = tpu.memref_squeeze %dma_start3A_84 : memref<1x128xi32, #tpu.memory_space<vmem>> -> memref<128xi32, #tpu.memory_space<vmem>>
        %dma_start3A_86 = arith.constant 0 : i32
        %dma_start3A_87 = arith.constant 0 : i32
        %dma_start3A_88 = tpu.memref_slice %arg14[%dma_start3A_86, %dma_start3A_87] : memref<131584x8xf32, #tpu.memory_space<vmem_shared>> -> memref<131584x8xf32, #tpu.memory_space<vmem_shared>>
        tpu.enqueue_indirect_dma source(%dma_start3A_82 : memref<128x8xf32, #tpu.memory_space<vmem>>) target(%dma_start3A_88 : memref<131584x8xf32, #tpu.memory_space<vmem_shared>>) offsets(%dma_start3A_85 : memref<128xi32, #tpu.memory_space<vmem>>) semaphore(%run_scoped3A_80 : memref<!tpu.dma_semaphore, #tpu.memory_space<semaphore_mem>>) {add = true}
        %dma_wait3A = arith.constant 0 : i32
        %dma_wait3A_89 = arith.constant 0 : i32
        %dma_wait3A_90 = tpu.memref_slice %arg8[%dma_wait3A, %dma_wait3A_89] : memref<4096x8xf32, #tpu.memory_space<vmem>> -> memref<128x8xf32, #tpu.memory_space<vmem>>
        %dma_wait3A_91 = arith.constant 0 : i32
        %dma_wait3A_92 = tpu.memref_slice %arg11[%run_scoped3A, %dma_wait3A_91] : memref<32x128xi32, #tpu.memory_space<vmem>> -> memref<1x128xi32, #tpu.memory_space<vmem>>
        %dma_wait3A_93 = tpu.memref_squeeze %dma_wait3A_92 : memref<1x128xi32, #tpu.memory_space<vmem>> -> memref<128xi32, #tpu.memory_space<vmem>>
        %dma_wait3A_94 = arith.constant 0 : i32
        %dma_wait3A_95 = arith.constant 0 : i32
        %dma_wait3A_96 = tpu.memref_slice %arg14[%dma_wait3A_94, %dma_wait3A_95] : memref<131584x8xf32, #tpu.memory_space<vmem_shared>> -> memref<131584x8xf32, #tpu.memory_space<vmem_shared>>
        tpu.wait_indirect_dma semaphore(%run_scoped3A_80 : memref<!tpu.dma_semaphore, #tpu.memory_space<semaphore_mem>>) src(%dma_wait3A_90 : memref<128x8xf32, #tpu.memory_space<vmem>>) dst(%dma_wait3A_96 : memref<131584x8xf32, #tpu.memory_space<vmem_shared>>)
        tpu.yield
      }) : () -> ()
      %run_scoped3A_29 = arith.constant 1 : i32
      "tpu.region"() ({
        %run_scoped3A_80 = tpu.sem_alloc : memref<!tpu.dma_semaphore, #tpu.memory_space<semaphore_mem>>
        %dma_start3A = arith.constant 128 : i32
        %dma_start3A_81 = arith.constant 0 : i32
        %dma_start3A_82 = tpu.memref_slice %arg8[%dma_start3A, %dma_start3A_81] : memref<4096x8xf32, #tpu.memory_space<vmem>> -> memref<128x8xf32, #tpu.memory_space<vmem>>
        %dma_start3A_83 = arith.constant 0 : i32
        %dma_start3A_84 = tpu.memref_slice %arg11[%run_scoped3A_29, %dma_start3A_83] : memref<32x128xi32, #tpu.memory_space<vmem>> -> memref<1x128xi32, #tpu.memory_space<vmem>>
        %dma_start3A_85 = tpu.memref_squeeze %dma_start3A_84 : memref<1x128xi32, #tpu.memory_space<vmem>> -> memref<128xi32, #tpu.memory_space<vmem>>
        %dma_start3A_86 = arith.constant 0 : i32
        %dma_start3A_87 = arith.constant 0 : i32
        %dma_start3A_88 = tpu.memref_slice %arg14[%dma_start3A_86, %dma_start3A_87] : memref<131584x8xf32, #tpu.memory_space<vmem_shared>> -> memref<131584x8xf32, #tpu.memory_space<vmem_shared>>
        tpu.enqueue_indirect_dma source(%dma_start3A_82 : memref<128x8xf32, #tpu.memory_space<vmem>>) target(%dma_start3A_88 : memref<131584x8xf32, #tpu.memory_space<vmem_shared>>) offsets(%dma_start3A_85 : memref<128xi32, #tpu.memory_space<vmem>>) semaphore(%run_scoped3A_80 : memref<!tpu.dma_semaphore, #tpu.memory_space<semaphore_mem>>) {add = true}
        %dma_wait3A = arith.constant 128 : i32
        %dma_wait3A_89 = arith.constant 0 : i32
        %dma_wait3A_90 = tpu.memref_slice %arg8[%dma_wait3A, %dma_wait3A_89] : memref<4096x8xf32, #tpu.memory_space<vmem>> -> memref<128x8xf32, #tpu.memory_space<vmem>>
        %dma_wait3A_91 = arith.constant 0 : i32
        %dma_wait3A_92 = tpu.memref_slice %arg11[%run_scoped3A_29, %dma_wait3A_91] : memref<32x128xi32, #tpu.memory_space<vmem>> -> memref<1x128xi32, #tpu.memory_space<vmem>>
        %dma_wait3A_93 = tpu.memref_squeeze %dma_wait3A_92 : memref<1x128xi32, #tpu.memory_space<vmem>> -> memref<128xi32, #tpu.memory_space<vmem>>
        %dma_wait3A_94 = arith.constant 0 : i32
        %dma_wait3A_95 = arith.constant 0 : i32
        %dma_wait3A_96 = tpu.memref_slice %arg14[%dma_wait3A_94, %dma_wait3A_95] : memref<131584x8xf32, #tpu.memory_space<vmem_shared>> -> memref<131584x8xf32, #tpu.memory_space<vmem_shared>>
        tpu.wait_indirect_dma semaphore(%run_scoped3A_80 : memref<!tpu.dma_semaphore, #tpu.memory_space<semaphore_mem>>) src(%dma_wait3A_90 : memref<128x8xf32, #tpu.memory_space<vmem>>) dst(%dma_wait3A_96 : memref<131584x8xf32, #tpu.memory_space<vmem_shared>>)
        tpu.yield
      }) : () -> ()
      %run_scoped3A_30 = arith.constant 2 : i32
      "tpu.region"() ({
        %run_scoped3A_80 = tpu.sem_alloc : memref<!tpu.dma_semaphore, #tpu.memory_space<semaphore_mem>>
        %dma_start3A = arith.constant 256 : i32
        %dma_start3A_81 = arith.constant 0 : i32
        %dma_start3A_82 = tpu.memref_slice %arg8[%dma_start3A, %dma_start3A_81] : memref<4096x8xf32, #tpu.memory_space<vmem>> -> memref<128x8xf32, #tpu.memory_space<vmem>>
        %dma_start3A_83 = arith.constant 0 : i32
        %dma_start3A_84 = tpu.memref_slice %arg11[%run_scoped3A_30, %dma_start3A_83] : memref<32x128xi32, #tpu.memory_space<vmem>> -> memref<1x128xi32, #tpu.memory_space<vmem>>
        %dma_start3A_85 = tpu.memref_squeeze %dma_start3A_84 : memref<1x128xi32, #tpu.memory_space<vmem>> -> memref<128xi32, #tpu.memory_space<vmem>>
        %dma_start3A_86 = arith.constant 0 : i32
        %dma_start3A_87 = arith.constant 0 : i32
        %dma_start3A_88 = tpu.memref_slice %arg14[%dma_start3A_86, %dma_start3A_87] : memref<131584x8xf32, #tpu.memory_space<vmem_shared>> -> memref<131584x8xf32, #tpu.memory_space<vmem_shared>>
        tpu.enqueue_indirect_dma source(%dma_start3A_82 : memref<128x8xf32, #tpu.memory_space<vmem>>) target(%dma_start3A_88 : memref<131584x8xf32, #tpu.memory_space<vmem_shared>>) offsets(%dma_start3A_85 : memref<128xi32, #tpu.memory_space<vmem>>) semaphore(%run_scoped3A_80 : memref<!tpu.dma_semaphore, #tpu.memory_space<semaphore_mem>>) {add = true}
        %dma_wait3A = arith.constant 256 : i32
        %dma_wait3A_89 = arith.constant 0 : i32
        %dma_wait3A_90 = tpu.memref_slice %arg8[%dma_wait3A, %dma_wait3A_89] : memref<4096x8xf32, #tpu.memory_space<vmem>> -> memref<128x8xf32, #tpu.memory_space<vmem>>
        %dma_wait3A_91 = arith.constant 0 : i32
        %dma_wait3A_92 = tpu.memref_slice %arg11[%run_scoped3A_30, %dma_wait3A_91] : memref<32x128xi32, #tpu.memory_space<vmem>> -> memref<1x128xi32, #tpu.memory_space<vmem>>
        %dma_wait3A_93 = tpu.memref_squeeze %dma_wait3A_92 : memref<1x128xi32, #tpu.memory_space<vmem>> -> memref<128xi32, #tpu.memory_space<vmem>>
        %dma_wait3A_94 = arith.constant 0 : i32
        %dma_wait3A_95 = arith.constant 0 : i32
        %dma_wait3A_96 = tpu.memref_slice %arg14[%dma_wait3A_94, %dma_wait3A_95] : memref<131584x8xf32, #tpu.memory_space<vmem_shared>> -> memref<131584x8xf32, #tpu.memory_space<vmem_shared>>
        tpu.wait_indirect_dma semaphore(%run_scoped3A_80 : memref<!tpu.dma_semaphore, #tpu.memory_space<semaphore_mem>>) src(%dma_wait3A_90 : memref<128x8xf32, #tpu.memory_space<vmem>>) dst(%dma_wait3A_96 : memref<131584x8xf32, #tpu.memory_space<vmem_shared>>)
        tpu.yield
      }) : () -> ()
      %run_scoped3A_31 = arith.constant 3 : i32
      "tpu.region"() ({
        %run_scoped3A_80 = tpu.sem_alloc : memref<!tpu.dma_semaphore, #tpu.memory_space<semaphore_mem>>
        %dma_start3A = arith.constant 384 : i32
        %dma_start3A_81 = arith.constant 0 : i32
        %dma_start3A_82 = tpu.memref_slice %arg8[%dma_start3A, %dma_start3A_81] : memref<4096x8xf32, #tpu.memory_space<vmem>> -> memref<128x8xf32, #tpu.memory_space<vmem>>
        %dma_start3A_83 = arith.constant 0 : i32
        %dma_start3A_84 = tpu.memref_slice %arg11[%run_scoped3A_31, %dma_start3A_83] : memref<32x128xi32, #tpu.memory_space<vmem>> -> memref<1x128xi32, #tpu.memory_space<vmem>>
        %dma_start3A_85 = tpu.memref_squeeze %dma_start3A_84 : memref<1x128xi32, #tpu.memory_space<vmem>> -> memref<128xi32, #tpu.memory_space<vmem>>
        %dma_start3A_86 = arith.constant 0 : i32
        %dma_start3A_87 = arith.constant 0 : i32
        %dma_start3A_88 = tpu.memref_slice %arg14[%dma_start3A_86, %dma_start3A_87] : memref<131584x8xf32, #tpu.memory_space<vmem_shared>> -> memref<131584x8xf32, #tpu.memory_space<vmem_shared>>
        tpu.enqueue_indirect_dma source(%dma_start3A_82 : memref<128x8xf32, #tpu.memory_space<vmem>>) target(%dma_start3A_88 : memref<131584x8xf32, #tpu.memory_space<vmem_shared>>) offsets(%dma_start3A_85 : memref<128xi32, #tpu.memory_space<vmem>>) semaphore(%run_scoped3A_80 : memref<!tpu.dma_semaphore, #tpu.memory_space<semaphore_mem>>) {add = true}
        %dma_wait3A = arith.constant 384 : i32
        %dma_wait3A_89 = arith.constant 0 : i32
        %dma_wait3A_90 = tpu.memref_slice %arg8[%dma_wait3A, %dma_wait3A_89] : memref<4096x8xf32, #tpu.memory_space<vmem>> -> memref<128x8xf32, #tpu.memory_space<vmem>>
        %dma_wait3A_91 = arith.constant 0 : i32
        %dma_wait3A_92 = tpu.memref_slice %arg11[%run_scoped3A_31, %dma_wait3A_91] : memref<32x128xi32, #tpu.memory_space<vmem>> -> memref<1x128xi32, #tpu.memory_space<vmem>>
        %dma_wait3A_93 = tpu.memref_squeeze %dma_wait3A_92 : memref<1x128xi32, #tpu.memory_space<vmem>> -> memref<128xi32, #tpu.memory_space<vmem>>
        %dma_wait3A_94 = arith.constant 0 : i32
        %dma_wait3A_95 = arith.constant 0 : i32
        %dma_wait3A_96 = tpu.memref_slice %arg14[%dma_wait3A_94, %dma_wait3A_95] : memref<131584x8xf32, #tpu.memory_space<vmem_shared>> -> memref<131584x8xf32, #tpu.memory_space<vmem_shared>>
        tpu.wait_indirect_dma semaphore(%run_scoped3A_80 : memref<!tpu.dma_semaphore, #tpu.memory_space<semaphore_mem>>) src(%dma_wait3A_90 : memref<128x8xf32, #tpu.memory_space<vmem>>) dst(%dma_wait3A_96 : memref<131584x8xf32, #tpu.memory_space<vmem_shared>>)
        tpu.yield
      }) : () -> ()
      %run_scoped3A_32 = arith.constant 4 : i32
      "tpu.region"() ({
        %run_scoped3A_80 = tpu.sem_alloc : memref<!tpu.dma_semaphore, #tpu.memory_space<semaphore_mem>>
        %dma_start3A = arith.constant 512 : i32
        %dma_start3A_81 = arith.constant 0 : i32
        %dma_start3A_82 = tpu.memref_slice %arg8[%dma_start3A, %dma_start3A_81] : memref<4096x8xf32, #tpu.memory_space<vmem>> -> memref<128x8xf32, #tpu.memory_space<vmem>>
        %dma_start3A_83 = arith.constant 0 : i32
        %dma_start3A_84 = tpu.memref_slice %arg11[%run_scoped3A_32, %dma_start3A_83] : memref<32x128xi32, #tpu.memory_space<vmem>> -> memref<1x128xi32, #tpu.memory_space<vmem>>
        %dma_start3A_85 = tpu.memref_squeeze %dma_start3A_84 : memref<1x128xi32, #tpu.memory_space<vmem>> -> memref<128xi32, #tpu.memory_space<vmem>>
        %dma_start3A_86 = arith.constant 0 : i32
        %dma_start3A_87 = arith.constant 0 : i32
        %dma_start3A_88 = tpu.memref_slice %arg14[%dma_start3A_86, %dma_start3A_87] : memref<131584x8xf32, #tpu.memory_space<vmem_shared>> -> memref<131584x8xf32, #tpu.memory_space<vmem_shared>>
        tpu.enqueue_indirect_dma source(%dma_start3A_82 : memref<128x8xf32, #tpu.memory_space<vmem>>) target(%dma_start3A_88 : memref<131584x8xf32, #tpu.memory_space<vmem_shared>>) offsets(%dma_start3A_85 : memref<128xi32, #tpu.memory_space<vmem>>) semaphore(%run_scoped3A_80 : memref<!tpu.dma_semaphore, #tpu.memory_space<semaphore_mem>>) {add = true}
        %dma_wait3A = arith.constant 512 : i32
        %dma_wait3A_89 = arith.constant 0 : i32
        %dma_wait3A_90 = tpu.memref_slice %arg8[%dma_wait3A, %dma_wait3A_89] : memref<4096x8xf32, #tpu.memory_space<vmem>> -> memref<128x8xf32, #tpu.memory_space<vmem>>
        %dma_wait3A_91 = arith.constant 0 : i32
        %dma_wait3A_92 = tpu.memref_slice %arg11[%run_scoped3A_32, %dma_wait3A_91] : memref<32x128xi32, #tpu.memory_space<vmem>> -> memref<1x128xi32, #tpu.memory_space<vmem>>
        %dma_wait3A_93 = tpu.memref_squeeze %dma_wait3A_92 : memref<1x128xi32, #tpu.memory_space<vmem>> -> memref<128xi32, #tpu.memory_space<vmem>>
        %dma_wait3A_94 = arith.constant 0 : i32
        %dma_wait3A_95 = arith.constant 0 : i32
        %dma_wait3A_96 = tpu.memref_slice %arg14[%dma_wait3A_94, %dma_wait3A_95] : memref<131584x8xf32, #tpu.memory_space<vmem_shared>> -> memref<131584x8xf32, #tpu.memory_space<vmem_shared>>
        tpu.wait_indirect_dma semaphore(%run_scoped3A_80 : memref<!tpu.dma_semaphore, #tpu.memory_space<semaphore_mem>>) src(%dma_wait3A_90 : memref<128x8xf32, #tpu.memory_space<vmem>>) dst(%dma_wait3A_96 : memref<131584x8xf32, #tpu.memory_space<vmem_shared>>)
        tpu.yield
      }) : () -> ()
      %run_scoped3A_33 = arith.constant 5 : i32
      "tpu.region"() ({
        %run_scoped3A_80 = tpu.sem_alloc : memref<!tpu.dma_semaphore, #tpu.memory_space<semaphore_mem>>
        %dma_start3A = arith.constant 640 : i32
        %dma_start3A_81 = arith.constant 0 : i32
        %dma_start3A_82 = tpu.memref_slice %arg8[%dma_start3A, %dma_start3A_81] : memref<4096x8xf32, #tpu.memory_space<vmem>> -> memref<128x8xf32, #tpu.memory_space<vmem>>
        %dma_start3A_83 = arith.constant 0 : i32
        %dma_start3A_84 = tpu.memref_slice %arg11[%run_scoped3A_33, %dma_start3A_83] : memref<32x128xi32, #tpu.memory_space<vmem>> -> memref<1x128xi32, #tpu.memory_space<vmem>>
        %dma_start3A_85 = tpu.memref_squeeze %dma_start3A_84 : memref<1x128xi32, #tpu.memory_space<vmem>> -> memref<128xi32, #tpu.memory_space<vmem>>
        %dma_start3A_86 = arith.constant 0 : i32
        %dma_start3A_87 = arith.constant 0 : i32
        %dma_start3A_88 = tpu.memref_slice %arg14[%dma_start3A_86, %dma_start3A_87] : memref<131584x8xf32, #tpu.memory_space<vmem_shared>> -> memref<131584x8xf32, #tpu.memory_space<vmem_shared>>
        tpu.enqueue_indirect_dma source(%dma_start3A_82 : memref<128x8xf32, #tpu.memory_space<vmem>>) target(%dma_start3A_88 : memref<131584x8xf32, #tpu.memory_space<vmem_shared>>) offsets(%dma_start3A_85 : memref<128xi32, #tpu.memory_space<vmem>>) semaphore(%run_scoped3A_80 : memref<!tpu.dma_semaphore, #tpu.memory_space<semaphore_mem>>) {add = true}
        %dma_wait3A = arith.constant 640 : i32
        %dma_wait3A_89 = arith.constant 0 : i32
        %dma_wait3A_90 = tpu.memref_slice %arg8[%dma_wait3A, %dma_wait3A_89] : memref<4096x8xf32, #tpu.memory_space<vmem>> -> memref<128x8xf32, #tpu.memory_space<vmem>>
        %dma_wait3A_91 = arith.constant 0 : i32
        %dma_wait3A_92 = tpu.memref_slice %arg11[%run_scoped3A_33, %dma_wait3A_91] : memref<32x128xi32, #tpu.memory_space<vmem>> -> memref<1x128xi32, #tpu.memory_space<vmem>>
        %dma_wait3A_93 = tpu.memref_squeeze %dma_wait3A_92 : memref<1x128xi32, #tpu.memory_space<vmem>> -> memref<128xi32, #tpu.memory_space<vmem>>
        %dma_wait3A_94 = arith.constant 0 : i32
        %dma_wait3A_95 = arith.constant 0 : i32
        %dma_wait3A_96 = tpu.memref_slice %arg14[%dma_wait3A_94, %dma_wait3A_95] : memref<131584x8xf32, #tpu.memory_space<vmem_shared>> -> memref<131584x8xf32, #tpu.memory_space<vmem_shared>>
        tpu.wait_indirect_dma semaphore(%run_scoped3A_80 : memref<!tpu.dma_semaphore, #tpu.memory_space<semaphore_mem>>) src(%dma_wait3A_90 : memref<128x8xf32, #tpu.memory_space<vmem>>) dst(%dma_wait3A_96 : memref<131584x8xf32, #tpu.memory_space<vmem_shared>>)
        tpu.yield
      }) : () -> ()
      %run_scoped3A_34 = arith.constant 6 : i32
      "tpu.region"() ({
        %run_scoped3A_80 = tpu.sem_alloc : memref<!tpu.dma_semaphore, #tpu.memory_space<semaphore_mem>>
        %dma_start3A = arith.constant 768 : i32
        %dma_start3A_81 = arith.constant 0 : i32
        %dma_start3A_82 = tpu.memref_slice %arg8[%dma_start3A, %dma_start3A_81] : memref<4096x8xf32, #tpu.memory_space<vmem>> -> memref<128x8xf32, #tpu.memory_space<vmem>>
        %dma_start3A_83 = arith.constant 0 : i32
        %dma_start3A_84 = tpu.memref_slice %arg11[%run_scoped3A_34, %dma_start3A_83] : memref<32x128xi32, #tpu.memory_space<vmem>> -> memref<1x128xi32, #tpu.memory_space<vmem>>
        %dma_start3A_85 = tpu.memref_squeeze %dma_start3A_84 : memref<1x128xi32, #tpu.memory_space<vmem>> -> memref<128xi32, #tpu.memory_space<vmem>>
        %dma_start3A_86 = arith.constant 0 : i32
        %dma_start3A_87 = arith.constant 0 : i32
        %dma_start3A_88 = tpu.memref_slice %arg14[%dma_start3A_86, %dma_start3A_87] : memref<131584x8xf32, #tpu.memory_space<vmem_shared>> -> memref<131584x8xf32, #tpu.memory_space<vmem_shared>>
        tpu.enqueue_indirect_dma source(%dma_start3A_82 : memref<128x8xf32, #tpu.memory_space<vmem>>) target(%dma_start3A_88 : memref<131584x8xf32, #tpu.memory_space<vmem_shared>>) offsets(%dma_start3A_85 : memref<128xi32, #tpu.memory_space<vmem>>) semaphore(%run_scoped3A_80 : memref<!tpu.dma_semaphore, #tpu.memory_space<semaphore_mem>>) {add = true}
        %dma_wait3A = arith.constant 768 : i32
        %dma_wait3A_89 = arith.constant 0 : i32
        %dma_wait3A_90 = tpu.memref_slice %arg8[%dma_wait3A, %dma_wait3A_89] : memref<4096x8xf32, #tpu.memory_space<vmem>> -> memref<128x8xf32, #tpu.memory_space<vmem>>
        %dma_wait3A_91 = arith.constant 0 : i32
        %dma_wait3A_92 = tpu.memref_slice %arg11[%run_scoped3A_34, %dma_wait3A_91] : memref<32x128xi32, #tpu.memory_space<vmem>> -> memref<1x128xi32, #tpu.memory_space<vmem>>
        %dma_wait3A_93 = tpu.memref_squeeze %dma_wait3A_92 : memref<1x128xi32, #tpu.memory_space<vmem>> -> memref<128xi32, #tpu.memory_space<vmem>>
        %dma_wait3A_94 = arith.constant 0 : i32
        %dma_wait3A_95 = arith.constant 0 : i32
        %dma_wait3A_96 = tpu.memref_slice %arg14[%dma_wait3A_94, %dma_wait3A_95] : memref<131584x8xf32, #tpu.memory_space<vmem_shared>> -> memref<131584x8xf32, #tpu.memory_space<vmem_shared>>
        tpu.wait_indirect_dma semaphore(%run_scoped3A_80 : memref<!tpu.dma_semaphore, #tpu.memory_space<semaphore_mem>>) src(%dma_wait3A_90 : memref<128x8xf32, #tpu.memory_space<vmem>>) dst(%dma_wait3A_96 : memref<131584x8xf32, #tpu.memory_space<vmem_shared>>)
        tpu.yield
      }) : () -> ()
      %run_scoped3A_35 = arith.constant 7 : i32
      "tpu.region"() ({
        %run_scoped3A_80 = tpu.sem_alloc : memref<!tpu.dma_semaphore, #tpu.memory_space<semaphore_mem>>
        %dma_start3A = arith.constant 896 : i32
        %dma_start3A_81 = arith.constant 0 : i32
        %dma_start3A_82 = tpu.memref_slice %arg8[%dma_start3A, %dma_start3A_81] : memref<4096x8xf32, #tpu.memory_space<vmem>> -> memref<128x8xf32, #tpu.memory_space<vmem>>
        %dma_start3A_83 = arith.constant 0 : i32
        %dma_start3A_84 = tpu.memref_slice %arg11[%run_scoped3A_35, %dma_start3A_83] : memref<32x128xi32, #tpu.memory_space<vmem>> -> memref<1x128xi32, #tpu.memory_space<vmem>>
        %dma_start3A_85 = tpu.memref_squeeze %dma_start3A_84 : memref<1x128xi32, #tpu.memory_space<vmem>> -> memref<128xi32, #tpu.memory_space<vmem>>
        %dma_start3A_86 = arith.constant 0 : i32
        %dma_start3A_87 = arith.constant 0 : i32
        %dma_start3A_88 = tpu.memref_slice %arg14[%dma_start3A_86, %dma_start3A_87] : memref<131584x8xf32, #tpu.memory_space<vmem_shared>> -> memref<131584x8xf32, #tpu.memory_space<vmem_shared>>
        tpu.enqueue_indirect_dma source(%dma_start3A_82 : memref<128x8xf32, #tpu.memory_space<vmem>>) target(%dma_start3A_88 : memref<131584x8xf32, #tpu.memory_space<vmem_shared>>) offsets(%dma_start3A_85 : memref<128xi32, #tpu.memory_space<vmem>>) semaphore(%run_scoped3A_80 : memref<!tpu.dma_semaphore, #tpu.memory_space<semaphore_mem>>) {add = true}
        %dma_wait3A = arith.constant 896 : i32
        %dma_wait3A_89 = arith.constant 0 : i32
        %dma_wait3A_90 = tpu.memref_slice %arg8[%dma_wait3A, %dma_wait3A_89] : memref<4096x8xf32, #tpu.memory_space<vmem>> -> memref<128x8xf32, #tpu.memory_space<vmem>>
        %dma_wait3A_91 = arith.constant 0 : i32
        %dma_wait3A_92 = tpu.memref_slice %arg11[%run_scoped3A_35, %dma_wait3A_91] : memref<32x128xi32, #tpu.memory_space<vmem>> -> memref<1x128xi32, #tpu.memory_space<vmem>>
        %dma_wait3A_93 = tpu.memref_squeeze %dma_wait3A_92 : memref<1x128xi32, #tpu.memory_space<vmem>> -> memref<128xi32, #tpu.memory_space<vmem>>
        %dma_wait3A_94 = arith.constant 0 : i32
        %dma_wait3A_95 = arith.constant 0 : i32
        %dma_wait3A_96 = tpu.memref_slice %arg14[%dma_wait3A_94, %dma_wait3A_95] : memref<131584x8xf32, #tpu.memory_space<vmem_shared>> -> memref<131584x8xf32, #tpu.memory_space<vmem_shared>>
        tpu.wait_indirect_dma semaphore(%run_scoped3A_80 : memref<!tpu.dma_semaphore, #tpu.memory_space<semaphore_mem>>) src(%dma_wait3A_90 : memref<128x8xf32, #tpu.memory_space<vmem>>) dst(%dma_wait3A_96 : memref<131584x8xf32, #tpu.memory_space<vmem_shared>>)
        tpu.yield
      }) : () -> ()
      %run_scoped3A_36 = arith.constant 8 : i32
      "tpu.region"() ({
        %run_scoped3A_80 = tpu.sem_alloc : memref<!tpu.dma_semaphore, #tpu.memory_space<semaphore_mem>>
        %dma_start3A = arith.constant 1024 : i32
        %dma_start3A_81 = arith.constant 0 : i32
        %dma_start3A_82 = tpu.memref_slice %arg8[%dma_start3A, %dma_start3A_81] : memref<4096x8xf32, #tpu.memory_space<vmem>> -> memref<128x8xf32, #tpu.memory_space<vmem>>
        %dma_start3A_83 = arith.constant 0 : i32
        %dma_start3A_84 = tpu.memref_slice %arg11[%run_scoped3A_36, %dma_start3A_83] : memref<32x128xi32, #tpu.memory_space<vmem>> -> memref<1x128xi32, #tpu.memory_space<vmem>>
        %dma_start3A_85 = tpu.memref_squeeze %dma_start3A_84 : memref<1x128xi32, #tpu.memory_space<vmem>> -> memref<128xi32, #tpu.memory_space<vmem>>
        %dma_start3A_86 = arith.constant 0 : i32
        %dma_start3A_87 = arith.constant 0 : i32
        %dma_start3A_88 = tpu.memref_slice %arg14[%dma_start3A_86, %dma_start3A_87] : memref<131584x8xf32, #tpu.memory_space<vmem_shared>> -> memref<131584x8xf32, #tpu.memory_space<vmem_shared>>
        tpu.enqueue_indirect_dma source(%dma_start3A_82 : memref<128x8xf32, #tpu.memory_space<vmem>>) target(%dma_start3A_88 : memref<131584x8xf32, #tpu.memory_space<vmem_shared>>) offsets(%dma_start3A_85 : memref<128xi32, #tpu.memory_space<vmem>>) semaphore(%run_scoped3A_80 : memref<!tpu.dma_semaphore, #tpu.memory_space<semaphore_mem>>) {add = true}
        %dma_wait3A = arith.constant 1024 : i32
        %dma_wait3A_89 = arith.constant 0 : i32
        %dma_wait3A_90 = tpu.memref_slice %arg8[%dma_wait3A, %dma_wait3A_89] : memref<4096x8xf32, #tpu.memory_space<vmem>> -> memref<128x8xf32, #tpu.memory_space<vmem>>
        %dma_wait3A_91 = arith.constant 0 : i32
        %dma_wait3A_92 = tpu.memref_slice %arg11[%run_scoped3A_36, %dma_wait3A_91] : memref<32x128xi32, #tpu.memory_space<vmem>> -> memref<1x128xi32, #tpu.memory_space<vmem>>
        %dma_wait3A_93 = tpu.memref_squeeze %dma_wait3A_92 : memref<1x128xi32, #tpu.memory_space<vmem>> -> memref<128xi32, #tpu.memory_space<vmem>>
        %dma_wait3A_94 = arith.constant 0 : i32
        %dma_wait3A_95 = arith.constant 0 : i32
        %dma_wait3A_96 = tpu.memref_slice %arg14[%dma_wait3A_94, %dma_wait3A_95] : memref<131584x8xf32, #tpu.memory_space<vmem_shared>> -> memref<131584x8xf32, #tpu.memory_space<vmem_shared>>
        tpu.wait_indirect_dma semaphore(%run_scoped3A_80 : memref<!tpu.dma_semaphore, #tpu.memory_space<semaphore_mem>>) src(%dma_wait3A_90 : memref<128x8xf32, #tpu.memory_space<vmem>>) dst(%dma_wait3A_96 : memref<131584x8xf32, #tpu.memory_space<vmem_shared>>)
        tpu.yield
      }) : () -> ()
      %run_scoped3A_37 = arith.constant 9 : i32
      "tpu.region"() ({
        %run_scoped3A_80 = tpu.sem_alloc : memref<!tpu.dma_semaphore, #tpu.memory_space<semaphore_mem>>
        %dma_start3A = arith.constant 1152 : i32
        %dma_start3A_81 = arith.constant 0 : i32
        %dma_start3A_82 = tpu.memref_slice %arg8[%dma_start3A, %dma_start3A_81] : memref<4096x8xf32, #tpu.memory_space<vmem>> -> memref<128x8xf32, #tpu.memory_space<vmem>>
        %dma_start3A_83 = arith.constant 0 : i32
        %dma_start3A_84 = tpu.memref_slice %arg11[%run_scoped3A_37, %dma_start3A_83] : memref<32x128xi32, #tpu.memory_space<vmem>> -> memref<1x128xi32, #tpu.memory_space<vmem>>
        %dma_start3A_85 = tpu.memref_squeeze %dma_start3A_84 : memref<1x128xi32, #tpu.memory_space<vmem>> -> memref<128xi32, #tpu.memory_space<vmem>>
        %dma_start3A_86 = arith.constant 0 : i32
        %dma_start3A_87 = arith.constant 0 : i32
        %dma_start3A_88 = tpu.memref_slice %arg14[%dma_start3A_86, %dma_start3A_87] : memref<131584x8xf32, #tpu.memory_space<vmem_shared>> -> memref<131584x8xf32, #tpu.memory_space<vmem_shared>>
        tpu.enqueue_indirect_dma source(%dma_start3A_82 : memref<128x8xf32, #tpu.memory_space<vmem>>) target(%dma_start3A_88 : memref<131584x8xf32, #tpu.memory_space<vmem_shared>>) offsets(%dma_start3A_85 : memref<128xi32, #tpu.memory_space<vmem>>) semaphore(%run_scoped3A_80 : memref<!tpu.dma_semaphore, #tpu.memory_space<semaphore_mem>>) {add = true}
        %dma_wait3A = arith.constant 1152 : i32
        %dma_wait3A_89 = arith.constant 0 : i32
        %dma_wait3A_90 = tpu.memref_slice %arg8[%dma_wait3A, %dma_wait3A_89] : memref<4096x8xf32, #tpu.memory_space<vmem>> -> memref<128x8xf32, #tpu.memory_space<vmem>>
        %dma_wait3A_91 = arith.constant 0 : i32
        %dma_wait3A_92 = tpu.memref_slice %arg11[%run_scoped3A_37, %dma_wait3A_91] : memref<32x128xi32, #tpu.memory_space<vmem>> -> memref<1x128xi32, #tpu.memory_space<vmem>>
        %dma_wait3A_93 = tpu.memref_squeeze %dma_wait3A_92 : memref<1x128xi32, #tpu.memory_space<vmem>> -> memref<128xi32, #tpu.memory_space<vmem>>
        %dma_wait3A_94 = arith.constant 0 : i32
        %dma_wait3A_95 = arith.constant 0 : i32
        %dma_wait3A_96 = tpu.memref_slice %arg14[%dma_wait3A_94, %dma_wait3A_95] : memref<131584x8xf32, #tpu.memory_space<vmem_shared>> -> memref<131584x8xf32, #tpu.memory_space<vmem_shared>>
        tpu.wait_indirect_dma semaphore(%run_scoped3A_80 : memref<!tpu.dma_semaphore, #tpu.memory_space<semaphore_mem>>) src(%dma_wait3A_90 : memref<128x8xf32, #tpu.memory_space<vmem>>) dst(%dma_wait3A_96 : memref<131584x8xf32, #tpu.memory_space<vmem_shared>>)
        tpu.yield
      }) : () -> ()
      %run_scoped3A_38 = arith.constant 10 : i32
      "tpu.region"() ({
        %run_scoped3A_80 = tpu.sem_alloc : memref<!tpu.dma_semaphore, #tpu.memory_space<semaphore_mem>>
        %dma_start3A = arith.constant 1280 : i32
        %dma_start3A_81 = arith.constant 0 : i32
        %dma_start3A_82 = tpu.memref_slice %arg8[%dma_start3A, %dma_start3A_81] : memref<4096x8xf32, #tpu.memory_space<vmem>> -> memref<128x8xf32, #tpu.memory_space<vmem>>
        %dma_start3A_83 = arith.constant 0 : i32
        %dma_start3A_84 = tpu.memref_slice %arg11[%run_scoped3A_38, %dma_start3A_83] : memref<32x128xi32, #tpu.memory_space<vmem>> -> memref<1x128xi32, #tpu.memory_space<vmem>>
        %dma_start3A_85 = tpu.memref_squeeze %dma_start3A_84 : memref<1x128xi32, #tpu.memory_space<vmem>> -> memref<128xi32, #tpu.memory_space<vmem>>
        %dma_start3A_86 = arith.constant 0 : i32
        %dma_start3A_87 = arith.constant 0 : i32
        %dma_start3A_88 = tpu.memref_slice %arg14[%dma_start3A_86, %dma_start3A_87] : memref<131584x8xf32, #tpu.memory_space<vmem_shared>> -> memref<131584x8xf32, #tpu.memory_space<vmem_shared>>
        tpu.enqueue_indirect_dma source(%dma_start3A_82 : memref<128x8xf32, #tpu.memory_space<vmem>>) target(%dma_start3A_88 : memref<131584x8xf32, #tpu.memory_space<vmem_shared>>) offsets(%dma_start3A_85 : memref<128xi32, #tpu.memory_space<vmem>>) semaphore(%run_scoped3A_80 : memref<!tpu.dma_semaphore, #tpu.memory_space<semaphore_mem>>) {add = true}
        %dma_wait3A = arith.constant 1280 : i32
        %dma_wait3A_89 = arith.constant 0 : i32
        %dma_wait3A_90 = tpu.memref_slice %arg8[%dma_wait3A, %dma_wait3A_89] : memref<4096x8xf32, #tpu.memory_space<vmem>> -> memref<128x8xf32, #tpu.memory_space<vmem>>
        %dma_wait3A_91 = arith.constant 0 : i32
        %dma_wait3A_92 = tpu.memref_slice %arg11[%run_scoped3A_38, %dma_wait3A_91] : memref<32x128xi32, #tpu.memory_space<vmem>> -> memref<1x128xi32, #tpu.memory_space<vmem>>
        %dma_wait3A_93 = tpu.memref_squeeze %dma_wait3A_92 : memref<1x128xi32, #tpu.memory_space<vmem>> -> memref<128xi32, #tpu.memory_space<vmem>>
        %dma_wait3A_94 = arith.constant 0 : i32
        %dma_wait3A_95 = arith.constant 0 : i32
        %dma_wait3A_96 = tpu.memref_slice %arg14[%dma_wait3A_94, %dma_wait3A_95] : memref<131584x8xf32, #tpu.memory_space<vmem_shared>> -> memref<131584x8xf32, #tpu.memory_space<vmem_shared>>
        tpu.wait_indirect_dma semaphore(%run_scoped3A_80 : memref<!tpu.dma_semaphore, #tpu.memory_space<semaphore_mem>>) src(%dma_wait3A_90 : memref<128x8xf32, #tpu.memory_space<vmem>>) dst(%dma_wait3A_96 : memref<131584x8xf32, #tpu.memory_space<vmem_shared>>)
        tpu.yield
      }) : () -> ()
      %run_scoped3A_39 = arith.constant 11 : i32
      "tpu.region"() ({
        %run_scoped3A_80 = tpu.sem_alloc : memref<!tpu.dma_semaphore, #tpu.memory_space<semaphore_mem>>
        %dma_start3A = arith.constant 1408 : i32
        %dma_start3A_81 = arith.constant 0 : i32
        %dma_start3A_82 = tpu.memref_slice %arg8[%dma_start3A, %dma_start3A_81] : memref<4096x8xf32, #tpu.memory_space<vmem>> -> memref<128x8xf32, #tpu.memory_space<vmem>>
        %dma_start3A_83 = arith.constant 0 : i32
        %dma_start3A_84 = tpu.memref_slice %arg11[%run_scoped3A_39, %dma_start3A_83] : memref<32x128xi32, #tpu.memory_space<vmem>> -> memref<1x128xi32, #tpu.memory_space<vmem>>
        %dma_start3A_85 = tpu.memref_squeeze %dma_start3A_84 : memref<1x128xi32, #tpu.memory_space<vmem>> -> memref<128xi32, #tpu.memory_space<vmem>>
        %dma_start3A_86 = arith.constant 0 : i32
        %dma_start3A_87 = arith.constant 0 : i32
        %dma_start3A_88 = tpu.memref_slice %arg14[%dma_start3A_86, %dma_start3A_87] : memref<131584x8xf32, #tpu.memory_space<vmem_shared>> -> memref<131584x8xf32, #tpu.memory_space<vmem_shared>>
        tpu.enqueue_indirect_dma source(%dma_start3A_82 : memref<128x8xf32, #tpu.memory_space<vmem>>) target(%dma_start3A_88 : memref<131584x8xf32, #tpu.memory_space<vmem_shared>>) offsets(%dma_start3A_85 : memref<128xi32, #tpu.memory_space<vmem>>) semaphore(%run_scoped3A_80 : memref<!tpu.dma_semaphore, #tpu.memory_space<semaphore_mem>>) {add = true}
        %dma_wait3A = arith.constant 1408 : i32
        %dma_wait3A_89 = arith.constant 0 : i32
        %dma_wait3A_90 = tpu.memref_slice %arg8[%dma_wait3A, %dma_wait3A_89] : memref<4096x8xf32, #tpu.memory_space<vmem>> -> memref<128x8xf32, #tpu.memory_space<vmem>>
        %dma_wait3A_91 = arith.constant 0 : i32
        %dma_wait3A_92 = tpu.memref_slice %arg11[%run_scoped3A_39, %dma_wait3A_91] : memref<32x128xi32, #tpu.memory_space<vmem>> -> memref<1x128xi32, #tpu.memory_space<vmem>>
        %dma_wait3A_93 = tpu.memref_squeeze %dma_wait3A_92 : memref<1x128xi32, #tpu.memory_space<vmem>> -> memref<128xi32, #tpu.memory_space<vmem>>
        %dma_wait3A_94 = arith.constant 0 : i32
        %dma_wait3A_95 = arith.constant 0 : i32
        %dma_wait3A_96 = tpu.memref_slice %arg14[%dma_wait3A_94, %dma_wait3A_95] : memref<131584x8xf32, #tpu.memory_space<vmem_shared>> -> memref<131584x8xf32, #tpu.memory_space<vmem_shared>>
        tpu.wait_indirect_dma semaphore(%run_scoped3A_80 : memref<!tpu.dma_semaphore, #tpu.memory_space<semaphore_mem>>) src(%dma_wait3A_90 : memref<128x8xf32, #tpu.memory_space<vmem>>) dst(%dma_wait3A_96 : memref<131584x8xf32, #tpu.memory_space<vmem_shared>>)
        tpu.yield
      }) : () -> ()
      %run_scoped3A_40 = arith.constant 12 : i32
      "tpu.region"() ({
        %run_scoped3A_80 = tpu.sem_alloc : memref<!tpu.dma_semaphore, #tpu.memory_space<semaphore_mem>>
        %dma_start3A = arith.constant 1536 : i32
        %dma_start3A_81 = arith.constant 0 : i32
        %dma_start3A_82 = tpu.memref_slice %arg8[%dma_start3A, %dma_start3A_81] : memref<4096x8xf32, #tpu.memory_space<vmem>> -> memref<128x8xf32, #tpu.memory_space<vmem>>
        %dma_start3A_83 = arith.constant 0 : i32
        %dma_start3A_84 = tpu.memref_slice %arg11[%run_scoped3A_40, %dma_start3A_83] : memref<32x128xi32, #tpu.memory_space<vmem>> -> memref<1x128xi32, #tpu.memory_space<vmem>>
        %dma_start3A_85 = tpu.memref_squeeze %dma_start3A_84 : memref<1x128xi32, #tpu.memory_space<vmem>> -> memref<128xi32, #tpu.memory_space<vmem>>
        %dma_start3A_86 = arith.constant 0 : i32
        %dma_start3A_87 = arith.constant 0 : i32
        %dma_start3A_88 = tpu.memref_slice %arg14[%dma_start3A_86, %dma_start3A_87] : memref<131584x8xf32, #tpu.memory_space<vmem_shared>> -> memref<131584x8xf32, #tpu.memory_space<vmem_shared>>
        tpu.enqueue_indirect_dma source(%dma_start3A_82 : memref<128x8xf32, #tpu.memory_space<vmem>>) target(%dma_start3A_88 : memref<131584x8xf32, #tpu.memory_space<vmem_shared>>) offsets(%dma_start3A_85 : memref<128xi32, #tpu.memory_space<vmem>>) semaphore(%run_scoped3A_80 : memref<!tpu.dma_semaphore, #tpu.memory_space<semaphore_mem>>) {add = true}
        %dma_wait3A = arith.constant 1536 : i32
        %dma_wait3A_89 = arith.constant 0 : i32
        %dma_wait3A_90 = tpu.memref_slice %arg8[%dma_wait3A, %dma_wait3A_89] : memref<4096x8xf32, #tpu.memory_space<vmem>> -> memref<128x8xf32, #tpu.memory_space<vmem>>
        %dma_wait3A_91 = arith.constant 0 : i32
        %dma_wait3A_92 = tpu.memref_slice %arg11[%run_scoped3A_40, %dma_wait3A_91] : memref<32x128xi32, #tpu.memory_space<vmem>> -> memref<1x128xi32, #tpu.memory_space<vmem>>
        %dma_wait3A_93 = tpu.memref_squeeze %dma_wait3A_92 : memref<1x128xi32, #tpu.memory_space<vmem>> -> memref<128xi32, #tpu.memory_space<vmem>>
        %dma_wait3A_94 = arith.constant 0 : i32
        %dma_wait3A_95 = arith.constant 0 : i32
        %dma_wait3A_96 = tpu.memref_slice %arg14[%dma_wait3A_94, %dma_wait3A_95] : memref<131584x8xf32, #tpu.memory_space<vmem_shared>> -> memref<131584x8xf32, #tpu.memory_space<vmem_shared>>
        tpu.wait_indirect_dma semaphore(%run_scoped3A_80 : memref<!tpu.dma_semaphore, #tpu.memory_space<semaphore_mem>>) src(%dma_wait3A_90 : memref<128x8xf32, #tpu.memory_space<vmem>>) dst(%dma_wait3A_96 : memref<131584x8xf32, #tpu.memory_space<vmem_shared>>)
        tpu.yield
      }) : () -> ()
      %run_scoped3A_41 = arith.constant 13 : i32
      "tpu.region"() ({
        %run_scoped3A_80 = tpu.sem_alloc : memref<!tpu.dma_semaphore, #tpu.memory_space<semaphore_mem>>
        %dma_start3A = arith.constant 1664 : i32
        %dma_start3A_81 = arith.constant 0 : i32
        %dma_start3A_82 = tpu.memref_slice %arg8[%dma_start3A, %dma_start3A_81] : memref<4096x8xf32, #tpu.memory_space<vmem>> -> memref<128x8xf32, #tpu.memory_space<vmem>>
        %dma_start3A_83 = arith.constant 0 : i32
        %dma_start3A_84 = tpu.memref_slice %arg11[%run_scoped3A_41, %dma_start3A_83] : memref<32x128xi32, #tpu.memory_space<vmem>> -> memref<1x128xi32, #tpu.memory_space<vmem>>
        %dma_start3A_85 = tpu.memref_squeeze %dma_start3A_84 : memref<1x128xi32, #tpu.memory_space<vmem>> -> memref<128xi32, #tpu.memory_space<vmem>>
        %dma_start3A_86 = arith.constant 0 : i32
        %dma_start3A_87 = arith.constant 0 : i32
        %dma_start3A_88 = tpu.memref_slice %arg14[%dma_start3A_86, %dma_start3A_87] : memref<131584x8xf32, #tpu.memory_space<vmem_shared>> -> memref<131584x8xf32, #tpu.memory_space<vmem_shared>>
        tpu.enqueue_indirect_dma source(%dma_start3A_82 : memref<128x8xf32, #tpu.memory_space<vmem>>) target(%dma_start3A_88 : memref<131584x8xf32, #tpu.memory_space<vmem_shared>>) offsets(%dma_start3A_85 : memref<128xi32, #tpu.memory_space<vmem>>) semaphore(%run_scoped3A_80 : memref<!tpu.dma_semaphore, #tpu.memory_space<semaphore_mem>>) {add = true}
        %dma_wait3A = arith.constant 1664 : i32
        %dma_wait3A_89 = arith.constant 0 : i32
        %dma_wait3A_90 = tpu.memref_slice %arg8[%dma_wait3A, %dma_wait3A_89] : memref<4096x8xf32, #tpu.memory_space<vmem>> -> memref<128x8xf32, #tpu.memory_space<vmem>>
        %dma_wait3A_91 = arith.constant 0 : i32
        %dma_wait3A_92 = tpu.memref_slice %arg11[%run_scoped3A_41, %dma_wait3A_91] : memref<32x128xi32, #tpu.memory_space<vmem>> -> memref<1x128xi32, #tpu.memory_space<vmem>>
        %dma_wait3A_93 = tpu.memref_squeeze %dma_wait3A_92 : memref<1x128xi32, #tpu.memory_space<vmem>> -> memref<128xi32, #tpu.memory_space<vmem>>
        %dma_wait3A_94 = arith.constant 0 : i32
        %dma_wait3A_95 = arith.constant 0 : i32
        %dma_wait3A_96 = tpu.memref_slice %arg14[%dma_wait3A_94, %dma_wait3A_95] : memref<131584x8xf32, #tpu.memory_space<vmem_shared>> -> memref<131584x8xf32, #tpu.memory_space<vmem_shared>>
        tpu.wait_indirect_dma semaphore(%run_scoped3A_80 : memref<!tpu.dma_semaphore, #tpu.memory_space<semaphore_mem>>) src(%dma_wait3A_90 : memref<128x8xf32, #tpu.memory_space<vmem>>) dst(%dma_wait3A_96 : memref<131584x8xf32, #tpu.memory_space<vmem_shared>>)
        tpu.yield
      }) : () -> ()
      %run_scoped3A_42 = arith.constant 14 : i32
      "tpu.region"() ({
        %run_scoped3A_80 = tpu.sem_alloc : memref<!tpu.dma_semaphore, #tpu.memory_space<semaphore_mem>>
        %dma_start3A = arith.constant 1792 : i32
        %dma_start3A_81 = arith.constant 0 : i32
        %dma_start3A_82 = tpu.memref_slice %arg8[%dma_start3A, %dma_start3A_81] : memref<4096x8xf32, #tpu.memory_space<vmem>> -> memref<128x8xf32, #tpu.memory_space<vmem>>
        %dma_start3A_83 = arith.constant 0 : i32
        %dma_start3A_84 = tpu.memref_slice %arg11[%run_scoped3A_42, %dma_start3A_83] : memref<32x128xi32, #tpu.memory_space<vmem>> -> memref<1x128xi32, #tpu.memory_space<vmem>>
        %dma_start3A_85 = tpu.memref_squeeze %dma_start3A_84 : memref<1x128xi32, #tpu.memory_space<vmem>> -> memref<128xi32, #tpu.memory_space<vmem>>
        %dma_start3A_86 = arith.constant 0 : i32
        %dma_start3A_87 = arith.constant 0 : i32
        %dma_start3A_88 = tpu.memref_slice %arg14[%dma_start3A_86, %dma_start3A_87] : memref<131584x8xf32, #tpu.memory_space<vmem_shared>> -> memref<131584x8xf32, #tpu.memory_space<vmem_shared>>
        tpu.enqueue_indirect_dma source(%dma_start3A_82 : memref<128x8xf32, #tpu.memory_space<vmem>>) target(%dma_start3A_88 : memref<131584x8xf32, #tpu.memory_space<vmem_shared>>) offsets(%dma_start3A_85 : memref<128xi32, #tpu.memory_space<vmem>>) semaphore(%run_scoped3A_80 : memref<!tpu.dma_semaphore, #tpu.memory_space<semaphore_mem>>) {add = true}
        %dma_wait3A = arith.constant 1792 : i32
        %dma_wait3A_89 = arith.constant 0 : i32
        %dma_wait3A_90 = tpu.memref_slice %arg8[%dma_wait3A, %dma_wait3A_89] : memref<4096x8xf32, #tpu.memory_space<vmem>> -> memref<128x8xf32, #tpu.memory_space<vmem>>
        %dma_wait3A_91 = arith.constant 0 : i32
        %dma_wait3A_92 = tpu.memref_slice %arg11[%run_scoped3A_42, %dma_wait3A_91] : memref<32x128xi32, #tpu.memory_space<vmem>> -> memref<1x128xi32, #tpu.memory_space<vmem>>
        %dma_wait3A_93 = tpu.memref_squeeze %dma_wait3A_92 : memref<1x128xi32, #tpu.memory_space<vmem>> -> memref<128xi32, #tpu.memory_space<vmem>>
        %dma_wait3A_94 = arith.constant 0 : i32
        %dma_wait3A_95 = arith.constant 0 : i32
        %dma_wait3A_96 = tpu.memref_slice %arg14[%dma_wait3A_94, %dma_wait3A_95] : memref<131584x8xf32, #tpu.memory_space<vmem_shared>> -> memref<131584x8xf32, #tpu.memory_space<vmem_shared>>
        tpu.wait_indirect_dma semaphore(%run_scoped3A_80 : memref<!tpu.dma_semaphore, #tpu.memory_space<semaphore_mem>>) src(%dma_wait3A_90 : memref<128x8xf32, #tpu.memory_space<vmem>>) dst(%dma_wait3A_96 : memref<131584x8xf32, #tpu.memory_space<vmem_shared>>)
        tpu.yield
      }) : () -> ()
      %run_scoped3A_43 = arith.constant 15 : i32
      "tpu.region"() ({
        %run_scoped3A_80 = tpu.sem_alloc : memref<!tpu.dma_semaphore, #tpu.memory_space<semaphore_mem>>
        %dma_start3A = arith.constant 1920 : i32
        %dma_start3A_81 = arith.constant 0 : i32
        %dma_start3A_82 = tpu.memref_slice %arg8[%dma_start3A, %dma_start3A_81] : memref<4096x8xf32, #tpu.memory_space<vmem>> -> memref<128x8xf32, #tpu.memory_space<vmem>>
        %dma_start3A_83 = arith.constant 0 : i32
        %dma_start3A_84 = tpu.memref_slice %arg11[%run_scoped3A_43, %dma_start3A_83] : memref<32x128xi32, #tpu.memory_space<vmem>> -> memref<1x128xi32, #tpu.memory_space<vmem>>
        %dma_start3A_85 = tpu.memref_squeeze %dma_start3A_84 : memref<1x128xi32, #tpu.memory_space<vmem>> -> memref<128xi32, #tpu.memory_space<vmem>>
        %dma_start3A_86 = arith.constant 0 : i32
        %dma_start3A_87 = arith.constant 0 : i32
        %dma_start3A_88 = tpu.memref_slice %arg14[%dma_start3A_86, %dma_start3A_87] : memref<131584x8xf32, #tpu.memory_space<vmem_shared>> -> memref<131584x8xf32, #tpu.memory_space<vmem_shared>>
        tpu.enqueue_indirect_dma source(%dma_start3A_82 : memref<128x8xf32, #tpu.memory_space<vmem>>) target(%dma_start3A_88 : memref<131584x8xf32, #tpu.memory_space<vmem_shared>>) offsets(%dma_start3A_85 : memref<128xi32, #tpu.memory_space<vmem>>) semaphore(%run_scoped3A_80 : memref<!tpu.dma_semaphore, #tpu.memory_space<semaphore_mem>>) {add = true}
        %dma_wait3A = arith.constant 1920 : i32
        %dma_wait3A_89 = arith.constant 0 : i32
        %dma_wait3A_90 = tpu.memref_slice %arg8[%dma_wait3A, %dma_wait3A_89] : memref<4096x8xf32, #tpu.memory_space<vmem>> -> memref<128x8xf32, #tpu.memory_space<vmem>>
        %dma_wait3A_91 = arith.constant 0 : i32
        %dma_wait3A_92 = tpu.memref_slice %arg11[%run_scoped3A_43, %dma_wait3A_91] : memref<32x128xi32, #tpu.memory_space<vmem>> -> memref<1x128xi32, #tpu.memory_space<vmem>>
        %dma_wait3A_93 = tpu.memref_squeeze %dma_wait3A_92 : memref<1x128xi32, #tpu.memory_space<vmem>> -> memref<128xi32, #tpu.memory_space<vmem>>
        %dma_wait3A_94 = arith.constant 0 : i32
        %dma_wait3A_95 = arith.constant 0 : i32
        %dma_wait3A_96 = tpu.memref_slice %arg14[%dma_wait3A_94, %dma_wait3A_95] : memref<131584x8xf32, #tpu.memory_space<vmem_shared>> -> memref<131584x8xf32, #tpu.memory_space<vmem_shared>>
        tpu.wait_indirect_dma semaphore(%run_scoped3A_80 : memref<!tpu.dma_semaphore, #tpu.memory_space<semaphore_mem>>) src(%dma_wait3A_90 : memref<128x8xf32, #tpu.memory_space<vmem>>) dst(%dma_wait3A_96 : memref<131584x8xf32, #tpu.memory_space<vmem_shared>>)
        tpu.yield
      }) : () -> ()
      %run_scoped3A_44 = arith.constant 16 : i32
      "tpu.region"() ({
        %run_scoped3A_80 = tpu.sem_alloc : memref<!tpu.dma_semaphore, #tpu.memory_space<semaphore_mem>>
        %dma_start3A = arith.constant 2048 : i32
        %dma_start3A_81 = arith.constant 0 : i32
        %dma_start3A_82 = tpu.memref_slice %arg8[%dma_start3A, %dma_start3A_81] : memref<4096x8xf32, #tpu.memory_space<vmem>> -> memref<128x8xf32, #tpu.memory_space<vmem>>
        %dma_start3A_83 = arith.constant 0 : i32
        %dma_start3A_84 = tpu.memref_slice %arg11[%run_scoped3A_44, %dma_start3A_83] : memref<32x128xi32, #tpu.memory_space<vmem>> -> memref<1x128xi32, #tpu.memory_space<vmem>>
        %dma_start3A_85 = tpu.memref_squeeze %dma_start3A_84 : memref<1x128xi32, #tpu.memory_space<vmem>> -> memref<128xi32, #tpu.memory_space<vmem>>
        %dma_start3A_86 = arith.constant 0 : i32
        %dma_start3A_87 = arith.constant 0 : i32
        %dma_start3A_88 = tpu.memref_slice %arg14[%dma_start3A_86, %dma_start3A_87] : memref<131584x8xf32, #tpu.memory_space<vmem_shared>> -> memref<131584x8xf32, #tpu.memory_space<vmem_shared>>
        tpu.enqueue_indirect_dma source(%dma_start3A_82 : memref<128x8xf32, #tpu.memory_space<vmem>>) target(%dma_start3A_88 : memref<131584x8xf32, #tpu.memory_space<vmem_shared>>) offsets(%dma_start3A_85 : memref<128xi32, #tpu.memory_space<vmem>>) semaphore(%run_scoped3A_80 : memref<!tpu.dma_semaphore, #tpu.memory_space<semaphore_mem>>) {add = true}
        %dma_wait3A = arith.constant 2048 : i32
        %dma_wait3A_89 = arith.constant 0 : i32
        %dma_wait3A_90 = tpu.memref_slice %arg8[%dma_wait3A, %dma_wait3A_89] : memref<4096x8xf32, #tpu.memory_space<vmem>> -> memref<128x8xf32, #tpu.memory_space<vmem>>
        %dma_wait3A_91 = arith.constant 0 : i32
        %dma_wait3A_92 = tpu.memref_slice %arg11[%run_scoped3A_44, %dma_wait3A_91] : memref<32x128xi32, #tpu.memory_space<vmem>> -> memref<1x128xi32, #tpu.memory_space<vmem>>
        %dma_wait3A_93 = tpu.memref_squeeze %dma_wait3A_92 : memref<1x128xi32, #tpu.memory_space<vmem>> -> memref<128xi32, #tpu.memory_space<vmem>>
        %dma_wait3A_94 = arith.constant 0 : i32
        %dma_wait3A_95 = arith.constant 0 : i32
        %dma_wait3A_96 = tpu.memref_slice %arg14[%dma_wait3A_94, %dma_wait3A_95] : memref<131584x8xf32, #tpu.memory_space<vmem_shared>> -> memref<131584x8xf32, #tpu.memory_space<vmem_shared>>
        tpu.wait_indirect_dma semaphore(%run_scoped3A_80 : memref<!tpu.dma_semaphore, #tpu.memory_space<semaphore_mem>>) src(%dma_wait3A_90 : memref<128x8xf32, #tpu.memory_space<vmem>>) dst(%dma_wait3A_96 : memref<131584x8xf32, #tpu.memory_space<vmem_shared>>)
        tpu.yield
      }) : () -> ()
      %run_scoped3A_45 = arith.constant 17 : i32
      "tpu.region"() ({
        %run_scoped3A_80 = tpu.sem_alloc : memref<!tpu.dma_semaphore, #tpu.memory_space<semaphore_mem>>
        %dma_start3A = arith.constant 2176 : i32
        %dma_start3A_81 = arith.constant 0 : i32
        %dma_start3A_82 = tpu.memref_slice %arg8[%dma_start3A, %dma_start3A_81] : memref<4096x8xf32, #tpu.memory_space<vmem>> -> memref<128x8xf32, #tpu.memory_space<vmem>>
        %dma_start3A_83 = arith.constant 0 : i32
        %dma_start3A_84 = tpu.memref_slice %arg11[%run_scoped3A_45, %dma_start3A_83] : memref<32x128xi32, #tpu.memory_space<vmem>> -> memref<1x128xi32, #tpu.memory_space<vmem>>
        %dma_start3A_85 = tpu.memref_squeeze %dma_start3A_84 : memref<1x128xi32, #tpu.memory_space<vmem>> -> memref<128xi32, #tpu.memory_space<vmem>>
        %dma_start3A_86 = arith.constant 0 : i32
        %dma_start3A_87 = arith.constant 0 : i32
        %dma_start3A_88 = tpu.memref_slice %arg14[%dma_start3A_86, %dma_start3A_87] : memref<131584x8xf32, #tpu.memory_space<vmem_shared>> -> memref<131584x8xf32, #tpu.memory_space<vmem_shared>>
        tpu.enqueue_indirect_dma source(%dma_start3A_82 : memref<128x8xf32, #tpu.memory_space<vmem>>) target(%dma_start3A_88 : memref<131584x8xf32, #tpu.memory_space<vmem_shared>>) offsets(%dma_start3A_85 : memref<128xi32, #tpu.memory_space<vmem>>) semaphore(%run_scoped3A_80 : memref<!tpu.dma_semaphore, #tpu.memory_space<semaphore_mem>>) {add = true}
        %dma_wait3A = arith.constant 2176 : i32
        %dma_wait3A_89 = arith.constant 0 : i32
        %dma_wait3A_90 = tpu.memref_slice %arg8[%dma_wait3A, %dma_wait3A_89] : memref<4096x8xf32, #tpu.memory_space<vmem>> -> memref<128x8xf32, #tpu.memory_space<vmem>>
        %dma_wait3A_91 = arith.constant 0 : i32
        %dma_wait3A_92 = tpu.memref_slice %arg11[%run_scoped3A_45, %dma_wait3A_91] : memref<32x128xi32, #tpu.memory_space<vmem>> -> memref<1x128xi32, #tpu.memory_space<vmem>>
        %dma_wait3A_93 = tpu.memref_squeeze %dma_wait3A_92 : memref<1x128xi32, #tpu.memory_space<vmem>> -> memref<128xi32, #tpu.memory_space<vmem>>
        %dma_wait3A_94 = arith.constant 0 : i32
        %dma_wait3A_95 = arith.constant 0 : i32
        %dma_wait3A_96 = tpu.memref_slice %arg14[%dma_wait3A_94, %dma_wait3A_95] : memref<131584x8xf32, #tpu.memory_space<vmem_shared>> -> memref<131584x8xf32, #tpu.memory_space<vmem_shared>>
        tpu.wait_indirect_dma semaphore(%run_scoped3A_80 : memref<!tpu.dma_semaphore, #tpu.memory_space<semaphore_mem>>) src(%dma_wait3A_90 : memref<128x8xf32, #tpu.memory_space<vmem>>) dst(%dma_wait3A_96 : memref<131584x8xf32, #tpu.memory_space<vmem_shared>>)
        tpu.yield
      }) : () -> ()
      %run_scoped3A_46 = arith.constant 18 : i32
      "tpu.region"() ({
        %run_scoped3A_80 = tpu.sem_alloc : memref<!tpu.dma_semaphore, #tpu.memory_space<semaphore_mem>>
        %dma_start3A = arith.constant 2304 : i32
        %dma_start3A_81 = arith.constant 0 : i32
        %dma_start3A_82 = tpu.memref_slice %arg8[%dma_start3A, %dma_start3A_81] : memref<4096x8xf32, #tpu.memory_space<vmem>> -> memref<128x8xf32, #tpu.memory_space<vmem>>
        %dma_start3A_83 = arith.constant 0 : i32
        %dma_start3A_84 = tpu.memref_slice %arg11[%run_scoped3A_46, %dma_start3A_83] : memref<32x128xi32, #tpu.memory_space<vmem>> -> memref<1x128xi32, #tpu.memory_space<vmem>>
        %dma_start3A_85 = tpu.memref_squeeze %dma_start3A_84 : memref<1x128xi32, #tpu.memory_space<vmem>> -> memref<128xi32, #tpu.memory_space<vmem>>
        %dma_start3A_86 = arith.constant 0 : i32
        %dma_start3A_87 = arith.constant 0 : i32
        %dma_start3A_88 = tpu.memref_slice %arg14[%dma_start3A_86, %dma_start3A_87] : memref<131584x8xf32, #tpu.memory_space<vmem_shared>> -> memref<131584x8xf32, #tpu.memory_space<vmem_shared>>
        tpu.enqueue_indirect_dma source(%dma_start3A_82 : memref<128x8xf32, #tpu.memory_space<vmem>>) target(%dma_start3A_88 : memref<131584x8xf32, #tpu.memory_space<vmem_shared>>) offsets(%dma_start3A_85 : memref<128xi32, #tpu.memory_space<vmem>>) semaphore(%run_scoped3A_80 : memref<!tpu.dma_semaphore, #tpu.memory_space<semaphore_mem>>) {add = true}
        %dma_wait3A = arith.constant 2304 : i32
        %dma_wait3A_89 = arith.constant 0 : i32
        %dma_wait3A_90 = tpu.memref_slice %arg8[%dma_wait3A, %dma_wait3A_89] : memref<4096x8xf32, #tpu.memory_space<vmem>> -> memref<128x8xf32, #tpu.memory_space<vmem>>
        %dma_wait3A_91 = arith.constant 0 : i32
        %dma_wait3A_92 = tpu.memref_slice %arg11[%run_scoped3A_46, %dma_wait3A_91] : memref<32x128xi32, #tpu.memory_space<vmem>> -> memref<1x128xi32, #tpu.memory_space<vmem>>
        %dma_wait3A_93 = tpu.memref_squeeze %dma_wait3A_92 : memref<1x128xi32, #tpu.memory_space<vmem>> -> memref<128xi32, #tpu.memory_space<vmem>>
        %dma_wait3A_94 = arith.constant 0 : i32
        %dma_wait3A_95 = arith.constant 0 : i32
        %dma_wait3A_96 = tpu.memref_slice %arg14[%dma_wait3A_94, %dma_wait3A_95] : memref<131584x8xf32, #tpu.memory_space<vmem_shared>> -> memref<131584x8xf32, #tpu.memory_space<vmem_shared>>
        tpu.wait_indirect_dma semaphore(%run_scoped3A_80 : memref<!tpu.dma_semaphore, #tpu.memory_space<semaphore_mem>>) src(%dma_wait3A_90 : memref<128x8xf32, #tpu.memory_space<vmem>>) dst(%dma_wait3A_96 : memref<131584x8xf32, #tpu.memory_space<vmem_shared>>)
        tpu.yield
      }) : () -> ()
      %run_scoped3A_47 = arith.constant 19 : i32
      "tpu.region"() ({
        %run_scoped3A_80 = tpu.sem_alloc : memref<!tpu.dma_semaphore, #tpu.memory_space<semaphore_mem>>
        %dma_start3A = arith.constant 2432 : i32
        %dma_start3A_81 = arith.constant 0 : i32
        %dma_start3A_82 = tpu.memref_slice %arg8[%dma_start3A, %dma_start3A_81] : memref<4096x8xf32, #tpu.memory_space<vmem>> -> memref<128x8xf32, #tpu.memory_space<vmem>>
        %dma_start3A_83 = arith.constant 0 : i32
        %dma_start3A_84 = tpu.memref_slice %arg11[%run_scoped3A_47, %dma_start3A_83] : memref<32x128xi32, #tpu.memory_space<vmem>> -> memref<1x128xi32, #tpu.memory_space<vmem>>
        %dma_start3A_85 = tpu.memref_squeeze %dma_start3A_84 : memref<1x128xi32, #tpu.memory_space<vmem>> -> memref<128xi32, #tpu.memory_space<vmem>>
        %dma_start3A_86 = arith.constant 0 : i32
        %dma_start3A_87 = arith.constant 0 : i32
        %dma_start3A_88 = tpu.memref_slice %arg14[%dma_start3A_86, %dma_start3A_87] : memref<131584x8xf32, #tpu.memory_space<vmem_shared>> -> memref<131584x8xf32, #tpu.memory_space<vmem_shared>>
        tpu.enqueue_indirect_dma source(%dma_start3A_82 : memref<128x8xf32, #tpu.memory_space<vmem>>) target(%dma_start3A_88 : memref<131584x8xf32, #tpu.memory_space<vmem_shared>>) offsets(%dma_start3A_85 : memref<128xi32, #tpu.memory_space<vmem>>) semaphore(%run_scoped3A_80 : memref<!tpu.dma_semaphore, #tpu.memory_space<semaphore_mem>>) {add = true}
        %dma_wait3A = arith.constant 2432 : i32
        %dma_wait3A_89 = arith.constant 0 : i32
        %dma_wait3A_90 = tpu.memref_slice %arg8[%dma_wait3A, %dma_wait3A_89] : memref<4096x8xf32, #tpu.memory_space<vmem>> -> memref<128x8xf32, #tpu.memory_space<vmem>>
        %dma_wait3A_91 = arith.constant 0 : i32
        %dma_wait3A_92 = tpu.memref_slice %arg11[%run_scoped3A_47, %dma_wait3A_91] : memref<32x128xi32, #tpu.memory_space<vmem>> -> memref<1x128xi32, #tpu.memory_space<vmem>>
        %dma_wait3A_93 = tpu.memref_squeeze %dma_wait3A_92 : memref<1x128xi32, #tpu.memory_space<vmem>> -> memref<128xi32, #tpu.memory_space<vmem>>
        %dma_wait3A_94 = arith.constant 0 : i32
        %dma_wait3A_95 = arith.constant 0 : i32
        %dma_wait3A_96 = tpu.memref_slice %arg14[%dma_wait3A_94, %dma_wait3A_95] : memref<131584x8xf32, #tpu.memory_space<vmem_shared>> -> memref<131584x8xf32, #tpu.memory_space<vmem_shared>>
        tpu.wait_indirect_dma semaphore(%run_scoped3A_80 : memref<!tpu.dma_semaphore, #tpu.memory_space<semaphore_mem>>) src(%dma_wait3A_90 : memref<128x8xf32, #tpu.memory_space<vmem>>) dst(%dma_wait3A_96 : memref<131584x8xf32, #tpu.memory_space<vmem_shared>>)
        tpu.yield
      }) : () -> ()
      %run_scoped3A_48 = arith.constant 20 : i32
      "tpu.region"() ({
        %run_scoped3A_80 = tpu.sem_alloc : memref<!tpu.dma_semaphore, #tpu.memory_space<semaphore_mem>>
        %dma_start3A = arith.constant 2560 : i32
        %dma_start3A_81 = arith.constant 0 : i32
        %dma_start3A_82 = tpu.memref_slice %arg8[%dma_start3A, %dma_start3A_81] : memref<4096x8xf32, #tpu.memory_space<vmem>> -> memref<128x8xf32, #tpu.memory_space<vmem>>
        %dma_start3A_83 = arith.constant 0 : i32
        %dma_start3A_84 = tpu.memref_slice %arg11[%run_scoped3A_48, %dma_start3A_83] : memref<32x128xi32, #tpu.memory_space<vmem>> -> memref<1x128xi32, #tpu.memory_space<vmem>>
        %dma_start3A_85 = tpu.memref_squeeze %dma_start3A_84 : memref<1x128xi32, #tpu.memory_space<vmem>> -> memref<128xi32, #tpu.memory_space<vmem>>
        %dma_start3A_86 = arith.constant 0 : i32
        %dma_start3A_87 = arith.constant 0 : i32
        %dma_start3A_88 = tpu.memref_slice %arg14[%dma_start3A_86, %dma_start3A_87] : memref<131584x8xf32, #tpu.memory_space<vmem_shared>> -> memref<131584x8xf32, #tpu.memory_space<vmem_shared>>
        tpu.enqueue_indirect_dma source(%dma_start3A_82 : memref<128x8xf32, #tpu.memory_space<vmem>>) target(%dma_start3A_88 : memref<131584x8xf32, #tpu.memory_space<vmem_shared>>) offsets(%dma_start3A_85 : memref<128xi32, #tpu.memory_space<vmem>>) semaphore(%run_scoped3A_80 : memref<!tpu.dma_semaphore, #tpu.memory_space<semaphore_mem>>) {add = true}
        %dma_wait3A = arith.constant 2560 : i32
        %dma_wait3A_89 = arith.constant 0 : i32
        %dma_wait3A_90 = tpu.memref_slice %arg8[%dma_wait3A, %dma_wait3A_89] : memref<4096x8xf32, #tpu.memory_space<vmem>> -> memref<128x8xf32, #tpu.memory_space<vmem>>
        %dma_wait3A_91 = arith.constant 0 : i32
        %dma_wait3A_92 = tpu.memref_slice %arg11[%run_scoped3A_48, %dma_wait3A_91] : memref<32x128xi32, #tpu.memory_space<vmem>> -> memref<1x128xi32, #tpu.memory_space<vmem>>
        %dma_wait3A_93 = tpu.memref_squeeze %dma_wait3A_92 : memref<1x128xi32, #tpu.memory_space<vmem>> -> memref<128xi32, #tpu.memory_space<vmem>>
        %dma_wait3A_94 = arith.constant 0 : i32
        %dma_wait3A_95 = arith.constant 0 : i32
        %dma_wait3A_96 = tpu.memref_slice %arg14[%dma_wait3A_94, %dma_wait3A_95] : memref<131584x8xf32, #tpu.memory_space<vmem_shared>> -> memref<131584x8xf32, #tpu.memory_space<vmem_shared>>
        tpu.wait_indirect_dma semaphore(%run_scoped3A_80 : memref<!tpu.dma_semaphore, #tpu.memory_space<semaphore_mem>>) src(%dma_wait3A_90 : memref<128x8xf32, #tpu.memory_space<vmem>>) dst(%dma_wait3A_96 : memref<131584x8xf32, #tpu.memory_space<vmem_shared>>)
        tpu.yield
      }) : () -> ()
      %run_scoped3A_49 = arith.constant 21 : i32
      "tpu.region"() ({
        %run_scoped3A_80 = tpu.sem_alloc : memref<!tpu.dma_semaphore, #tpu.memory_space<semaphore_mem>>
        %dma_start3A = arith.constant 2688 : i32
        %dma_start3A_81 = arith.constant 0 : i32
        %dma_start3A_82 = tpu.memref_slice %arg8[%dma_start3A, %dma_start3A_81] : memref<4096x8xf32, #tpu.memory_space<vmem>> -> memref<128x8xf32, #tpu.memory_space<vmem>>
        %dma_start3A_83 = arith.constant 0 : i32
        %dma_start3A_84 = tpu.memref_slice %arg11[%run_scoped3A_49, %dma_start3A_83] : memref<32x128xi32, #tpu.memory_space<vmem>> -> memref<1x128xi32, #tpu.memory_space<vmem>>
        %dma_start3A_85 = tpu.memref_squeeze %dma_start3A_84 : memref<1x128xi32, #tpu.memory_space<vmem>> -> memref<128xi32, #tpu.memory_space<vmem>>
        %dma_start3A_86 = arith.constant 0 : i32
        %dma_start3A_87 = arith.constant 0 : i32
        %dma_start3A_88 = tpu.memref_slice %arg14[%dma_start3A_86, %dma_start3A_87] : memref<131584x8xf32, #tpu.memory_space<vmem_shared>> -> memref<131584x8xf32, #tpu.memory_space<vmem_shared>>
        tpu.enqueue_indirect_dma source(%dma_start3A_82 : memref<128x8xf32, #tpu.memory_space<vmem>>) target(%dma_start3A_88 : memref<131584x8xf32, #tpu.memory_space<vmem_shared>>) offsets(%dma_start3A_85 : memref<128xi32, #tpu.memory_space<vmem>>) semaphore(%run_scoped3A_80 : memref<!tpu.dma_semaphore, #tpu.memory_space<semaphore_mem>>) {add = true}
        %dma_wait3A = arith.constant 2688 : i32
        %dma_wait3A_89 = arith.constant 0 : i32
        %dma_wait3A_90 = tpu.memref_slice %arg8[%dma_wait3A, %dma_wait3A_89] : memref<4096x8xf32, #tpu.memory_space<vmem>> -> memref<128x8xf32, #tpu.memory_space<vmem>>
        %dma_wait3A_91 = arith.constant 0 : i32
        %dma_wait3A_92 = tpu.memref_slice %arg11[%run_scoped3A_49, %dma_wait3A_91] : memref<32x128xi32, #tpu.memory_space<vmem>> -> memref<1x128xi32, #tpu.memory_space<vmem>>
        %dma_wait3A_93 = tpu.memref_squeeze %dma_wait3A_92 : memref<1x128xi32, #tpu.memory_space<vmem>> -> memref<128xi32, #tpu.memory_space<vmem>>
        %dma_wait3A_94 = arith.constant 0 : i32
        %dma_wait3A_95 = arith.constant 0 : i32
        %dma_wait3A_96 = tpu.memref_slice %arg14[%dma_wait3A_94, %dma_wait3A_95] : memref<131584x8xf32, #tpu.memory_space<vmem_shared>> -> memref<131584x8xf32, #tpu.memory_space<vmem_shared>>
        tpu.wait_indirect_dma semaphore(%run_scoped3A_80 : memref<!tpu.dma_semaphore, #tpu.memory_space<semaphore_mem>>) src(%dma_wait3A_90 : memref<128x8xf32, #tpu.memory_space<vmem>>) dst(%dma_wait3A_96 : memref<131584x8xf32, #tpu.memory_space<vmem_shared>>)
        tpu.yield
      }) : () -> ()
      %run_scoped3A_50 = arith.constant 22 : i32
      "tpu.region"() ({
        %run_scoped3A_80 = tpu.sem_alloc : memref<!tpu.dma_semaphore, #tpu.memory_space<semaphore_mem>>
        %dma_start3A = arith.constant 2816 : i32
        %dma_start3A_81 = arith.constant 0 : i32
        %dma_start3A_82 = tpu.memref_slice %arg8[%dma_start3A, %dma_start3A_81] : memref<4096x8xf32, #tpu.memory_space<vmem>> -> memref<128x8xf32, #tpu.memory_space<vmem>>
        %dma_start3A_83 = arith.constant 0 : i32
        %dma_start3A_84 = tpu.memref_slice %arg11[%run_scoped3A_50, %dma_start3A_83] : memref<32x128xi32, #tpu.memory_space<vmem>> -> memref<1x128xi32, #tpu.memory_space<vmem>>
        %dma_start3A_85 = tpu.memref_squeeze %dma_start3A_84 : memref<1x128xi32, #tpu.memory_space<vmem>> -> memref<128xi32, #tpu.memory_space<vmem>>
        %dma_start3A_86 = arith.constant 0 : i32
        %dma_start3A_87 = arith.constant 0 : i32
        %dma_start3A_88 = tpu.memref_slice %arg14[%dma_start3A_86, %dma_start3A_87] : memref<131584x8xf32, #tpu.memory_space<vmem_shared>> -> memref<131584x8xf32, #tpu.memory_space<vmem_shared>>
        tpu.enqueue_indirect_dma source(%dma_start3A_82 : memref<128x8xf32, #tpu.memory_space<vmem>>) target(%dma_start3A_88 : memref<131584x8xf32, #tpu.memory_space<vmem_shared>>) offsets(%dma_start3A_85 : memref<128xi32, #tpu.memory_space<vmem>>) semaphore(%run_scoped3A_80 : memref<!tpu.dma_semaphore, #tpu.memory_space<semaphore_mem>>) {add = true}
        %dma_wait3A = arith.constant 2816 : i32
        %dma_wait3A_89 = arith.constant 0 : i32
        %dma_wait3A_90 = tpu.memref_slice %arg8[%dma_wait3A, %dma_wait3A_89] : memref<4096x8xf32, #tpu.memory_space<vmem>> -> memref<128x8xf32, #tpu.memory_space<vmem>>
        %dma_wait3A_91 = arith.constant 0 : i32
        %dma_wait3A_92 = tpu.memref_slice %arg11[%run_scoped3A_50, %dma_wait3A_91] : memref<32x128xi32, #tpu.memory_space<vmem>> -> memref<1x128xi32, #tpu.memory_space<vmem>>
        %dma_wait3A_93 = tpu.memref_squeeze %dma_wait3A_92 : memref<1x128xi32, #tpu.memory_space<vmem>> -> memref<128xi32, #tpu.memory_space<vmem>>
        %dma_wait3A_94 = arith.constant 0 : i32
        %dma_wait3A_95 = arith.constant 0 : i32
        %dma_wait3A_96 = tpu.memref_slice %arg14[%dma_wait3A_94, %dma_wait3A_95] : memref<131584x8xf32, #tpu.memory_space<vmem_shared>> -> memref<131584x8xf32, #tpu.memory_space<vmem_shared>>
        tpu.wait_indirect_dma semaphore(%run_scoped3A_80 : memref<!tpu.dma_semaphore, #tpu.memory_space<semaphore_mem>>) src(%dma_wait3A_90 : memref<128x8xf32, #tpu.memory_space<vmem>>) dst(%dma_wait3A_96 : memref<131584x8xf32, #tpu.memory_space<vmem_shared>>)
        tpu.yield
      }) : () -> ()
      %run_scoped3A_51 = arith.constant 23 : i32
      "tpu.region"() ({
        %run_scoped3A_80 = tpu.sem_alloc : memref<!tpu.dma_semaphore, #tpu.memory_space<semaphore_mem>>
        %dma_start3A = arith.constant 2944 : i32
        %dma_start3A_81 = arith.constant 0 : i32
        %dma_start3A_82 = tpu.memref_slice %arg8[%dma_start3A, %dma_start3A_81] : memref<4096x8xf32, #tpu.memory_space<vmem>> -> memref<128x8xf32, #tpu.memory_space<vmem>>
        %dma_start3A_83 = arith.constant 0 : i32
        %dma_start3A_84 = tpu.memref_slice %arg11[%run_scoped3A_51, %dma_start3A_83] : memref<32x128xi32, #tpu.memory_space<vmem>> -> memref<1x128xi32, #tpu.memory_space<vmem>>
        %dma_start3A_85 = tpu.memref_squeeze %dma_start3A_84 : memref<1x128xi32, #tpu.memory_space<vmem>> -> memref<128xi32, #tpu.memory_space<vmem>>
        %dma_start3A_86 = arith.constant 0 : i32
        %dma_start3A_87 = arith.constant 0 : i32
        %dma_start3A_88 = tpu.memref_slice %arg14[%dma_start3A_86, %dma_start3A_87] : memref<131584x8xf32, #tpu.memory_space<vmem_shared>> -> memref<131584x8xf32, #tpu.memory_space<vmem_shared>>
        tpu.enqueue_indirect_dma source(%dma_start3A_82 : memref<128x8xf32, #tpu.memory_space<vmem>>) target(%dma_start3A_88 : memref<131584x8xf32, #tpu.memory_space<vmem_shared>>) offsets(%dma_start3A_85 : memref<128xi32, #tpu.memory_space<vmem>>) semaphore(%run_scoped3A_80 : memref<!tpu.dma_semaphore, #tpu.memory_space<semaphore_mem>>) {add = true}
        %dma_wait3A = arith.constant 2944 : i32
        %dma_wait3A_89 = arith.constant 0 : i32
        %dma_wait3A_90 = tpu.memref_slice %arg8[%dma_wait3A, %dma_wait3A_89] : memref<4096x8xf32, #tpu.memory_space<vmem>> -> memref<128x8xf32, #tpu.memory_space<vmem>>
        %dma_wait3A_91 = arith.constant 0 : i32
        %dma_wait3A_92 = tpu.memref_slice %arg11[%run_scoped3A_51, %dma_wait3A_91] : memref<32x128xi32, #tpu.memory_space<vmem>> -> memref<1x128xi32, #tpu.memory_space<vmem>>
        %dma_wait3A_93 = tpu.memref_squeeze %dma_wait3A_92 : memref<1x128xi32, #tpu.memory_space<vmem>> -> memref<128xi32, #tpu.memory_space<vmem>>
        %dma_wait3A_94 = arith.constant 0 : i32
        %dma_wait3A_95 = arith.constant 0 : i32
        %dma_wait3A_96 = tpu.memref_slice %arg14[%dma_wait3A_94, %dma_wait3A_95] : memref<131584x8xf32, #tpu.memory_space<vmem_shared>> -> memref<131584x8xf32, #tpu.memory_space<vmem_shared>>
        tpu.wait_indirect_dma semaphore(%run_scoped3A_80 : memref<!tpu.dma_semaphore, #tpu.memory_space<semaphore_mem>>) src(%dma_wait3A_90 : memref<128x8xf32, #tpu.memory_space<vmem>>) dst(%dma_wait3A_96 : memref<131584x8xf32, #tpu.memory_space<vmem_shared>>)
        tpu.yield
      }) : () -> ()
      %run_scoped3A_52 = arith.constant 24 : i32
      "tpu.region"() ({
        %run_scoped3A_80 = tpu.sem_alloc : memref<!tpu.dma_semaphore, #tpu.memory_space<semaphore_mem>>
        %dma_start3A = arith.constant 3072 : i32
        %dma_start3A_81 = arith.constant 0 : i32
        %dma_start3A_82 = tpu.memref_slice %arg8[%dma_start3A, %dma_start3A_81] : memref<4096x8xf32, #tpu.memory_space<vmem>> -> memref<128x8xf32, #tpu.memory_space<vmem>>
        %dma_start3A_83 = arith.constant 0 : i32
        %dma_start3A_84 = tpu.memref_slice %arg11[%run_scoped3A_52, %dma_start3A_83] : memref<32x128xi32, #tpu.memory_space<vmem>> -> memref<1x128xi32, #tpu.memory_space<vmem>>
        %dma_start3A_85 = tpu.memref_squeeze %dma_start3A_84 : memref<1x128xi32, #tpu.memory_space<vmem>> -> memref<128xi32, #tpu.memory_space<vmem>>
        %dma_start3A_86 = arith.constant 0 : i32
        %dma_start3A_87 = arith.constant 0 : i32
        %dma_start3A_88 = tpu.memref_slice %arg14[%dma_start3A_86, %dma_start3A_87] : memref<131584x8xf32, #tpu.memory_space<vmem_shared>> -> memref<131584x8xf32, #tpu.memory_space<vmem_shared>>
        tpu.enqueue_indirect_dma source(%dma_start3A_82 : memref<128x8xf32, #tpu.memory_space<vmem>>) target(%dma_start3A_88 : memref<131584x8xf32, #tpu.memory_space<vmem_shared>>) offsets(%dma_start3A_85 : memref<128xi32, #tpu.memory_space<vmem>>) semaphore(%run_scoped3A_80 : memref<!tpu.dma_semaphore, #tpu.memory_space<semaphore_mem>>) {add = true}
        %dma_wait3A = arith.constant 3072 : i32
        %dma_wait3A_89 = arith.constant 0 : i32
        %dma_wait3A_90 = tpu.memref_slice %arg8[%dma_wait3A, %dma_wait3A_89] : memref<4096x8xf32, #tpu.memory_space<vmem>> -> memref<128x8xf32, #tpu.memory_space<vmem>>
        %dma_wait3A_91 = arith.constant 0 : i32
        %dma_wait3A_92 = tpu.memref_slice %arg11[%run_scoped3A_52, %dma_wait3A_91] : memref<32x128xi32, #tpu.memory_space<vmem>> -> memref<1x128xi32, #tpu.memory_space<vmem>>
        %dma_wait3A_93 = tpu.memref_squeeze %dma_wait3A_92 : memref<1x128xi32, #tpu.memory_space<vmem>> -> memref<128xi32, #tpu.memory_space<vmem>>
        %dma_wait3A_94 = arith.constant 0 : i32
        %dma_wait3A_95 = arith.constant 0 : i32
        %dma_wait3A_96 = tpu.memref_slice %arg14[%dma_wait3A_94, %dma_wait3A_95] : memref<131584x8xf32, #tpu.memory_space<vmem_shared>> -> memref<131584x8xf32, #tpu.memory_space<vmem_shared>>
        tpu.wait_indirect_dma semaphore(%run_scoped3A_80 : memref<!tpu.dma_semaphore, #tpu.memory_space<semaphore_mem>>) src(%dma_wait3A_90 : memref<128x8xf32, #tpu.memory_space<vmem>>) dst(%dma_wait3A_96 : memref<131584x8xf32, #tpu.memory_space<vmem_shared>>)
        tpu.yield
      }) : () -> ()
      %run_scoped3A_53 = arith.constant 25 : i32
      "tpu.region"() ({
        %run_scoped3A_80 = tpu.sem_alloc : memref<!tpu.dma_semaphore, #tpu.memory_space<semaphore_mem>>
        %dma_start3A = arith.constant 3200 : i32
        %dma_start3A_81 = arith.constant 0 : i32
        %dma_start3A_82 = tpu.memref_slice %arg8[%dma_start3A, %dma_start3A_81] : memref<4096x8xf32, #tpu.memory_space<vmem>> -> memref<128x8xf32, #tpu.memory_space<vmem>>
        %dma_start3A_83 = arith.constant 0 : i32
        %dma_start3A_84 = tpu.memref_slice %arg11[%run_scoped3A_53, %dma_start3A_83] : memref<32x128xi32, #tpu.memory_space<vmem>> -> memref<1x128xi32, #tpu.memory_space<vmem>>
        %dma_start3A_85 = tpu.memref_squeeze %dma_start3A_84 : memref<1x128xi32, #tpu.memory_space<vmem>> -> memref<128xi32, #tpu.memory_space<vmem>>
        %dma_start3A_86 = arith.constant 0 : i32
        %dma_start3A_87 = arith.constant 0 : i32
        %dma_start3A_88 = tpu.memref_slice %arg14[%dma_start3A_86, %dma_start3A_87] : memref<131584x8xf32, #tpu.memory_space<vmem_shared>> -> memref<131584x8xf32, #tpu.memory_space<vmem_shared>>
        tpu.enqueue_indirect_dma source(%dma_start3A_82 : memref<128x8xf32, #tpu.memory_space<vmem>>) target(%dma_start3A_88 : memref<131584x8xf32, #tpu.memory_space<vmem_shared>>) offsets(%dma_start3A_85 : memref<128xi32, #tpu.memory_space<vmem>>) semaphore(%run_scoped3A_80 : memref<!tpu.dma_semaphore, #tpu.memory_space<semaphore_mem>>) {add = true}
        %dma_wait3A = arith.constant 3200 : i32
        %dma_wait3A_89 = arith.constant 0 : i32
        %dma_wait3A_90 = tpu.memref_slice %arg8[%dma_wait3A, %dma_wait3A_89] : memref<4096x8xf32, #tpu.memory_space<vmem>> -> memref<128x8xf32, #tpu.memory_space<vmem>>
        %dma_wait3A_91 = arith.constant 0 : i32
        %dma_wait3A_92 = tpu.memref_slice %arg11[%run_scoped3A_53, %dma_wait3A_91] : memref<32x128xi32, #tpu.memory_space<vmem>> -> memref<1x128xi32, #tpu.memory_space<vmem>>
        %dma_wait3A_93 = tpu.memref_squeeze %dma_wait3A_92 : memref<1x128xi32, #tpu.memory_space<vmem>> -> memref<128xi32, #tpu.memory_space<vmem>>
        %dma_wait3A_94 = arith.constant 0 : i32
        %dma_wait3A_95 = arith.constant 0 : i32
        %dma_wait3A_96 = tpu.memref_slice %arg14[%dma_wait3A_94, %dma_wait3A_95] : memref<131584x8xf32, #tpu.memory_space<vmem_shared>> -> memref<131584x8xf32, #tpu.memory_space<vmem_shared>>
        tpu.wait_indirect_dma semaphore(%run_scoped3A_80 : memref<!tpu.dma_semaphore, #tpu.memory_space<semaphore_mem>>) src(%dma_wait3A_90 : memref<128x8xf32, #tpu.memory_space<vmem>>) dst(%dma_wait3A_96 : memref<131584x8xf32, #tpu.memory_space<vmem_shared>>)
        tpu.yield
      }) : () -> ()
      %run_scoped3A_54 = arith.constant 26 : i32
      "tpu.region"() ({
        %run_scoped3A_80 = tpu.sem_alloc : memref<!tpu.dma_semaphore, #tpu.memory_space<semaphore_mem>>
        %dma_start3A = arith.constant 3328 : i32
        %dma_start3A_81 = arith.constant 0 : i32
        %dma_start3A_82 = tpu.memref_slice %arg8[%dma_start3A, %dma_start3A_81] : memref<4096x8xf32, #tpu.memory_space<vmem>> -> memref<128x8xf32, #tpu.memory_space<vmem>>
        %dma_start3A_83 = arith.constant 0 : i32
        %dma_start3A_84 = tpu.memref_slice %arg11[%run_scoped3A_54, %dma_start3A_83] : memref<32x128xi32, #tpu.memory_space<vmem>> -> memref<1x128xi32, #tpu.memory_space<vmem>>
        %dma_start3A_85 = tpu.memref_squeeze %dma_start3A_84 : memref<1x128xi32, #tpu.memory_space<vmem>> -> memref<128xi32, #tpu.memory_space<vmem>>
        %dma_start3A_86 = arith.constant 0 : i32
        %dma_start3A_87 = arith.constant 0 : i32
        %dma_start3A_88 = tpu.memref_slice %arg14[%dma_start3A_86, %dma_start3A_87] : memref<131584x8xf32, #tpu.memory_space<vmem_shared>> -> memref<131584x8xf32, #tpu.memory_space<vmem_shared>>
        tpu.enqueue_indirect_dma source(%dma_start3A_82 : memref<128x8xf32, #tpu.memory_space<vmem>>) target(%dma_start3A_88 : memref<131584x8xf32, #tpu.memory_space<vmem_shared>>) offsets(%dma_start3A_85 : memref<128xi32, #tpu.memory_space<vmem>>) semaphore(%run_scoped3A_80 : memref<!tpu.dma_semaphore, #tpu.memory_space<semaphore_mem>>) {add = true}
        %dma_wait3A = arith.constant 3328 : i32
        %dma_wait3A_89 = arith.constant 0 : i32
        %dma_wait3A_90 = tpu.memref_slice %arg8[%dma_wait3A, %dma_wait3A_89] : memref<4096x8xf32, #tpu.memory_space<vmem>> -> memref<128x8xf32, #tpu.memory_space<vmem>>
        %dma_wait3A_91 = arith.constant 0 : i32
        %dma_wait3A_92 = tpu.memref_slice %arg11[%run_scoped3A_54, %dma_wait3A_91] : memref<32x128xi32, #tpu.memory_space<vmem>> -> memref<1x128xi32, #tpu.memory_space<vmem>>
        %dma_wait3A_93 = tpu.memref_squeeze %dma_wait3A_92 : memref<1x128xi32, #tpu.memory_space<vmem>> -> memref<128xi32, #tpu.memory_space<vmem>>
        %dma_wait3A_94 = arith.constant 0 : i32
        %dma_wait3A_95 = arith.constant 0 : i32
        %dma_wait3A_96 = tpu.memref_slice %arg14[%dma_wait3A_94, %dma_wait3A_95] : memref<131584x8xf32, #tpu.memory_space<vmem_shared>> -> memref<131584x8xf32, #tpu.memory_space<vmem_shared>>
        tpu.wait_indirect_dma semaphore(%run_scoped3A_80 : memref<!tpu.dma_semaphore, #tpu.memory_space<semaphore_mem>>) src(%dma_wait3A_90 : memref<128x8xf32, #tpu.memory_space<vmem>>) dst(%dma_wait3A_96 : memref<131584x8xf32, #tpu.memory_space<vmem_shared>>)
        tpu.yield
      }) : () -> ()
      %run_scoped3A_55 = arith.constant 27 : i32
      "tpu.region"() ({
        %run_scoped3A_80 = tpu.sem_alloc : memref<!tpu.dma_semaphore, #tpu.memory_space<semaphore_mem>>
        %dma_start3A = arith.constant 3456 : i32
        %dma_start3A_81 = arith.constant 0 : i32
        %dma_start3A_82 = tpu.memref_slice %arg8[%dma_start3A, %dma_start3A_81] : memref<4096x8xf32, #tpu.memory_space<vmem>> -> memref<128x8xf32, #tpu.memory_space<vmem>>
        %dma_start3A_83 = arith.constant 0 : i32
        %dma_start3A_84 = tpu.memref_slice %arg11[%run_scoped3A_55, %dma_start3A_83] : memref<32x128xi32, #tpu.memory_space<vmem>> -> memref<1x128xi32, #tpu.memory_space<vmem>>
        %dma_start3A_85 = tpu.memref_squeeze %dma_start3A_84 : memref<1x128xi32, #tpu.memory_space<vmem>> -> memref<128xi32, #tpu.memory_space<vmem>>
        %dma_start3A_86 = arith.constant 0 : i32
        %dma_start3A_87 = arith.constant 0 : i32
        %dma_start3A_88 = tpu.memref_slice %arg14[%dma_start3A_86, %dma_start3A_87] : memref<131584x8xf32, #tpu.memory_space<vmem_shared>> -> memref<131584x8xf32, #tpu.memory_space<vmem_shared>>
        tpu.enqueue_indirect_dma source(%dma_start3A_82 : memref<128x8xf32, #tpu.memory_space<vmem>>) target(%dma_start3A_88 : memref<131584x8xf32, #tpu.memory_space<vmem_shared>>) offsets(%dma_start3A_85 : memref<128xi32, #tpu.memory_space<vmem>>) semaphore(%run_scoped3A_80 : memref<!tpu.dma_semaphore, #tpu.memory_space<semaphore_mem>>) {add = true}
        %dma_wait3A = arith.constant 3456 : i32
        %dma_wait3A_89 = arith.constant 0 : i32
        %dma_wait3A_90 = tpu.memref_slice %arg8[%dma_wait3A, %dma_wait3A_89] : memref<4096x8xf32, #tpu.memory_space<vmem>> -> memref<128x8xf32, #tpu.memory_space<vmem>>
        %dma_wait3A_91 = arith.constant 0 : i32
        %dma_wait3A_92 = tpu.memref_slice %arg11[%run_scoped3A_55, %dma_wait3A_91] : memref<32x128xi32, #tpu.memory_space<vmem>> -> memref<1x128xi32, #tpu.memory_space<vmem>>
        %dma_wait3A_93 = tpu.memref_squeeze %dma_wait3A_92 : memref<1x128xi32, #tpu.memory_space<vmem>> -> memref<128xi32, #tpu.memory_space<vmem>>
        %dma_wait3A_94 = arith.constant 0 : i32
        %dma_wait3A_95 = arith.constant 0 : i32
        %dma_wait3A_96 = tpu.memref_slice %arg14[%dma_wait3A_94, %dma_wait3A_95] : memref<131584x8xf32, #tpu.memory_space<vmem_shared>> -> memref<131584x8xf32, #tpu.memory_space<vmem_shared>>
        tpu.wait_indirect_dma semaphore(%run_scoped3A_80 : memref<!tpu.dma_semaphore, #tpu.memory_space<semaphore_mem>>) src(%dma_wait3A_90 : memref<128x8xf32, #tpu.memory_space<vmem>>) dst(%dma_wait3A_96 : memref<131584x8xf32, #tpu.memory_space<vmem_shared>>)
        tpu.yield
      }) : () -> ()
      %run_scoped3A_56 = arith.constant 28 : i32
      "tpu.region"() ({
        %run_scoped3A_80 = tpu.sem_alloc : memref<!tpu.dma_semaphore, #tpu.memory_space<semaphore_mem>>
        %dma_start3A = arith.constant 3584 : i32
        %dma_start3A_81 = arith.constant 0 : i32
        %dma_start3A_82 = tpu.memref_slice %arg8[%dma_start3A, %dma_start3A_81] : memref<4096x8xf32, #tpu.memory_space<vmem>> -> memref<128x8xf32, #tpu.memory_space<vmem>>
        %dma_start3A_83 = arith.constant 0 : i32
        %dma_start3A_84 = tpu.memref_slice %arg11[%run_scoped3A_56, %dma_start3A_83] : memref<32x128xi32, #tpu.memory_space<vmem>> -> memref<1x128xi32, #tpu.memory_space<vmem>>
        %dma_start3A_85 = tpu.memref_squeeze %dma_start3A_84 : memref<1x128xi32, #tpu.memory_space<vmem>> -> memref<128xi32, #tpu.memory_space<vmem>>
        %dma_start3A_86 = arith.constant 0 : i32
        %dma_start3A_87 = arith.constant 0 : i32
        %dma_start3A_88 = tpu.memref_slice %arg14[%dma_start3A_86, %dma_start3A_87] : memref<131584x8xf32, #tpu.memory_space<vmem_shared>> -> memref<131584x8xf32, #tpu.memory_space<vmem_shared>>
        tpu.enqueue_indirect_dma source(%dma_start3A_82 : memref<128x8xf32, #tpu.memory_space<vmem>>) target(%dma_start3A_88 : memref<131584x8xf32, #tpu.memory_space<vmem_shared>>) offsets(%dma_start3A_85 : memref<128xi32, #tpu.memory_space<vmem>>) semaphore(%run_scoped3A_80 : memref<!tpu.dma_semaphore, #tpu.memory_space<semaphore_mem>>) {add = true}
        %dma_wait3A = arith.constant 3584 : i32
        %dma_wait3A_89 = arith.constant 0 : i32
        %dma_wait3A_90 = tpu.memref_slice %arg8[%dma_wait3A, %dma_wait3A_89] : memref<4096x8xf32, #tpu.memory_space<vmem>> -> memref<128x8xf32, #tpu.memory_space<vmem>>
        %dma_wait3A_91 = arith.constant 0 : i32
        %dma_wait3A_92 = tpu.memref_slice %arg11[%run_scoped3A_56, %dma_wait3A_91] : memref<32x128xi32, #tpu.memory_space<vmem>> -> memref<1x128xi32, #tpu.memory_space<vmem>>
        %dma_wait3A_93 = tpu.memref_squeeze %dma_wait3A_92 : memref<1x128xi32, #tpu.memory_space<vmem>> -> memref<128xi32, #tpu.memory_space<vmem>>
        %dma_wait3A_94 = arith.constant 0 : i32
        %dma_wait3A_95 = arith.constant 0 : i32
        %dma_wait3A_96 = tpu.memref_slice %arg14[%dma_wait3A_94, %dma_wait3A_95] : memref<131584x8xf32, #tpu.memory_space<vmem_shared>> -> memref<131584x8xf32, #tpu.memory_space<vmem_shared>>
        tpu.wait_indirect_dma semaphore(%run_scoped3A_80 : memref<!tpu.dma_semaphore, #tpu.memory_space<semaphore_mem>>) src(%dma_wait3A_90 : memref<128x8xf32, #tpu.memory_space<vmem>>) dst(%dma_wait3A_96 : memref<131584x8xf32, #tpu.memory_space<vmem_shared>>)
        tpu.yield
      }) : () -> ()
      %run_scoped3A_57 = arith.constant 29 : i32
      "tpu.region"() ({
        %run_scoped3A_80 = tpu.sem_alloc : memref<!tpu.dma_semaphore, #tpu.memory_space<semaphore_mem>>
        %dma_start3A = arith.constant 3712 : i32
        %dma_start3A_81 = arith.constant 0 : i32
        %dma_start3A_82 = tpu.memref_slice %arg8[%dma_start3A, %dma_start3A_81] : memref<4096x8xf32, #tpu.memory_space<vmem>> -> memref<128x8xf32, #tpu.memory_space<vmem>>
        %dma_start3A_83 = arith.constant 0 : i32
        %dma_start3A_84 = tpu.memref_slice %arg11[%run_scoped3A_57, %dma_start3A_83] : memref<32x128xi32, #tpu.memory_space<vmem>> -> memref<1x128xi32, #tpu.memory_space<vmem>>
        %dma_start3A_85 = tpu.memref_squeeze %dma_start3A_84 : memref<1x128xi32, #tpu.memory_space<vmem>> -> memref<128xi32, #tpu.memory_space<vmem>>
        %dma_start3A_86 = arith.constant 0 : i32
        %dma_start3A_87 = arith.constant 0 : i32
        %dma_start3A_88 = tpu.memref_slice %arg14[%dma_start3A_86, %dma_start3A_87] : memref<131584x8xf32, #tpu.memory_space<vmem_shared>> -> memref<131584x8xf32, #tpu.memory_space<vmem_shared>>
        tpu.enqueue_indirect_dma source(%dma_start3A_82 : memref<128x8xf32, #tpu.memory_space<vmem>>) target(%dma_start3A_88 : memref<131584x8xf32, #tpu.memory_space<vmem_shared>>) offsets(%dma_start3A_85 : memref<128xi32, #tpu.memory_space<vmem>>) semaphore(%run_scoped3A_80 : memref<!tpu.dma_semaphore, #tpu.memory_space<semaphore_mem>>) {add = true}
        %dma_wait3A = arith.constant 3712 : i32
        %dma_wait3A_89 = arith.constant 0 : i32
        %dma_wait3A_90 = tpu.memref_slice %arg8[%dma_wait3A, %dma_wait3A_89] : memref<4096x8xf32, #tpu.memory_space<vmem>> -> memref<128x8xf32, #tpu.memory_space<vmem>>
        %dma_wait3A_91 = arith.constant 0 : i32
        %dma_wait3A_92 = tpu.memref_slice %arg11[%run_scoped3A_57, %dma_wait3A_91] : memref<32x128xi32, #tpu.memory_space<vmem>> -> memref<1x128xi32, #tpu.memory_space<vmem>>
        %dma_wait3A_93 = tpu.memref_squeeze %dma_wait3A_92 : memref<1x128xi32, #tpu.memory_space<vmem>> -> memref<128xi32, #tpu.memory_space<vmem>>
        %dma_wait3A_94 = arith.constant 0 : i32
        %dma_wait3A_95 = arith.constant 0 : i32
        %dma_wait3A_96 = tpu.memref_slice %arg14[%dma_wait3A_94, %dma_wait3A_95] : memref<131584x8xf32, #tpu.memory_space<vmem_shared>> -> memref<131584x8xf32, #tpu.memory_space<vmem_shared>>
        tpu.wait_indirect_dma semaphore(%run_scoped3A_80 : memref<!tpu.dma_semaphore, #tpu.memory_space<semaphore_mem>>) src(%dma_wait3A_90 : memref<128x8xf32, #tpu.memory_space<vmem>>) dst(%dma_wait3A_96 : memref<131584x8xf32, #tpu.memory_space<vmem_shared>>)
        tpu.yield
      }) : () -> ()
      %run_scoped3A_58 = arith.constant 30 : i32
      "tpu.region"() ({
        %run_scoped3A_80 = tpu.sem_alloc : memref<!tpu.dma_semaphore, #tpu.memory_space<semaphore_mem>>
        %dma_start3A = arith.constant 3840 : i32
        %dma_start3A_81 = arith.constant 0 : i32
        %dma_start3A_82 = tpu.memref_slice %arg8[%dma_start3A, %dma_start3A_81] : memref<4096x8xf32, #tpu.memory_space<vmem>> -> memref<128x8xf32, #tpu.memory_space<vmem>>
        %dma_start3A_83 = arith.constant 0 : i32
        %dma_start3A_84 = tpu.memref_slice %arg11[%run_scoped3A_58, %dma_start3A_83] : memref<32x128xi32, #tpu.memory_space<vmem>> -> memref<1x128xi32, #tpu.memory_space<vmem>>
        %dma_start3A_85 = tpu.memref_squeeze %dma_start3A_84 : memref<1x128xi32, #tpu.memory_space<vmem>> -> memref<128xi32, #tpu.memory_space<vmem>>
        %dma_start3A_86 = arith.constant 0 : i32
        %dma_start3A_87 = arith.constant 0 : i32
        %dma_start3A_88 = tpu.memref_slice %arg14[%dma_start3A_86, %dma_start3A_87] : memref<131584x8xf32, #tpu.memory_space<vmem_shared>> -> memref<131584x8xf32, #tpu.memory_space<vmem_shared>>
        tpu.enqueue_indirect_dma source(%dma_start3A_82 : memref<128x8xf32, #tpu.memory_space<vmem>>) target(%dma_start3A_88 : memref<131584x8xf32, #tpu.memory_space<vmem_shared>>) offsets(%dma_start3A_85 : memref<128xi32, #tpu.memory_space<vmem>>) semaphore(%run_scoped3A_80 : memref<!tpu.dma_semaphore, #tpu.memory_space<semaphore_mem>>) {add = true}
        %dma_wait3A = arith.constant 3840 : i32
        %dma_wait3A_89 = arith.constant 0 : i32
        %dma_wait3A_90 = tpu.memref_slice %arg8[%dma_wait3A, %dma_wait3A_89] : memref<4096x8xf32, #tpu.memory_space<vmem>> -> memref<128x8xf32, #tpu.memory_space<vmem>>
        %dma_wait3A_91 = arith.constant 0 : i32
        %dma_wait3A_92 = tpu.memref_slice %arg11[%run_scoped3A_58, %dma_wait3A_91] : memref<32x128xi32, #tpu.memory_space<vmem>> -> memref<1x128xi32, #tpu.memory_space<vmem>>
        %dma_wait3A_93 = tpu.memref_squeeze %dma_wait3A_92 : memref<1x128xi32, #tpu.memory_space<vmem>> -> memref<128xi32, #tpu.memory_space<vmem>>
        %dma_wait3A_94 = arith.constant 0 : i32
        %dma_wait3A_95 = arith.constant 0 : i32
        %dma_wait3A_96 = tpu.memref_slice %arg14[%dma_wait3A_94, %dma_wait3A_95] : memref<131584x8xf32, #tpu.memory_space<vmem_shared>> -> memref<131584x8xf32, #tpu.memory_space<vmem_shared>>
        tpu.wait_indirect_dma semaphore(%run_scoped3A_80 : memref<!tpu.dma_semaphore, #tpu.memory_space<semaphore_mem>>) src(%dma_wait3A_90 : memref<128x8xf32, #tpu.memory_space<vmem>>) dst(%dma_wait3A_96 : memref<131584x8xf32, #tpu.memory_space<vmem_shared>>)
        tpu.yield
      }) : () -> ()
      %run_scoped3A_59 = arith.constant 31 : i32
      "tpu.region"() ({
        %run_scoped3A_80 = tpu.sem_alloc : memref<!tpu.dma_semaphore, #tpu.memory_space<semaphore_mem>>
        %dma_start3A = arith.constant 3968 : i32
        %dma_start3A_81 = arith.constant 0 : i32
        %dma_start3A_82 = tpu.memref_slice %arg8[%dma_start3A, %dma_start3A_81] : memref<4096x8xf32, #tpu.memory_space<vmem>> -> memref<128x8xf32, #tpu.memory_space<vmem>>
        %dma_start3A_83 = arith.constant 0 : i32
        %dma_start3A_84 = tpu.memref_slice %arg11[%run_scoped3A_59, %dma_start3A_83] : memref<32x128xi32, #tpu.memory_space<vmem>> -> memref<1x128xi32, #tpu.memory_space<vmem>>
        %dma_start3A_85 = tpu.memref_squeeze %dma_start3A_84 : memref<1x128xi32, #tpu.memory_space<vmem>> -> memref<128xi32, #tpu.memory_space<vmem>>
        %dma_start3A_86 = arith.constant 0 : i32
        %dma_start3A_87 = arith.constant 0 : i32
        %dma_start3A_88 = tpu.memref_slice %arg14[%dma_start3A_86, %dma_start3A_87] : memref<131584x8xf32, #tpu.memory_space<vmem_shared>> -> memref<131584x8xf32, #tpu.memory_space<vmem_shared>>
        tpu.enqueue_indirect_dma source(%dma_start3A_82 : memref<128x8xf32, #tpu.memory_space<vmem>>) target(%dma_start3A_88 : memref<131584x8xf32, #tpu.memory_space<vmem_shared>>) offsets(%dma_start3A_85 : memref<128xi32, #tpu.memory_space<vmem>>) semaphore(%run_scoped3A_80 : memref<!tpu.dma_semaphore, #tpu.memory_space<semaphore_mem>>) {add = true}
        %dma_wait3A = arith.constant 3968 : i32
        %dma_wait3A_89 = arith.constant 0 : i32
        %dma_wait3A_90 = tpu.memref_slice %arg8[%dma_wait3A, %dma_wait3A_89] : memref<4096x8xf32, #tpu.memory_space<vmem>> -> memref<128x8xf32, #tpu.memory_space<vmem>>
        %dma_wait3A_91 = arith.constant 0 : i32
        %dma_wait3A_92 = tpu.memref_slice %arg11[%run_scoped3A_59, %dma_wait3A_91] : memref<32x128xi32, #tpu.memory_space<vmem>> -> memref<1x128xi32, #tpu.memory_space<vmem>>
        %dma_wait3A_93 = tpu.memref_squeeze %dma_wait3A_92 : memref<1x128xi32, #tpu.memory_space<vmem>> -> memref<128xi32, #tpu.memory_space<vmem>>
        %dma_wait3A_94 = arith.constant 0 : i32
        %dma_wait3A_95 = arith.constant 0 : i32
        %dma_wait3A_96 = tpu.memref_slice %arg14[%dma_wait3A_94, %dma_wait3A_95] : memref<131584x8xf32, #tpu.memory_space<vmem_shared>> -> memref<131584x8xf32, #tpu.memory_space<vmem_shared>>
        tpu.wait_indirect_dma semaphore(%run_scoped3A_80 : memref<!tpu.dma_semaphore, #tpu.memory_space<semaphore_mem>>) src(%dma_wait3A_90 : memref<128x8xf32, #tpu.memory_space<vmem>>) dst(%dma_wait3A_96 : memref<131584x8xf32, #tpu.memory_space<vmem_shared>>)
        tpu.yield
      }) : () -> ()
      %barrier3A_60 = arith.constant 0 : index
      tpu.barrier barrier_id(%barrier3A_60)
      %mul3A_61 = arith.constant 4 : i32
      %mul3A_62 = arith.muli %arg1, %mul3A_61 : i32
      %add3A_63 = arith.addi %mul3A_14, %mul3A_62 : i32
      %add3A_64 = arith.constant 0 : i32
      %add3A_65 = arith.addi %mul3A_4, %add3A_64 : i32
      %add3A_66 = arith.constant 0 : i32
      %add3A_67 = arith.addi %add3A_63, %add3A_66 : i32
      "tpu.region"() ({
        %run_scoped3A_80 = tpu.sem_alloc : memref<!tpu.dma_semaphore, #tpu.memory_space<semaphore_mem>>
        %dma_start3A = arith.constant 0 : i32
        %dma_start3A_81 = arith.constant 0 : i32
        %dma_start3A_82 = tpu.memref_slice %arg7[%add3A_67, %dma_start3A, %dma_start3A_81] : memref<2048x2048x8xf32, #tpu.memory_space<hbm>> -> memref<1x2048x8xf32, #tpu.memory_space<hbm>>
        %dma_start3A_83 = tpu.memref_squeeze %dma_start3A_82 : memref<1x2048x8xf32, #tpu.memory_space<hbm>> -> memref<2048x8xf32, #tpu.memory_space<hbm>>
        %dma_start3A_84 = arith.constant 0 : i32
        %dma_start3A_85 = tpu.memref_slice %arg14[%add3A_65, %dma_start3A_84] : memref<131584x8xf32, #tpu.memory_space<vmem_shared>> -> memref<2048x8xf32, #tpu.memory_space<vmem_shared>>
        tpu.enqueue_dma source(%dma_start3A_85 : memref<2048x8xf32, #tpu.memory_space<vmem_shared>>) target(%dma_start3A_83 : memref<2048x8xf32, #tpu.memory_space<hbm>>) target_semaphore(%run_scoped3A_80 : memref<!tpu.dma_semaphore, #tpu.memory_space<semaphore_mem>>)
        %dma_wait3A = arith.constant 0 : i32
        %dma_wait3A_86 = arith.constant 0 : i32
        %dma_wait3A_87 = tpu.memref_slice %arg7[%add3A_67, %dma_wait3A, %dma_wait3A_86] : memref<2048x2048x8xf32, #tpu.memory_space<hbm>> -> memref<1x2048x8xf32, #tpu.memory_space<hbm>>
        %dma_wait3A_88 = tpu.memref_squeeze %dma_wait3A_87 : memref<1x2048x8xf32, #tpu.memory_space<hbm>> -> memref<2048x8xf32, #tpu.memory_space<hbm>>
        %dma_wait3A_89 = arith.constant 0 : i32
        %dma_wait3A_90 = tpu.memref_slice %arg14[%add3A_65, %dma_wait3A_89] : memref<131584x8xf32, #tpu.memory_space<vmem_shared>> -> memref<2048x8xf32, #tpu.memory_space<vmem_shared>>
        tpu.wait_dma2 semaphore(%run_scoped3A_80 : memref<!tpu.dma_semaphore, #tpu.memory_space<semaphore_mem>>) src(%dma_wait3A_90 : memref<2048x8xf32, #tpu.memory_space<vmem_shared>>) dst(%dma_wait3A_88 : memref<2048x8xf32, #tpu.memory_space<hbm>>)
        tpu.yield
      }) : () -> ()
      %add3A_68 = arith.constant 2048 : i32
      %add3A_69 = arith.addi %mul3A_4, %add3A_68 : i32
      %add3A_70 = arith.constant 1 : i32
      %add3A_71 = arith.addi %add3A_63, %add3A_70 : i32
      "tpu.region"() ({
        %run_scoped3A_80 = tpu.sem_alloc : memref<!tpu.dma_semaphore, #tpu.memory_space<semaphore_mem>>
        %dma_start3A = arith.constant 0 : i32
        %dma_start3A_81 = arith.constant 0 : i32
        %dma_start3A_82 = tpu.memref_slice %arg7[%add3A_71, %dma_start3A, %dma_start3A_81] : memref<2048x2048x8xf32, #tpu.memory_space<hbm>> -> memref<1x2048x8xf32, #tpu.memory_space<hbm>>
        %dma_start3A_83 = tpu.memref_squeeze %dma_start3A_82 : memref<1x2048x8xf32, #tpu.memory_space<hbm>> -> memref<2048x8xf32, #tpu.memory_space<hbm>>
        %dma_start3A_84 = arith.constant 0 : i32
        %dma_start3A_85 = tpu.memref_slice %arg14[%add3A_69, %dma_start3A_84] : memref<131584x8xf32, #tpu.memory_space<vmem_shared>> -> memref<2048x8xf32, #tpu.memory_space<vmem_shared>>
        tpu.enqueue_dma source(%dma_start3A_85 : memref<2048x8xf32, #tpu.memory_space<vmem_shared>>) target(%dma_start3A_83 : memref<2048x8xf32, #tpu.memory_space<hbm>>) target_semaphore(%run_scoped3A_80 : memref<!tpu.dma_semaphore, #tpu.memory_space<semaphore_mem>>)
        %dma_wait3A = arith.constant 0 : i32
        %dma_wait3A_86 = arith.constant 0 : i32
        %dma_wait3A_87 = tpu.memref_slice %arg7[%add3A_71, %dma_wait3A, %dma_wait3A_86] : memref<2048x2048x8xf32, #tpu.memory_space<hbm>> -> memref<1x2048x8xf32, #tpu.memory_space<hbm>>
        %dma_wait3A_88 = tpu.memref_squeeze %dma_wait3A_87 : memref<1x2048x8xf32, #tpu.memory_space<hbm>> -> memref<2048x8xf32, #tpu.memory_space<hbm>>
        %dma_wait3A_89 = arith.constant 0 : i32
        %dma_wait3A_90 = tpu.memref_slice %arg14[%add3A_69, %dma_wait3A_89] : memref<131584x8xf32, #tpu.memory_space<vmem_shared>> -> memref<2048x8xf32, #tpu.memory_space<vmem_shared>>
        tpu.wait_dma2 semaphore(%run_scoped3A_80 : memref<!tpu.dma_semaphore, #tpu.memory_space<semaphore_mem>>) src(%dma_wait3A_90 : memref<2048x8xf32, #tpu.memory_space<vmem_shared>>) dst(%dma_wait3A_88 : memref<2048x8xf32, #tpu.memory_space<hbm>>)
        tpu.yield
      }) : () -> ()
      %add3A_72 = arith.constant 4096 : i32
      %add3A_73 = arith.addi %mul3A_4, %add3A_72 : i32
      %add3A_74 = arith.constant 2 : i32
      %add3A_75 = arith.addi %add3A_63, %add3A_74 : i32
      "tpu.region"() ({
        %run_scoped3A_80 = tpu.sem_alloc : memref<!tpu.dma_semaphore, #tpu.memory_space<semaphore_mem>>
        %dma_start3A = arith.constant 0 : i32
        %dma_start3A_81 = arith.constant 0 : i32
        %dma_start3A_82 = tpu.memref_slice %arg7[%add3A_75, %dma_start3A, %dma_start3A_81] : memref<2048x2048x8xf32, #tpu.memory_space<hbm>> -> memref<1x2048x8xf32, #tpu.memory_space<hbm>>
        %dma_start3A_83 = tpu.memref_squeeze %dma_start3A_82 : memref<1x2048x8xf32, #tpu.memory_space<hbm>> -> memref<2048x8xf32, #tpu.memory_space<hbm>>
        %dma_start3A_84 = arith.constant 0 : i32
        %dma_start3A_85 = tpu.memref_slice %arg14[%add3A_73, %dma_start3A_84] : memref<131584x8xf32, #tpu.memory_space<vmem_shared>> -> memref<2048x8xf32, #tpu.memory_space<vmem_shared>>
        tpu.enqueue_dma source(%dma_start3A_85 : memref<2048x8xf32, #tpu.memory_space<vmem_shared>>) target(%dma_start3A_83 : memref<2048x8xf32, #tpu.memory_space<hbm>>) target_semaphore(%run_scoped3A_80 : memref<!tpu.dma_semaphore, #tpu.memory_space<semaphore_mem>>)
        %dma_wait3A = arith.constant 0 : i32
        %dma_wait3A_86 = arith.constant 0 : i32
        %dma_wait3A_87 = tpu.memref_slice %arg7[%add3A_75, %dma_wait3A, %dma_wait3A_86] : memref<2048x2048x8xf32, #tpu.memory_space<hbm>> -> memref<1x2048x8xf32, #tpu.memory_space<hbm>>
        %dma_wait3A_88 = tpu.memref_squeeze %dma_wait3A_87 : memref<1x2048x8xf32, #tpu.memory_space<hbm>> -> memref<2048x8xf32, #tpu.memory_space<hbm>>
        %dma_wait3A_89 = arith.constant 0 : i32
        %dma_wait3A_90 = tpu.memref_slice %arg14[%add3A_73, %dma_wait3A_89] : memref<131584x8xf32, #tpu.memory_space<vmem_shared>> -> memref<2048x8xf32, #tpu.memory_space<vmem_shared>>
        tpu.wait_dma2 semaphore(%run_scoped3A_80 : memref<!tpu.dma_semaphore, #tpu.memory_space<semaphore_mem>>) src(%dma_wait3A_90 : memref<2048x8xf32, #tpu.memory_space<vmem_shared>>) dst(%dma_wait3A_88 : memref<2048x8xf32, #tpu.memory_space<hbm>>)
        tpu.yield
      }) : () -> ()
      %add3A_76 = arith.constant 6144 : i32
      %add3A_77 = arith.addi %mul3A_4, %add3A_76 : i32
      %add3A_78 = arith.constant 3 : i32
      %add3A_79 = arith.addi %add3A_63, %add3A_78 : i32
      "tpu.region"() ({
        %run_scoped3A_80 = tpu.sem_alloc : memref<!tpu.dma_semaphore, #tpu.memory_space<semaphore_mem>>
        %dma_start3A = arith.constant 0 : i32
        %dma_start3A_81 = arith.constant 0 : i32
        %dma_start3A_82 = tpu.memref_slice %arg7[%add3A_79, %dma_start3A, %dma_start3A_81] : memref<2048x2048x8xf32, #tpu.memory_space<hbm>> -> memref<1x2048x8xf32, #tpu.memory_space<hbm>>
        %dma_start3A_83 = tpu.memref_squeeze %dma_start3A_82 : memref<1x2048x8xf32, #tpu.memory_space<hbm>> -> memref<2048x8xf32, #tpu.memory_space<hbm>>
        %dma_start3A_84 = arith.constant 0 : i32
        %dma_start3A_85 = tpu.memref_slice %arg14[%add3A_77, %dma_start3A_84] : memref<131584x8xf32, #tpu.memory_space<vmem_shared>> -> memref<2048x8xf32, #tpu.memory_space<vmem_shared>>
        tpu.enqueue_dma source(%dma_start3A_85 : memref<2048x8xf32, #tpu.memory_space<vmem_shared>>) target(%dma_start3A_83 : memref<2048x8xf32, #tpu.memory_space<hbm>>) target_semaphore(%run_scoped3A_80 : memref<!tpu.dma_semaphore, #tpu.memory_space<semaphore_mem>>)
        %dma_wait3A = arith.constant 0 : i32
        %dma_wait3A_86 = arith.constant 0 : i32
        %dma_wait3A_87 = tpu.memref_slice %arg7[%add3A_79, %dma_wait3A, %dma_wait3A_86] : memref<2048x2048x8xf32, #tpu.memory_space<hbm>> -> memref<1x2048x8xf32, #tpu.memory_space<hbm>>
        %dma_wait3A_88 = tpu.memref_squeeze %dma_wait3A_87 : memref<1x2048x8xf32, #tpu.memory_space<hbm>> -> memref<2048x8xf32, #tpu.memory_space<hbm>>
        %dma_wait3A_89 = arith.constant 0 : i32
        %dma_wait3A_90 = tpu.memref_slice %arg14[%add3A_77, %dma_wait3A_89] : memref<131584x8xf32, #tpu.memory_space<vmem_shared>> -> memref<2048x8xf32, #tpu.memory_space<vmem_shared>>
        tpu.wait_dma2 semaphore(%run_scoped3A_80 : memref<!tpu.dma_semaphore, #tpu.memory_space<semaphore_mem>>) src(%dma_wait3A_90 : memref<2048x8xf32, #tpu.memory_space<vmem_shared>>) dst(%dma_wait3A_88 : memref<2048x8xf32, #tpu.memory_space<hbm>>)
        tpu.yield
      }) : () -> ()
    }
    %scan3A_9 = arith.constant 16 : i32
    return
  }
}

module attributes {stable_mosaic.version = 14 : i64} {
  func.func @_proj_body(%arg0: memref<2048x512xf32, #tpu.memory_space<vmem>>, %arg1: memref<512x512xf32, #tpu.memory_space<vmem>>, %arg2: memref<512x512xf32, #tpu.memory_space<vmem>>, %arg3: memref<8x512xf32, #tpu.memory_space<vmem>>, %arg4: memref<8x512xf32, #tpu.memory_space<vmem>>, %arg5: memref<1024x128xi32, #tpu.memory_space<vmem>>, %arg6: memref<2048x512xf32, #tpu.memory_space<vmem>>, %arg7: memref<2048x512xf32, #tpu.memory_space<vmem>>, %arg8: memref<8x128xi32, #tpu.memory_space<vmem>>) attributes {dimension_semantics = [], scalar_prefetch = 0 : i64, scratch_operands = 0 : i64, tpu.core_type = #tpu.core_type<tc>} {
    %get3A = arith.constant 0 : index
    %get3A_0 = arith.constant 0 : index
    %get3A_1 = vector.load %arg0[%get3A, %get3A_0] : memref<2048x512xf32, #tpu.memory_space<vmem>>, vector<2048x512xf32>
    %get3A_2 = arith.constant 0 : index
    %get3A_3 = arith.constant 0 : index
    %get3A_4 = vector.load %arg1[%get3A_2, %get3A_3] : memref<512x512xf32, #tpu.memory_space<vmem>>, vector<512x512xf32>
    %dot_general3A = arith.constant dense<0.000000e+00> : vector<2048x512xf32>
    %dot_general3A_5 = tpu.matmul %get3A_1, %get3A_4, %dot_general3A {dimension_numbers = #tpu.dot_dimension_numbers<[1], [0], [0], [1], [0, 0, 1, 1], [], []>, transpose_lhs_hint = false} : vector<2048x512xf32>, vector<512x512xf32>, vector<2048x512xf32> -> vector<2048x512xf32>
    %get3A_6 = arith.constant 0 : index
    %get3A_7 = arith.constant 0 : index
    %get3A_8 = vector.load %arg3[%get3A_6, %get3A_7] : memref<8x512xf32, #tpu.memory_space<vmem>>, vector<1x512xf32>
    %add3A = vector.broadcast %get3A_8 : vector<1x512xf32> to vector<2048x512xf32>
    %add3A_9 = arith.addf %dot_general3A_5, %add3A : vector<2048x512xf32>
    %swap3A = arith.constant 0 : index
    %swap3A_10 = arith.constant 0 : index
    %swap3A_11 = vector.load %arg6[%swap3A, %swap3A_10] : memref<2048x512xf32, #tpu.memory_space<vmem>>, vector<2048x512xf32>
    tpu.vector_store %arg6[%swap3A, %swap3A_10], %add3A_9 {strides = array<i32>} : memref<2048x512xf32, #tpu.memory_space<vmem>>, vector<2048x512xf32>,
    %get3A_12 = arith.constant 0 : index
    %get3A_13 = arith.constant 0 : index
    %get3A_14 = vector.load %arg2[%get3A_12, %get3A_13] : memref<512x512xf32, #tpu.memory_space<vmem>>, vector<512x512xf32>
    %dot_general3A_15 = arith.constant dense<0.000000e+00> : vector<2048x512xf32>
    %dot_general3A_16 = tpu.matmul %get3A_1, %get3A_14, %dot_general3A_15 {dimension_numbers = #tpu.dot_dimension_numbers<[1], [0], [0], [1], [0, 0, 1, 1], [], []>, transpose_lhs_hint = false} : vector<2048x512xf32>, vector<512x512xf32>, vector<2048x512xf32> -> vector<2048x512xf32>
    %get3A_17 = arith.constant 0 : index
    %get3A_18 = arith.constant 0 : index
    %get3A_19 = vector.load %arg4[%get3A_17, %get3A_18] : memref<8x512xf32, #tpu.memory_space<vmem>>, vector<1x512xf32>
    %add3A_20 = vector.broadcast %get3A_19 : vector<1x512xf32> to vector<2048x512xf32>
    %add3A_21 = arith.addf %dot_general3A_16, %add3A_20 : vector<2048x512xf32>
    %swap3A_22 = arith.constant 0 : index
    %swap3A_23 = arith.constant 0 : index
    %swap3A_24 = vector.load %arg7[%swap3A_22, %swap3A_23] : memref<2048x512xf32, #tpu.memory_space<vmem>>, vector<2048x512xf32>
    tpu.vector_store %arg7[%swap3A_22, %swap3A_23], %add3A_21 {strides = array<i32>} : memref<2048x512xf32, #tpu.memory_space<vmem>>, vector<2048x512xf32>,
    %get3A_25 = arith.constant 0 : index
    %get3A_26 = arith.constant 0 : index
    %get3A_27 = vector.load %arg5[%get3A_25, %get3A_26] : memref<1024x128xi32, #tpu.memory_space<vmem>>, vector<1024x128xi32>
    %reduce_min3A = vector.shape_cast %get3A_27 : vector<1024x128xi32> to vector<1x1024x128xi32>
    %reduce_min3A_28 = arith.constant dense<2147483647> : vector<1xi32>
    %reduce_min3A_29 = vector.multi_reduction <minsi>, %reduce_min3A, %reduce_min3A_28 [1, 2] : vector<1x1024x128xi32> to vector<1xi32>
    %reduce_min3A_30 = vector.shape_cast %reduce_min3A_29 : vector<1xi32> to vector<1x1x1xi32>
    %reduce_min3A_31 = vector.extract %reduce_min3A_30[0, 0, 0] : i32 from vector<1x1x1xi32>
    %broadcast_in_dim3A = vector.broadcast %reduce_min3A_31 : i32 to vector<8x128xi32>
    %swap3A_32 = arith.constant 0 : index
    %swap3A_33 = arith.constant 0 : index
    %swap3A_34 = vector.load %arg8[%swap3A_32, %swap3A_33] : memref<8x128xi32, #tpu.memory_space<vmem>>, vector<8x128xi32>
    tpu.vector_store %arg8[%swap3A_32, %swap3A_33], %broadcast_in_dim3A {strides = array<i32>} : memref<8x128xi32, #tpu.memory_space<vmem>>, vector<8x128xi32>,
    return
  }
}

module attributes {stable_mosaic.version = 14 : i64} {
  func.func @_af_body(%arg0: i32, %arg1: memref<4096x128xf32, #tpu.memory_space<vmem>>, %arg2: memref<4096x128xf32, #tpu.memory_space<vmem>>, %arg3: memref<4096x128xf32, #tpu.memory_space<vmem>>, %arg4: memref<4x128x128xf32, #tpu.memory_space<vmem>>, %arg5: memref<8x128xf32, #tpu.memory_space<vmem>>, %arg6: memref<64x128xf32, #tpu.memory_space<vmem>>) attributes {dimension_semantics = [#tpu.dimension_semantics<arbitrary>], iteration_bounds = array<i64: 64>, scalar_prefetch = 0 : i64, scratch_operands = 0 : i64, tpu.core_type = #tpu.core_type<tc>, window_params = [{transform_indices = @transform_0, window_bounds = array<i64: 4096, 128>}, {transform_indices = @transform_1, window_bounds = array<i64: 4096, 128>}, {transform_indices = @transform_2, window_bounds = array<i64: 4096, 128>}, {pipeline_mode = #tpu.pipeline_mode<synchronous>, transform_indices = @transform_3, window_bounds = array<i64: 4, 128, 128>}, {pipeline_mode = #tpu.pipeline_mode<synchronous>, transform_indices = @transform_4, window_bounds = array<i64: 8, 128>}, {transform_indices = @transform_5, window_bounds = array<i64: 64, 128>}]} {
    %get3A = arith.constant 0 : index
    %get3A_0 = arith.constant 0 : index
    %get3A_1 = vector.load %arg1[%get3A, %get3A_0] : memref<4096x128xf32, #tpu.memory_space<vmem>>, vector<4096x128xf32>
    %get3A_2 = arith.constant 0 : index
    %get3A_3 = arith.constant 0 : index
    %get3A_4 = vector.load %arg2[%get3A_2, %get3A_3] : memref<4096x128xf32, #tpu.memory_space<vmem>>, vector<4096x128xf32>
    %mul3A = arith.mulf %get3A_1, %get3A_4 : vector<4096x128xf32>
    %get3A_5 = arith.constant 0 : index
    %get3A_6 = arith.constant 0 : index
    %get3A_7 = vector.load %arg3[%get3A_5, %get3A_6] : memref<4096x128xf32, #tpu.memory_space<vmem>>, vector<4096x128xf32>
    %mul3A_8 = arith.mulf %mul3A, %get3A_7 : vector<4096x128xf32>
    %reshape3A = vector.shape_cast %mul3A_8 : vector<4096x128xf32> to vector<1024x4x128xf32>
    %slice3A = vector.extract_strided_slice %reshape3A {offsets = [0, 0, 0], sizes = [1024, 1, 128], strides = [1, 1, 1]} : vector<1024x4x128xf32> to vector<1024x1x128xf32>
    %squeeze3A = vector.shape_cast %slice3A : vector<1024x1x128xf32> to vector<1024x128xf32>
    %get3A_9 = arith.constant 0 : index
    %get3A_10 = arith.constant 0 : index
    %get3A_11 = arith.constant 0 : index
    %get3A_12 = vector.load %arg4[%get3A_9, %get3A_10, %get3A_11] : memref<4x128x128xf32, #tpu.memory_space<vmem>>, vector<1x128x128xf32>
    %get3A_13 = vector.shape_cast %get3A_12 : vector<1x128x128xf32> to vector<128x128xf32>
    %dot_general3A = arith.constant dense<0.000000e+00> : vector<1024x128xf32>
    %dot_general3A_14 = tpu.matmul %squeeze3A, %get3A_13, %dot_general3A {dimension_numbers = #tpu.dot_dimension_numbers<[1], [0], [0], [1], [0, 0, 1, 1], [], []>, transpose_lhs_hint = false} : vector<1024x128xf32>, vector<128x128xf32>, vector<1024x128xf32> -> vector<1024x128xf32>
    %add3A = arith.constant 0.000000e+00 : f32
    %add3A_15 = vector.broadcast %add3A : f32 to vector<1024x128xf32>
    %add3A_16 = arith.addf %add3A_15, %dot_general3A_14 : vector<1024x128xf32>
    %slice3A_17 = vector.extract_strided_slice %reshape3A {offsets = [0, 1, 0], sizes = [1024, 1, 128], strides = [1, 1, 1]} : vector<1024x4x128xf32> to vector<1024x1x128xf32>
    %squeeze3A_18 = vector.shape_cast %slice3A_17 : vector<1024x1x128xf32> to vector<1024x128xf32>
    %get3A_19 = arith.constant 1 : index
    %get3A_20 = arith.constant 0 : index
    %get3A_21 = arith.constant 0 : index
    %get3A_22 = vector.load %arg4[%get3A_19, %get3A_20, %get3A_21] : memref<4x128x128xf32, #tpu.memory_space<vmem>>, vector<1x128x128xf32>
    %get3A_23 = vector.shape_cast %get3A_22 : vector<1x128x128xf32> to vector<128x128xf32>
    %dot_general3A_24 = arith.constant dense<0.000000e+00> : vector<1024x128xf32>
    %dot_general3A_25 = tpu.matmul %squeeze3A_18, %get3A_23, %dot_general3A_24 {dimension_numbers = #tpu.dot_dimension_numbers<[1], [0], [0], [1], [0, 0, 1, 1], [], []>, transpose_lhs_hint = false} : vector<1024x128xf32>, vector<128x128xf32>, vector<1024x128xf32> -> vector<1024x128xf32>
    %add3A_26 = arith.addf %add3A_16, %dot_general3A_25 : vector<1024x128xf32>
    %slice3A_27 = vector.extract_strided_slice %reshape3A {offsets = [0, 2, 0], sizes = [1024, 1, 128], strides = [1, 1, 1]} : vector<1024x4x128xf32> to vector<1024x1x128xf32>
    %squeeze3A_28 = vector.shape_cast %slice3A_27 : vector<1024x1x128xf32> to vector<1024x128xf32>
    %get3A_29 = arith.constant 2 : index
    %get3A_30 = arith.constant 0 : index
    %get3A_31 = arith.constant 0 : index
    %get3A_32 = vector.load %arg4[%get3A_29, %get3A_30, %get3A_31] : memref<4x128x128xf32, #tpu.memory_space<vmem>>, vector<1x128x128xf32>
    %get3A_33 = vector.shape_cast %get3A_32 : vector<1x128x128xf32> to vector<128x128xf32>
    %dot_general3A_34 = arith.constant dense<0.000000e+00> : vector<1024x128xf32>
    %dot_general3A_35 = tpu.matmul %squeeze3A_28, %get3A_33, %dot_general3A_34 {dimension_numbers = #tpu.dot_dimension_numbers<[1], [0], [0], [1], [0, 0, 1, 1], [], []>, transpose_lhs_hint = false} : vector<1024x128xf32>, vector<128x128xf32>, vector<1024x128xf32> -> vector<1024x128xf32>
    %add3A_36 = arith.addf %add3A_26, %dot_general3A_35 : vector<1024x128xf32>
    %slice3A_37 = vector.extract_strided_slice %reshape3A {offsets = [0, 3, 0], sizes = [1024, 1, 128], strides = [1, 1, 1]} : vector<1024x4x128xf32> to vector<1024x1x128xf32>
    %squeeze3A_38 = vector.shape_cast %slice3A_37 : vector<1024x1x128xf32> to vector<1024x128xf32>
    %get3A_39 = arith.constant 3 : index
    %get3A_40 = arith.constant 0 : index
    %get3A_41 = arith.constant 0 : index
    %get3A_42 = vector.load %arg4[%get3A_39, %get3A_40, %get3A_41] : memref<4x128x128xf32, #tpu.memory_space<vmem>>, vector<1x128x128xf32>
    %get3A_43 = vector.shape_cast %get3A_42 : vector<1x128x128xf32> to vector<128x128xf32>
    %dot_general3A_44 = arith.constant dense<0.000000e+00> : vector<1024x128xf32>
    %dot_general3A_45 = tpu.matmul %squeeze3A_38, %get3A_43, %dot_general3A_44 {dimension_numbers = #tpu.dot_dimension_numbers<[1], [0], [0], [1], [0, 0, 1, 1], [], []>, transpose_lhs_hint = false} : vector<1024x128xf32>, vector<128x128xf32>, vector<1024x128xf32> -> vector<1024x128xf32>
    %add3A_46 = arith.addf %add3A_36, %dot_general3A_45 : vector<1024x128xf32>
    %reshape3A_47 = vector.shape_cast %add3A_46 : vector<1024x128xf32> to vector<64x16x128xf32>
    %iota3A = tpu.iota {dimensions = array<i32: 0>} : vector<16x128xi32>
    %iota3A_48 = tpu.iota {dimensions = array<i32: 1>} : vector<16x128xi32>
    %jit3A = arith.constant 8 : i32
    %div3A = vector.broadcast %jit3A : i32 to vector<16x128xi32>
    %div3A_49 = arith.divsi %iota3A_48, %div3A : vector<16x128xi32>
    %sign3A = arith.constant 0 : i32
    %sign3A_50 = vector.broadcast %sign3A : i32 to vector<16x128xi32>
    %sign3A_51 = arith.cmpi sgt, %iota3A_48, %sign3A_50 : vector<16x128xi32>
    %sign3A_52 = arith.extui %sign3A_51 : vector<16x128xi1> to vector<16x128xi32>
    %sign3A_53 = arith.constant 0 : i32
    %sign3A_54 = vector.broadcast %sign3A_53 : i32 to vector<16x128xi32>
    %sign3A_55 = arith.cmpi slt, %iota3A_48, %sign3A_54 : vector<16x128xi32>
    %sign3A_56 = arith.extui %sign3A_55 : vector<16x128xi1> to vector<16x128xi32>
    %sign3A_57 = arith.subi %sign3A_52, %sign3A_56 : vector<16x128xi32>
    %sign3A_58 = arith.constant 0 : i32
    %sign3A_59 = arith.cmpi sgt, %jit3A, %sign3A_58 : i32
    %sign3A_60 = arith.extui %sign3A_59 : i1 to i32
    %sign3A_61 = arith.constant 0 : i32
    %sign3A_62 = arith.cmpi slt, %jit3A, %sign3A_61 : i32
    %sign3A_63 = arith.extui %sign3A_62 : i1 to i32
    %sign3A_64 = arith.subi %sign3A_60, %sign3A_63 : i32
    %ne3A = vector.broadcast %sign3A_64 : i32 to vector<16x128xi32>
    %ne3A_65 = arith.cmpi ne, %sign3A_57, %ne3A : vector<16x128xi32>
    %rem3A = vector.broadcast %jit3A : i32 to vector<16x128xi32>
    %rem3A_66 = arith.remsi %iota3A_48, %rem3A : vector<16x128xi32>
    %ne3A_67 = arith.constant 0 : i32
    %ne3A_68 = vector.broadcast %ne3A_67 : i32 to vector<16x128xi32>
    %ne3A_69 = arith.cmpi ne, %rem3A_66, %ne3A_68 : vector<16x128xi32>
    %and3A = arith.andi %ne3A_65, %ne3A_69 : vector<16x128xi1>
    %sub3A = arith.constant 1 : i32
    %sub3A_70 = vector.broadcast %sub3A : i32 to vector<16x128xi32>
    %sub3A_71 = arith.subi %div3A_49, %sub3A_70 : vector<16x128xi32>
    %select_n3A = arith.select %and3A, %sub3A_71, %div3A_49 : vector<16x128xi1>, vector<16x128xi32>
    %eq3A = arith.cmpi eq, %iota3A, %select_n3A : vector<16x128xi32>
    %convert_element_type3A = arith.extui %eq3A : vector<16x128xi1> to vector<16x128xi32>
    %convert_element_type3A_72 = arith.sitofp %convert_element_type3A : vector<16x128xi32> to vector<16x128xf32>
    %broadcast_in_dim3A = vector.shape_cast %convert_element_type3A_72 : vector<16x128xf32> to vector<1x16x128xf32>
    %mul3A_73 = vector.broadcast %broadcast_in_dim3A : vector<1x16x128xf32> to vector<64x16x128xf32>
    %mul3A_74 = arith.mulf %reshape3A_47, %mul3A_73 : vector<64x16x128xf32>
    %reduce_sum3A = arith.constant dense<0.000000e+00> : vector<64x128xf32>
    %reduce_sum3A_75 = vector.multi_reduction <add>, %mul3A_74, %reduce_sum3A [1] : vector<64x16x128xf32> to vector<64x128xf32>
    %get3A_76 = arith.constant 0 : index
    %get3A_77 = arith.constant 0 : index
    %get3A_78 = vector.load %arg5[%get3A_76, %get3A_77] : memref<8x128xf32, #tpu.memory_space<vmem>>, vector<1x128xf32>
    %add3A_79 = vector.broadcast %get3A_78 : vector<1x128xf32> to vector<64x128xf32>
    %add3A_80 = arith.addf %reduce_sum3A_75, %add3A_79 : vector<64x128xf32>
    %swap3A = arith.constant 0 : index
    %swap3A_81 = arith.constant 0 : index
    %swap3A_82 = vector.load %arg6[%swap3A, %swap3A_81] : memref<64x128xf32, #tpu.memory_space<vmem>>, vector<64x128xf32>
    tpu.vector_store %arg6[%swap3A, %swap3A_81], %add3A_80 {strides = array<i32>} : memref<64x128xf32, #tpu.memory_space<vmem>>, vector<64x128xf32>,
    return
  }
  func.func @transform_0(%arg0: i32) -> (i32, i32) {
    %c0_i32 = arith.constant 0 : i32
    %c0_i32_0 = arith.constant 0 : i32
    return %arg0, %c0_i32 : i32, i32
  }
  func.func @transform_1(%arg0: i32) -> (i32, i32) {
    %c0_i32 = arith.constant 0 : i32
    %c0_i32_0 = arith.constant 0 : i32
    return %arg0, %c0_i32 : i32, i32
  }
  func.func @transform_2(%arg0: i32) -> (i32, i32) {
    %c0_i32 = arith.constant 0 : i32
    %c0_i32_0 = arith.constant 0 : i32
    return %arg0, %c0_i32 : i32, i32
  }
  func.func @transform_3(%arg0: i32) -> (i32, i32, i32) {
    %c0_i32 = arith.constant 0 : i32
    %c0_i32_0 = arith.constant 0 : i32
    %c0_i32_1 = arith.constant 0 : i32
    %c0_i32_2 = arith.constant 0 : i32
    return %c0_i32, %c0_i32_0, %c0_i32_1 : i32, i32, i32
  }
  func.func @transform_4(%arg0: i32) -> (i32, i32) {
    %c0_i32 = arith.constant 0 : i32
    %c0_i32_0 = arith.constant 0 : i32
    %c0_i32_1 = arith.constant 0 : i32
    return %c0_i32, %c0_i32_0 : i32, i32
  }
  func.func @transform_5(%arg0: i32) -> (i32, i32) {
    %c0_i32 = arith.constant 0 : i32
    %c0_i32_0 = arith.constant 0 : i32
    return %arg0, %c0_i32 : i32, i32
  }
}

module attributes {stable_mosaic.version = 14 : i64} {
  func.func @_rowsum_body(%arg0: i32, %arg1: memref<2048x128xf32, #tpu.memory_space<vmem>>, %arg2: memref<8x128xf32, #tpu.memory_space<vmem>>, %arg3: memref<1x1x128xf32, #tpu.memory_space<vmem>>) attributes {dimension_semantics = [#tpu.dimension_semantics<arbitrary>], iteration_bounds = array<i64: 128>, scalar_prefetch = 0 : i64, scratch_operands = 0 : i64, tpu.core_type = #tpu.core_type<tc>, window_params = [{transform_indices = @transform_0, window_bounds = array<i64: 2048, 128>}, {pipeline_mode = #tpu.pipeline_mode<synchronous>, transform_indices = @transform_1, window_bounds = array<i64: 8, 128>}, {transform_indices = @transform_2, window_bounds = array<i64: 1, 1, 128>}]} {
    %get3A = arith.constant 0 : index
    %get3A_0 = arith.constant 0 : index
    %get3A_1 = vector.load %arg1[%get3A, %get3A_0] : memref<2048x128xf32, #tpu.memory_space<vmem>>, vector<2048x128xf32>
    %get3A_2 = arith.constant 0 : index
    %get3A_3 = arith.constant 0 : index
    %get3A_4 = vector.load %arg2[%get3A_2, %get3A_3] : memref<8x128xf32, #tpu.memory_space<vmem>>, vector<1x1xf32>
    %get3A_5 = vector.extract %get3A_4[0, 0] : f32 from vector<1x1xf32>
    %add3A = vector.broadcast %get3A_5 : f32 to vector<2048x128xf32>
    %add3A_6 = arith.addf %get3A_1, %add3A : vector<2048x128xf32>
    %logistic3A = arith.negf %add3A_6 : vector<2048x128xf32>
    %logistic3A_7 = math.exp %logistic3A : vector<2048x128xf32>
    %logistic3A_8 = arith.constant 1.000000e+00 : f32
    %logistic3A_9 = vector.broadcast %logistic3A_8 : f32 to vector<2048x128xf32>
    %logistic3A_10 = arith.addf %logistic3A_9, %logistic3A_7 : vector<2048x128xf32>
    %logistic3A_11 = arith.divf %logistic3A_9, %logistic3A_10 : vector<2048x128xf32>
    %iota3A = tpu.iota {dimensions = array<i32: 0>} : vector<2048x128xi32>
    %iota3A_12 = tpu.iota {dimensions = array<i32: 1>} : vector<2048x128xi32>
    %jit3A = arith.constant 128 : i32
    %eq3A = arith.constant 0 : i32
    %eq3A_13 = arith.cmpi eq, %jit3A, %eq3A : i32
    %jit3A_14 = arith.constant 1 : i32
    %select_n3A = arith.select %eq3A_13, %jit3A_14, %jit3A : i32
    %rem3A = vector.broadcast %select_n3A : i32 to vector<2048x128xi32>
    %rem3A_15 = arith.remsi %iota3A, %rem3A : vector<2048x128xi32>
    %ne3A = arith.constant 0 : i32
    %ne3A_16 = vector.broadcast %ne3A : i32 to vector<2048x128xi32>
    %ne3A_17 = arith.cmpi ne, %rem3A_15, %ne3A_16 : vector<2048x128xi32>
    %lt3A = arith.constant 0 : i32
    %lt3A_18 = vector.broadcast %lt3A : i32 to vector<2048x128xi32>
    %lt3A_19 = arith.cmpi slt, %rem3A_15, %lt3A_18 : vector<2048x128xi32>
    %lt3A_20 = arith.constant 0 : i32
    %lt3A_21 = arith.cmpi slt, %select_n3A, %lt3A_20 : i32
    %ne3A_22 = vector.broadcast %lt3A_21 : i1 to vector<2048x128xi1>
    %ne3A_23 = vector.broadcast %ne3A_22 : vector<2048x128xi1> to vector<2048x128xi1>
    %ne3A_24 = arith.xori %lt3A_19, %ne3A_23 : vector<2048x128xi1>
    %and3A = arith.andi %ne3A_24, %ne3A_17 : vector<2048x128xi1>
    %add3A_25 = vector.broadcast %select_n3A : i32 to vector<2048x128xi32>
    %add3A_26 = arith.addi %rem3A_15, %add3A_25 : vector<2048x128xi32>
    %select_n3A_27 = arith.select %and3A, %add3A_26, %rem3A_15 : vector<2048x128xi1>, vector<2048x128xi32>
    %mul3A = arith.constant 16 : i32
    %mul3A_28 = vector.broadcast %mul3A : i32 to vector<2048x128xi32>
    %mul3A_29 = arith.muli %select_n3A_27, %mul3A_28 : vector<2048x128xi32>
    %jit3A_30 = arith.constant 8 : i32
    %div3A = vector.broadcast %jit3A_30 : i32 to vector<2048x128xi32>
    %div3A_31 = arith.divsi %iota3A_12, %div3A : vector<2048x128xi32>
    %sign3A = arith.constant 0 : i32
    %sign3A_32 = vector.broadcast %sign3A : i32 to vector<2048x128xi32>
    %sign3A_33 = arith.cmpi sgt, %iota3A_12, %sign3A_32 : vector<2048x128xi32>
    %sign3A_34 = arith.extui %sign3A_33 : vector<2048x128xi1> to vector<2048x128xi32>
    %sign3A_35 = arith.constant 0 : i32
    %sign3A_36 = vector.broadcast %sign3A_35 : i32 to vector<2048x128xi32>
    %sign3A_37 = arith.cmpi slt, %iota3A_12, %sign3A_36 : vector<2048x128xi32>
    %sign3A_38 = arith.extui %sign3A_37 : vector<2048x128xi1> to vector<2048x128xi32>
    %sign3A_39 = arith.subi %sign3A_34, %sign3A_38 : vector<2048x128xi32>
    %sign3A_40 = arith.constant 0 : i32
    %sign3A_41 = arith.cmpi sgt, %jit3A_30, %sign3A_40 : i32
    %sign3A_42 = arith.extui %sign3A_41 : i1 to i32
    %sign3A_43 = arith.constant 0 : i32
    %sign3A_44 = arith.cmpi slt, %jit3A_30, %sign3A_43 : i32
    %sign3A_45 = arith.extui %sign3A_44 : i1 to i32
    %sign3A_46 = arith.subi %sign3A_42, %sign3A_45 : i32
    %ne3A_47 = vector.broadcast %sign3A_46 : i32 to vector<2048x128xi32>
    %ne3A_48 = arith.cmpi ne, %sign3A_39, %ne3A_47 : vector<2048x128xi32>
    %rem3A_49 = vector.broadcast %jit3A_30 : i32 to vector<2048x128xi32>
    %rem3A_50 = arith.remsi %iota3A_12, %rem3A_49 : vector<2048x128xi32>
    %ne3A_51 = arith.constant 0 : i32
    %ne3A_52 = vector.broadcast %ne3A_51 : i32 to vector<2048x128xi32>
    %ne3A_53 = arith.cmpi ne, %rem3A_50, %ne3A_52 : vector<2048x128xi32>
    %and3A_54 = arith.andi %ne3A_48, %ne3A_53 : vector<2048x128xi1>
    %sub3A = arith.constant 1 : i32
    %sub3A_55 = vector.broadcast %sub3A : i32 to vector<2048x128xi32>
    %sub3A_56 = arith.subi %div3A_31, %sub3A_55 : vector<2048x128xi32>
    %select_n3A_57 = arith.select %and3A_54, %sub3A_56, %div3A_31 : vector<2048x128xi1>, vector<2048x128xi32>
    %add3A_58 = arith.addi %mul3A_29, %select_n3A_57 : vector<2048x128xi32>
    %mul3A_59 = arith.constant 16 : i32
    %mul3A_60 = arith.muli %arg0, %mul3A_59 : i32
    %jit3A_61 = arith.constant 128 : i32
    %div3A_62 = vector.broadcast %jit3A_61 : i32 to vector<2048x128xi32>
    %div3A_63 = arith.divsi %iota3A, %div3A_62 : vector<2048x128xi32>
    %sign3A_64 = arith.constant 0 : i32
    %sign3A_65 = vector.broadcast %sign3A_64 : i32 to vector<2048x128xi32>
    %sign3A_66 = arith.cmpi sgt, %iota3A, %sign3A_65 : vector<2048x128xi32>
    %sign3A_67 = arith.extui %sign3A_66 : vector<2048x128xi1> to vector<2048x128xi32>
    %sign3A_68 = arith.constant 0 : i32
    %sign3A_69 = vector.broadcast %sign3A_68 : i32 to vector<2048x128xi32>
    %sign3A_70 = arith.cmpi slt, %iota3A, %sign3A_69 : vector<2048x128xi32>
    %sign3A_71 = arith.extui %sign3A_70 : vector<2048x128xi1> to vector<2048x128xi32>
    %sign3A_72 = arith.subi %sign3A_67, %sign3A_71 : vector<2048x128xi32>
    %sign3A_73 = arith.constant 0 : i32
    %sign3A_74 = arith.cmpi sgt, %jit3A_61, %sign3A_73 : i32
    %sign3A_75 = arith.extui %sign3A_74 : i1 to i32
    %sign3A_76 = arith.constant 0 : i32
    %sign3A_77 = arith.cmpi slt, %jit3A_61, %sign3A_76 : i32
    %sign3A_78 = arith.extui %sign3A_77 : i1 to i32
    %sign3A_79 = arith.subi %sign3A_75, %sign3A_78 : i32
    %ne3A_80 = vector.broadcast %sign3A_79 : i32 to vector<2048x128xi32>
    %ne3A_81 = arith.cmpi ne, %sign3A_72, %ne3A_80 : vector<2048x128xi32>
    %rem3A_82 = vector.broadcast %jit3A_61 : i32 to vector<2048x128xi32>
    %rem3A_83 = arith.remsi %iota3A, %rem3A_82 : vector<2048x128xi32>
    %ne3A_84 = arith.constant 0 : i32
    %ne3A_85 = vector.broadcast %ne3A_84 : i32 to vector<2048x128xi32>
    %ne3A_86 = arith.cmpi ne, %rem3A_83, %ne3A_85 : vector<2048x128xi32>
    %and3A_87 = arith.andi %ne3A_81, %ne3A_86 : vector<2048x128xi1>
    %sub3A_88 = arith.constant 1 : i32
    %sub3A_89 = vector.broadcast %sub3A_88 : i32 to vector<2048x128xi32>
    %sub3A_90 = arith.subi %div3A_63, %sub3A_89 : vector<2048x128xi32>
    %select_n3A_91 = arith.select %and3A_87, %sub3A_90, %div3A_63 : vector<2048x128xi1>, vector<2048x128xi32>
    %add3A_92 = vector.broadcast %mul3A_60 : i32 to vector<2048x128xi32>
    %add3A_93 = arith.addi %add3A_92, %select_n3A_91 : vector<2048x128xi32>
    %eq3A_94 = arith.cmpi eq, %add3A_58, %add3A_93 : vector<2048x128xi32>
    %jit3A_95 = arith.constant 0.000000e+00 : f32
    %broadcast_in_dim3A = vector.broadcast %jit3A_95 : f32 to vector<2048x128xf32>
    %select_n3A_96 = arith.select %eq3A_94, %broadcast_in_dim3A, %logistic3A_11 : vector<2048x128xi1>, vector<2048x128xf32>
    %reshape3A = vector.shape_cast %select_n3A_96 : vector<2048x128xf32> to vector<16x128x128xf32>
    %reduce_sum3A = arith.constant dense<0.000000e+00> : vector<16x128xf32>
    %reduce_sum3A_97 = vector.multi_reduction <add>, %reshape3A, %reduce_sum3A [1] : vector<16x128x128xf32> to vector<16x128xf32>
    %iota3A_98 = tpu.iota {dimensions = array<i32: 0>} : vector<128x128xi32>
    %iota3A_99 = tpu.iota {dimensions = array<i32: 1>} : vector<128x128xi32>
    %jit3A_100 = arith.constant 8 : i32
    %eq3A_101 = arith.constant 0 : i32
    %eq3A_102 = arith.cmpi eq, %jit3A_100, %eq3A_101 : i32
    %jit3A_103 = arith.constant 1 : i32
    %select_n3A_104 = arith.select %eq3A_102, %jit3A_103, %jit3A_100 : i32
    %rem3A_105 = vector.broadcast %select_n3A_104 : i32 to vector<128x128xi32>
    %rem3A_106 = arith.remsi %iota3A_98, %rem3A_105 : vector<128x128xi32>
    %ne3A_107 = arith.constant 0 : i32
    %ne3A_108 = vector.broadcast %ne3A_107 : i32 to vector<128x128xi32>
    %ne3A_109 = arith.cmpi ne, %rem3A_106, %ne3A_108 : vector<128x128xi32>
    %lt3A_110 = arith.constant 0 : i32
    %lt3A_111 = vector.broadcast %lt3A_110 : i32 to vector<128x128xi32>
    %lt3A_112 = arith.cmpi slt, %rem3A_106, %lt3A_111 : vector<128x128xi32>
    %lt3A_113 = arith.constant 0 : i32
    %lt3A_114 = arith.cmpi slt, %select_n3A_104, %lt3A_113 : i32
    %ne3A_115 = vector.broadcast %lt3A_114 : i1 to vector<128x128xi1>
    %ne3A_116 = vector.broadcast %ne3A_115 : vector<128x128xi1> to vector<128x128xi1>
    %ne3A_117 = arith.xori %lt3A_112, %ne3A_116 : vector<128x128xi1>
    %and3A_118 = arith.andi %ne3A_117, %ne3A_109 : vector<128x128xi1>
    %add3A_119 = vector.broadcast %select_n3A_104 : i32 to vector<128x128xi32>
    %add3A_120 = arith.addi %rem3A_106, %add3A_119 : vector<128x128xi32>
    %select_n3A_121 = arith.select %and3A_118, %add3A_120, %rem3A_106 : vector<128x128xi1>, vector<128x128xi32>
    %jit3A_122 = arith.constant 8 : i32
    %eq3A_123 = arith.constant 0 : i32
    %eq3A_124 = arith.cmpi eq, %jit3A_122, %eq3A_123 : i32
    %jit3A_125 = arith.constant 1 : i32
    %select_n3A_126 = arith.select %eq3A_124, %jit3A_125, %jit3A_122 : i32
    %rem3A_127 = vector.broadcast %select_n3A_126 : i32 to vector<128x128xi32>
    %rem3A_128 = arith.remsi %iota3A_99, %rem3A_127 : vector<128x128xi32>
    %ne3A_129 = arith.constant 0 : i32
    %ne3A_130 = vector.broadcast %ne3A_129 : i32 to vector<128x128xi32>
    %ne3A_131 = arith.cmpi ne, %rem3A_128, %ne3A_130 : vector<128x128xi32>
    %lt3A_132 = arith.constant 0 : i32
    %lt3A_133 = vector.broadcast %lt3A_132 : i32 to vector<128x128xi32>
    %lt3A_134 = arith.cmpi slt, %rem3A_128, %lt3A_133 : vector<128x128xi32>
    %lt3A_135 = arith.constant 0 : i32
    %lt3A_136 = arith.cmpi slt, %select_n3A_126, %lt3A_135 : i32
    %ne3A_137 = vector.broadcast %lt3A_136 : i1 to vector<128x128xi1>
    %ne3A_138 = vector.broadcast %ne3A_137 : vector<128x128xi1> to vector<128x128xi1>
    %ne3A_139 = arith.xori %lt3A_134, %ne3A_138 : vector<128x128xi1>
    %and3A_140 = arith.andi %ne3A_139, %ne3A_131 : vector<128x128xi1>
    %add3A_141 = vector.broadcast %select_n3A_126 : i32 to vector<128x128xi32>
    %add3A_142 = arith.addi %rem3A_128, %add3A_141 : vector<128x128xi32>
    %select_n3A_143 = arith.select %and3A_140, %add3A_142, %rem3A_128 : vector<128x128xi1>, vector<128x128xi32>
    %eq3A_144 = arith.cmpi eq, %select_n3A_121, %select_n3A_143 : vector<128x128xi32>
    %convert_element_type3A = arith.extui %eq3A_144 : vector<128x128xi1> to vector<128x128xi32>
    %convert_element_type3A_145 = arith.sitofp %convert_element_type3A : vector<128x128xi32> to vector<128x128xf32>
    %dot_general3A = arith.constant dense<0.000000e+00> : vector<16x128xf32>
    %dot_general3A_146 = tpu.matmul %reduce_sum3A_97, %convert_element_type3A_145, %dot_general3A {dimension_numbers = #tpu.dot_dimension_numbers<[1], [0], [0], [1], [0, 0, 1, 1], [], []>, transpose_lhs_hint = false} : vector<16x128xf32>, vector<128x128xf32>, vector<16x128xf32> -> vector<16x128xf32>
    %iota3A_147 = tpu.iota {dimensions = array<i32: 0>} : vector<16x128xi32>
    %iota3A_148 = tpu.iota {dimensions = array<i32: 1>} : vector<16x128xi32>
    %jit3A_149 = arith.constant 8 : i32
    %div3A_150 = vector.broadcast %jit3A_149 : i32 to vector<16x128xi32>
    %div3A_151 = arith.divsi %iota3A_148, %div3A_150 : vector<16x128xi32>
    %sign3A_152 = arith.constant 0 : i32
    %sign3A_153 = vector.broadcast %sign3A_152 : i32 to vector<16x128xi32>
    %sign3A_154 = arith.cmpi sgt, %iota3A_148, %sign3A_153 : vector<16x128xi32>
    %sign3A_155 = arith.extui %sign3A_154 : vector<16x128xi1> to vector<16x128xi32>
    %sign3A_156 = arith.constant 0 : i32
    %sign3A_157 = vector.broadcast %sign3A_156 : i32 to vector<16x128xi32>
    %sign3A_158 = arith.cmpi slt, %iota3A_148, %sign3A_157 : vector<16x128xi32>
    %sign3A_159 = arith.extui %sign3A_158 : vector<16x128xi1> to vector<16x128xi32>
    %sign3A_160 = arith.subi %sign3A_155, %sign3A_159 : vector<16x128xi32>
    %sign3A_161 = arith.constant 0 : i32
    %sign3A_162 = arith.cmpi sgt, %jit3A_149, %sign3A_161 : i32
    %sign3A_163 = arith.extui %sign3A_162 : i1 to i32
    %sign3A_164 = arith.constant 0 : i32
    %sign3A_165 = arith.cmpi slt, %jit3A_149, %sign3A_164 : i32
    %sign3A_166 = arith.extui %sign3A_165 : i1 to i32
    %sign3A_167 = arith.subi %sign3A_163, %sign3A_166 : i32
    %ne3A_168 = vector.broadcast %sign3A_167 : i32 to vector<16x128xi32>
    %ne3A_169 = arith.cmpi ne, %sign3A_160, %ne3A_168 : vector<16x128xi32>
    %rem3A_170 = vector.broadcast %jit3A_149 : i32 to vector<16x128xi32>
    %rem3A_171 = arith.remsi %iota3A_148, %rem3A_170 : vector<16x128xi32>
    %ne3A_172 = arith.constant 0 : i32
    %ne3A_173 = vector.broadcast %ne3A_172 : i32 to vector<16x128xi32>
    %ne3A_174 = arith.cmpi ne, %rem3A_171, %ne3A_173 : vector<16x128xi32>
    %and3A_175 = arith.andi %ne3A_169, %ne3A_174 : vector<16x128xi1>
    %sub3A_176 = arith.constant 1 : i32
    %sub3A_177 = vector.broadcast %sub3A_176 : i32 to vector<16x128xi32>
    %sub3A_178 = arith.subi %div3A_151, %sub3A_177 : vector<16x128xi32>
    %select_n3A_179 = arith.select %and3A_175, %sub3A_178, %div3A_151 : vector<16x128xi1>, vector<16x128xi32>
    %eq3A_180 = arith.cmpi eq, %iota3A_147, %select_n3A_179 : vector<16x128xi32>
    %convert_element_type3A_181 = arith.extui %eq3A_180 : vector<16x128xi1> to vector<16x128xi32>
    %convert_element_type3A_182 = arith.sitofp %convert_element_type3A_181 : vector<16x128xi32> to vector<16x128xf32>
    %mul3A_183 = arith.mulf %dot_general3A_146, %convert_element_type3A_182 : vector<16x128xf32>
    %reduce_sum3A_184 = arith.constant dense<0.000000e+00> : vector<128xf32>
    %reduce_sum3A_185 = vector.multi_reduction <add>, %mul3A_183, %reduce_sum3A_184 [0] : vector<16x128xf32> to vector<128xf32>
    %broadcast_in_dim3A_186 = vector.shape_cast %reduce_sum3A_185 : vector<128xf32> to vector<1x128xf32>
    %div3A_187 = arith.constant 1.000000e+00 : f32
    %div3A_188 = vector.broadcast %div3A_187 : f32 to vector<1x128xf32>
    %div3A_189 = arith.divf %div3A_188, %broadcast_in_dim3A_186 : vector<1x128xf32>
    %reshape3A_190 = vector.shape_cast %div3A_189 : vector<1x128xf32> to vector<1x1x128xf32>
    %swap3A = arith.constant 0 : index
    %swap3A_191 = arith.constant 0 : index
    %swap3A_192 = arith.constant 0 : index
    %swap3A_193 = vector.load %arg3[%swap3A, %swap3A_191, %swap3A_192] : memref<1x1x128xf32, #tpu.memory_space<vmem>>, vector<1x1x128xf32>
    tpu.vector_store %arg3[%swap3A, %swap3A_191, %swap3A_192], %reshape3A_190 {strides = array<i32>} : memref<1x1x128xf32, #tpu.memory_space<vmem>>, vector<1x1x128xf32>,
    return
  }
  func.func @transform_0(%arg0: i32) -> (i32, i32) {
    %c0_i32 = arith.constant 0 : i32
    %c0_i32_0 = arith.constant 0 : i32
    return %arg0, %c0_i32 : i32, i32
  }
  func.func @transform_1(%arg0: i32) -> (i32, i32) {
    %c0_i32 = arith.constant 0 : i32
    %c0_i32_0 = arith.constant 0 : i32
    %c0_i32_1 = arith.constant 0 : i32
    return %c0_i32, %c0_i32_0 : i32, i32
  }
  func.func @transform_2(%arg0: i32) -> (i32, i32, i32) {
    %c0_i32 = arith.constant 0 : i32
    %c0_i32_0 = arith.constant 0 : i32
    %c0_i32_1 = arith.constant 0 : i32
    return %arg0, %c0_i32, %c0_i32_0 : i32, i32, i32
  }
}

module attributes {stable_mosaic.version = 14 : i64} {
  func.func @_norm_body(%arg0: i32, %arg1: memref<2048x128xf32, #tpu.memory_space<vmem>>, %arg2: memref<128x1x128xf32, #tpu.memory_space<vmem>>, %arg3: memref<8x128xf32, #tpu.memory_space<vmem>>, %arg4: memref<2048x128xf32, #tpu.memory_space<vmem>>) attributes {dimension_semantics = [#tpu.dimension_semantics<arbitrary>], iteration_bounds = array<i64: 128>, scalar_prefetch = 0 : i64, scratch_operands = 0 : i64, tpu.core_type = #tpu.core_type<tc>, window_params = [{transform_indices = @transform_0, window_bounds = array<i64: 2048, 128>}, {pipeline_mode = #tpu.pipeline_mode<synchronous>, transform_indices = @transform_1, window_bounds = array<i64: 128, 1, 128>}, {pipeline_mode = #tpu.pipeline_mode<synchronous>, transform_indices = @transform_2, window_bounds = array<i64: 8, 128>}, {transform_indices = @transform_3, window_bounds = array<i64: 2048, 128>}]} {
    %get3A = arith.constant 0 : index
    %get3A_0 = arith.constant 0 : index
    %get3A_1 = vector.load %arg1[%get3A, %get3A_0] : memref<2048x128xf32, #tpu.memory_space<vmem>>, vector<2048x128xf32>
    %get3A_2 = arith.constant 0 : index
    %get3A_3 = arith.constant 0 : index
    %get3A_4 = vector.load %arg3[%get3A_2, %get3A_3] : memref<8x128xf32, #tpu.memory_space<vmem>>, vector<1x1xf32>
    %get3A_5 = vector.extract %get3A_4[0, 0] : f32 from vector<1x1xf32>
    %add3A = vector.broadcast %get3A_5 : f32 to vector<2048x128xf32>
    %add3A_6 = arith.addf %get3A_1, %add3A : vector<2048x128xf32>
    %logistic3A = arith.negf %add3A_6 : vector<2048x128xf32>
    %logistic3A_7 = math.exp %logistic3A : vector<2048x128xf32>
    %logistic3A_8 = arith.constant 1.000000e+00 : f32
    %logistic3A_9 = vector.broadcast %logistic3A_8 : f32 to vector<2048x128xf32>
    %logistic3A_10 = arith.addf %logistic3A_9, %logistic3A_7 : vector<2048x128xf32>
    %logistic3A_11 = arith.divf %logistic3A_9, %logistic3A_10 : vector<2048x128xf32>
    %iota3A = tpu.iota {dimensions = array<i32: 0>} : vector<2048x128xi32>
    %iota3A_12 = tpu.iota {dimensions = array<i32: 1>} : vector<2048x128xi32>
    %jit3A = arith.constant 128 : i32
    %eq3A = arith.constant 0 : i32
    %eq3A_13 = arith.cmpi eq, %jit3A, %eq3A : i32
    %jit3A_14 = arith.constant 1 : i32
    %select_n3A = arith.select %eq3A_13, %jit3A_14, %jit3A : i32
    %rem3A = vector.broadcast %select_n3A : i32 to vector<2048x128xi32>
    %rem3A_15 = arith.remsi %iota3A, %rem3A : vector<2048x128xi32>
    %ne3A = arith.constant 0 : i32
    %ne3A_16 = vector.broadcast %ne3A : i32 to vector<2048x128xi32>
    %ne3A_17 = arith.cmpi ne, %rem3A_15, %ne3A_16 : vector<2048x128xi32>
    %lt3A = arith.constant 0 : i32
    %lt3A_18 = vector.broadcast %lt3A : i32 to vector<2048x128xi32>
    %lt3A_19 = arith.cmpi slt, %rem3A_15, %lt3A_18 : vector<2048x128xi32>
    %lt3A_20 = arith.constant 0 : i32
    %lt3A_21 = arith.cmpi slt, %select_n3A, %lt3A_20 : i32
    %ne3A_22 = vector.broadcast %lt3A_21 : i1 to vector<2048x128xi1>
    %ne3A_23 = vector.broadcast %ne3A_22 : vector<2048x128xi1> to vector<2048x128xi1>
    %ne3A_24 = arith.xori %lt3A_19, %ne3A_23 : vector<2048x128xi1>
    %and3A = arith.andi %ne3A_24, %ne3A_17 : vector<2048x128xi1>
    %add3A_25 = vector.broadcast %select_n3A : i32 to vector<2048x128xi32>
    %add3A_26 = arith.addi %rem3A_15, %add3A_25 : vector<2048x128xi32>
    %select_n3A_27 = arith.select %and3A, %add3A_26, %rem3A_15 : vector<2048x128xi1>, vector<2048x128xi32>
    %mul3A = arith.constant 16 : i32
    %mul3A_28 = vector.broadcast %mul3A : i32 to vector<2048x128xi32>
    %mul3A_29 = arith.muli %select_n3A_27, %mul3A_28 : vector<2048x128xi32>
    %jit3A_30 = arith.constant 8 : i32
    %div3A = vector.broadcast %jit3A_30 : i32 to vector<2048x128xi32>
    %div3A_31 = arith.divsi %iota3A_12, %div3A : vector<2048x128xi32>
    %sign3A = arith.constant 0 : i32
    %sign3A_32 = vector.broadcast %sign3A : i32 to vector<2048x128xi32>
    %sign3A_33 = arith.cmpi sgt, %iota3A_12, %sign3A_32 : vector<2048x128xi32>
    %sign3A_34 = arith.extui %sign3A_33 : vector<2048x128xi1> to vector<2048x128xi32>
    %sign3A_35 = arith.constant 0 : i32
    %sign3A_36 = vector.broadcast %sign3A_35 : i32 to vector<2048x128xi32>
    %sign3A_37 = arith.cmpi slt, %iota3A_12, %sign3A_36 : vector<2048x128xi32>
    %sign3A_38 = arith.extui %sign3A_37 : vector<2048x128xi1> to vector<2048x128xi32>
    %sign3A_39 = arith.subi %sign3A_34, %sign3A_38 : vector<2048x128xi32>
    %sign3A_40 = arith.constant 0 : i32
    %sign3A_41 = arith.cmpi sgt, %jit3A_30, %sign3A_40 : i32
    %sign3A_42 = arith.extui %sign3A_41 : i1 to i32
    %sign3A_43 = arith.constant 0 : i32
    %sign3A_44 = arith.cmpi slt, %jit3A_30, %sign3A_43 : i32
    %sign3A_45 = arith.extui %sign3A_44 : i1 to i32
    %sign3A_46 = arith.subi %sign3A_42, %sign3A_45 : i32
    %ne3A_47 = vector.broadcast %sign3A_46 : i32 to vector<2048x128xi32>
    %ne3A_48 = arith.cmpi ne, %sign3A_39, %ne3A_47 : vector<2048x128xi32>
    %rem3A_49 = vector.broadcast %jit3A_30 : i32 to vector<2048x128xi32>
    %rem3A_50 = arith.remsi %iota3A_12, %rem3A_49 : vector<2048x128xi32>
    %ne3A_51 = arith.constant 0 : i32
    %ne3A_52 = vector.broadcast %ne3A_51 : i32 to vector<2048x128xi32>
    %ne3A_53 = arith.cmpi ne, %rem3A_50, %ne3A_52 : vector<2048x128xi32>
    %and3A_54 = arith.andi %ne3A_48, %ne3A_53 : vector<2048x128xi1>
    %sub3A = arith.constant 1 : i32
    %sub3A_55 = vector.broadcast %sub3A : i32 to vector<2048x128xi32>
    %sub3A_56 = arith.subi %div3A_31, %sub3A_55 : vector<2048x128xi32>
    %select_n3A_57 = arith.select %and3A_54, %sub3A_56, %div3A_31 : vector<2048x128xi1>, vector<2048x128xi32>
    %add3A_58 = arith.addi %mul3A_29, %select_n3A_57 : vector<2048x128xi32>
    %mul3A_59 = arith.constant 16 : i32
    %mul3A_60 = arith.muli %arg0, %mul3A_59 : i32
    %jit3A_61 = arith.constant 128 : i32
    %div3A_62 = vector.broadcast %jit3A_61 : i32 to vector<2048x128xi32>
    %div3A_63 = arith.divsi %iota3A, %div3A_62 : vector<2048x128xi32>
    %sign3A_64 = arith.constant 0 : i32
    %sign3A_65 = vector.broadcast %sign3A_64 : i32 to vector<2048x128xi32>
    %sign3A_66 = arith.cmpi sgt, %iota3A, %sign3A_65 : vector<2048x128xi32>
    %sign3A_67 = arith.extui %sign3A_66 : vector<2048x128xi1> to vector<2048x128xi32>
    %sign3A_68 = arith.constant 0 : i32
    %sign3A_69 = vector.broadcast %sign3A_68 : i32 to vector<2048x128xi32>
    %sign3A_70 = arith.cmpi slt, %iota3A, %sign3A_69 : vector<2048x128xi32>
    %sign3A_71 = arith.extui %sign3A_70 : vector<2048x128xi1> to vector<2048x128xi32>
    %sign3A_72 = arith.subi %sign3A_67, %sign3A_71 : vector<2048x128xi32>
    %sign3A_73 = arith.constant 0 : i32
    %sign3A_74 = arith.cmpi sgt, %jit3A_61, %sign3A_73 : i32
    %sign3A_75 = arith.extui %sign3A_74 : i1 to i32
    %sign3A_76 = arith.constant 0 : i32
    %sign3A_77 = arith.cmpi slt, %jit3A_61, %sign3A_76 : i32
    %sign3A_78 = arith.extui %sign3A_77 : i1 to i32
    %sign3A_79 = arith.subi %sign3A_75, %sign3A_78 : i32
    %ne3A_80 = vector.broadcast %sign3A_79 : i32 to vector<2048x128xi32>
    %ne3A_81 = arith.cmpi ne, %sign3A_72, %ne3A_80 : vector<2048x128xi32>
    %rem3A_82 = vector.broadcast %jit3A_61 : i32 to vector<2048x128xi32>
    %rem3A_83 = arith.remsi %iota3A, %rem3A_82 : vector<2048x128xi32>
    %ne3A_84 = arith.constant 0 : i32
    %ne3A_85 = vector.broadcast %ne3A_84 : i32 to vector<2048x128xi32>
    %ne3A_86 = arith.cmpi ne, %rem3A_83, %ne3A_85 : vector<2048x128xi32>
    %and3A_87 = arith.andi %ne3A_81, %ne3A_86 : vector<2048x128xi1>
    %sub3A_88 = arith.constant 1 : i32
    %sub3A_89 = vector.broadcast %sub3A_88 : i32 to vector<2048x128xi32>
    %sub3A_90 = arith.subi %div3A_63, %sub3A_89 : vector<2048x128xi32>
    %select_n3A_91 = arith.select %and3A_87, %sub3A_90, %div3A_63 : vector<2048x128xi1>, vector<2048x128xi32>
    %add3A_92 = vector.broadcast %mul3A_60 : i32 to vector<2048x128xi32>
    %add3A_93 = arith.addi %add3A_92, %select_n3A_91 : vector<2048x128xi32>
    %eq3A_94 = arith.cmpi eq, %add3A_58, %add3A_93 : vector<2048x128xi32>
    %jit3A_95 = arith.constant 0.000000e+00 : f32
    %broadcast_in_dim3A = vector.broadcast %jit3A_95 : f32 to vector<2048x128xf32>
    %select_n3A_96 = arith.select %eq3A_94, %broadcast_in_dim3A, %logistic3A_11 : vector<2048x128xi1>, vector<2048x128xf32>
    %get3A_97 = arith.constant 0 : index
    %get3A_98 = arith.constant 0 : index
    %get3A_99 = arith.constant 0 : index
    %get3A_100 = vector.load %arg2[%get3A_97, %get3A_98, %get3A_99] : memref<128x1x128xf32, #tpu.memory_space<vmem>>, vector<128x1x128xf32>
    %reshape3A = vector.shape_cast %get3A_100 : vector<128x1x128xf32> to vector<128x128xf32>
    %broadcast_in_dim3A_101 = vector.shape_cast %reshape3A : vector<128x128xf32> to vector<1x128x128xf32>
    %broadcast_in_dim3A_102 = vector.shape_cast %broadcast_in_dim3A_101 : vector<1x128x128xf32> to vector<1x128x128xf32>
    %broadcast_in_dim3A_103 = vector.broadcast %broadcast_in_dim3A_102 : vector<1x128x128xf32> to vector<16x128x128xf32>
    %reshape3A_104 = vector.shape_cast %broadcast_in_dim3A_103 : vector<16x128x128xf32> to vector<2048x128xf32>
    %mul3A_105 = arith.mulf %select_n3A_96, %reshape3A_104 : vector<2048x128xf32>
    %swap3A = arith.constant 0 : index
    %swap3A_106 = arith.constant 0 : index
    %swap3A_107 = vector.load %arg4[%swap3A, %swap3A_106] : memref<2048x128xf32, #tpu.memory_space<vmem>>, vector<2048x128xf32>
    tpu.vector_store %arg4[%swap3A, %swap3A_106], %mul3A_105 {strides = array<i32>} : memref<2048x128xf32, #tpu.memory_space<vmem>>, vector<2048x128xf32>,
    return
  }
  func.func @transform_0(%arg0: i32) -> (i32, i32) {
    %c0_i32 = arith.constant 0 : i32
    %c0_i32_0 = arith.constant 0 : i32
    return %arg0, %c0_i32 : i32, i32
  }
  func.func @transform_1(%arg0: i32) -> (i32, i32, i32) {
    %c0_i32 = arith.constant 0 : i32
    %c0_i32_0 = arith.constant 0 : i32
    %c0_i32_1 = arith.constant 0 : i32
    %c0_i32_2 = arith.constant 0 : i32
    return %c0_i32, %c0_i32_0, %c0_i32_1 : i32, i32, i32
  }
  func.func @transform_2(%arg0: i32) -> (i32, i32) {
    %c0_i32 = arith.constant 0 : i32
    %c0_i32_0 = arith.constant 0 : i32
    %c0_i32_1 = arith.constant 0 : i32
    return %c0_i32, %c0_i32_0 : i32, i32
  }
  func.func @transform_3(%arg0: i32) -> (i32, i32) {
    %c0_i32 = arith.constant 0 : i32
    %c0_i32_0 = arith.constant 0 : i32
    return %arg0, %c0_i32 : i32, i32
  }
}

</mosaic_0001>

<sc_bundles>
// kernel: kernel.11.cloned.1.call-start
scs
__scs_entry_jumppad:
0x0: {  	(pc) =	sbr.rel $0x88, $3  }
0x1: {  	(tag) =	ssettag $0x0;
	lr =	simm.s32 $0x1  }
0x2: {  	[smem:$0x3F97] =	sst lr;
	_ =	strace $0xD0000000  }
0x3: {  	_ = 	snop  }
0x4: {  	_ = 	snop  }
0x5: {  	_ = 	snop  }
0x6: {  	_ = 	snop  }
0x7: {  	_ = 	snop  }
__scs_overlays_trampoline_lowered:
0x8: {  	[smem:$0x3FA6] =	sst s0  }
0x9: {  	[smem:$0x3FA7] =	sst s1  }
0xa: {  	[smem:$0x3FA8] =	sst s2  }
0xb: {  	[smem:$0x3FA9] =	sst s3  }
0xc: {  	[smem:$0x3FAA] =	sst s4  }
0xd: {  	[smem:$0x3FAB] =	sst s5  }
0xe: {  	[smem:$0x3FAC] =	sst s6  }
0xf: {  	[smem:$0x3FAD] =	sst s7  }
0x10: {  	[smem:$0x3FAE] =	sst s8  }
0x11: {  	[smem:$0x3FAF] =	sst s9;
	s0 =	simm.s32 @!p0 $0x0  }
0x12: {  	s1 =	sld [smem:$0x3F95];
	s0 =	simm.s32 @p0 $0x1  }
0x13: {  	[smem:$0x3FB0] =	sst s0;
	s0 =	simm.s32 @!p1 $0x0  }
0x14: {  	s2 =	sld [smem:$0x3F94];
	s0 =	simm.s32 @p1 $0x1  }
0x15: {  	[smem:$0x3FB1] =	sst s0;
	s0 =	simm.s32 @!p2 $0x0  }
0x16: {  	s3 =	sld [smem:$0x3FDB];
	s0 =	simm.s32 @p2 $0x1  }
0x17: {  	s4 =	simm.s32 $0x1BF5;
	[smem:$0x3FB3] =	sst s0  }
0x18: {  	s0 =	sld [smem:$0x3F96];
	_ =	swait.ge [sflag:s4], $0x0  }
0x19: {  	s7 =	sld [smem:$0x3F97]  }
0x1a: {  	s8 =	sadd.s32 $0xFFFFE003, lr  }
0x1b: {  	s9 =	sadd.s32 $0xFFFFFEF7, lr;
	s5 =	simm.s32 $0xFFFFFFFF;
	p2 =	slt.u32 s8, $0xFFFFF086  }
0x1c: {  	p1 =	slt.u32 s9, $0xF7A;
	s5 =	simm.s32 @!p2 $0x0  }
0x1d: {  	s5 =	simm.s32 @p1 $0x1;
	p0 =	seq.s32 s7, s2  }
0x1e: {  	s7 =	smul.u32 @!p0 $0xF7A, s2;
	p2 =	seq.s32 @!p0 s5, $0x0  }
0x1f: {  	s9 =	smul.u32 $0xF7A, s1;
	s8 =	simm.s32 @!p0 $0x1BF5;
	p2 =	por !p2, p0  }
0x20: {  	[sflag:s8] =	ssyncset.s32 @!p0 $0xFFFFF086;
	s6 =	sadd.s32 @!p0 s3, s7;
	s7 =	simm.s32 @!p0 $0x108  }
0x21: {  	s3 =	sadd.s32 s3, s9;
	s6 =	sadd.s32 @!p0 $0x88, s6;
	s7 =	simm.s32 @p2 $0x1082  }
0x22: {  	[simem:s7], [sflag:s8] =	dma.local @!p0 [hbm:s6], $0xF7A  }
0x23: {  	s9 =	sor.u32 $0xD0000000, s2;
	s6 =	simm.s32 $0x108;
	_ =	swait.ge @!p0 [sflag:s8], $0x0  }
0x24: {  	s3 =	sadd.s32 $0x88, s3;
	s6 =	simm.s32 @!p1 $0x1082;
	[sflag:s4] =	ssyncset.s32 $0xFFFFF086  }
0x25: {  	[simem:s6], [sflag:s4] =	dma.local [hbm:s3], $0xF7A  }
0x26: {  	[smem:$0x3F97] =	sst s1;
	(tag) =	ssettag s2;
	_ =	strace s9  }
0x27: {  	s1 =	sld [smem:$0x3FA7]  }
0x28: {  	s2 =	sld [smem:$0x3FA8]  }
0x29: {  	s4 =	sld [smem:$0x3FAA]  }
0x2a: {  	p0 =	seq.s32 s5, $0x0;
	s5 =	sld [smem:$0x3FAB]  }
0x2b: {  	s6 =	sld [smem:$0x3FAC]  }
0x2c: {  	s7 =	sld [smem:$0x3FAD]  }
0x2d: {  	s3 =	simm.s32 $0x108;
	s8 =	sld [smem:$0x3FAE]  }
0x2e: {  	s3 =	simm.s32 @!p0 $0x1082;
	s9 =	sld [smem:$0x3FAF]  }
0x2f: {  	lr =	sadd.s32 s0, s3;
	s0 =	sld [smem:$0x3FA6]  }
0x30: {  	s3 =	sld [smem:$0x3FA9]  }
0x31: {  	[smem:$0x3FB2] =	sst s10  }
0x32: {  	s10 =	sld [smem:$0x3FB0];
	_ =	sdelay $0x3  }
0x33: {  	p0 =	seq.s32 s10, $0x1;
	s10 =	sld [smem:$0x3FB2];
	_ =	sdelay $0x3  }
0x34: {  	[smem:$0x3FB2] =	sst s10  }
0x35: {  	s10 =	sld [smem:$0x3FB1];
	_ =	sdelay $0x3  }
0x36: {  	p1 =	seq.s32 s10, $0x1;
	s10 =	sld [smem:$0x3FB2];
	_ =	sdelay $0x3  }
0x37: {  	[smem:$0x3FB2] =	sst s10  }
0x38: {  	s10 =	sld [smem:$0x3FB3]  }
0x39: {  	_ = 	snop;
	(pc) =	sbr.ind lr, $3  }
0x3a: {  	_ = 	snop  }
0x3b: {  	_ = 	snop  }
0x3c: {  	p2 =	seq.s32 s10, $0x1;
	s10 =	sld [smem:$0x3FB2]  }
0x3d: {  	_ =	shalt  }
0x3e: {  	_ =	shalt  }
0x3f: {  	_ =	shalt  }
0x40: {  	_ =	shalt  }
0x41: {  	_ =	shalt  }
0x42: {  	_ =	shalt  }
0x43: {  	_ =	shalt  }
0x44: {  	_ =	shalt  }
0x45: {  	_ =	shalt  }
0x46: {  	_ =	shalt  }
0x47: {  	_ =	shalt  }
0x48: {  	_ =	shalt  }
0x49: {  	_ =	shalt  }
0x4a: {  	_ =	shalt  }
0x4b: {  	_ =	shalt  }
0x4c: {  	_ =	shalt  }
0x4d: {  	_ =	shalt  }
0x4e: {  	_ =	shalt  }
0x4f: {  	_ =	shalt  }
0x50: {  	_ =	shalt  }
0x51: {  	_ =	shalt  }
0x52: {  	_ =	shalt  }
0x53: {  	_ =	shalt  }
0x54: {  	_ =	shalt  }
0x55: {  	_ =	shalt  }
0x56: {  	_ =	shalt  }
0x57: {  	_ =	shalt  }
0x58: {  	_ =	shalt  }
0x59: {  	_ =	shalt  }
0x5a: {  	_ =	shalt  }
0x5b: {  	_ =	shalt  }
0x5c: {  	_ =	shalt  }
0x5d: {  	_ =	shalt  }
0x5e: {  	_ =	shalt  }
0x5f: {  	_ =	shalt  }
0x60: {  	_ =	shalt  }
0x61: {  	_ =	shalt  }
0x62: {  	_ =	shalt  }
0x63: {  	_ =	shalt  }
0x64: {  	_ =	shalt  }
0x65: {  	_ =	shalt  }
0x66: {  	_ =	shalt  }
0x67: {  	_ =	shalt  }
0x68: {  	_ =	shalt  }
0x69: {  	_ =	shalt  }
0x6a: {  	_ =	shalt  }
0x6b: {  	_ =	shalt  }
0x6c: {  	_ =	shalt  }
0x6d: {  	_ =	shalt  }
0x6e: {  	_ =	shalt  }
0x6f: {  	_ =	shalt  }
0x70: {  	_ =	shalt  }
0x71: {  	_ =	shalt  }
0x72: {  	_ =	shalt  }
0x73: {  	_ =	shalt  }
0x74: {  	_ =	shalt  }
0x75: {  	_ =	shalt  }
0x76: {  	_ =	shalt  }
0x77: {  	_ =	shalt  }
0x78: {  	_ =	shalt  }
0x79: {  	_ =	shalt  }
0x7a: {  	_ =	shalt  }
0x7b: {  	_ =	shalt  }
0x7c: {  	_ =	shalt  }
0x7d: {  	_ =	shalt  }
0x7e: {  	_ =	shalt  }
0x7f: {  	_ =	shalt  }
0x80: {  	_ =	shalt  }
0x81: {  	_ =	shalt  }
0x82: {  	_ =	shalt  }
0x83: {  	_ =	shalt  }
0x84: {  	_ =	shalt  }
0x85: {  	_ =	shalt  }
0x86: {  	_ =	shalt  }
0x87: {  	_ =	shalt  }
.Lfunc_end0:
.L_simem_size_0:
called_computation.2_lowered:
.L_overlay_start_0:
0x88: {  	s2 =	sld [smem:$0x3FD9]  }
0x89: {  	s3 =	sld [smem:$0x3FFE];
	_ =	sdelay $0x1  }
0x8a: {  	s1 =	srdreg.scid  }
0x8b: {  	s0 =	sand.u32 $0x1, s1  }
0x8c: {  	s17 =	sshll.u32 s0, $0xA;
	s2 =	sadd.s32 s3, s2  }
0x8d: {  	s2 =	sadd.s32 s2, s17  }
0x8e: {  	[smem:$0x3FBE] =	sst s2  }
0x8f: {  	_ = 	snop  }
0x90: {  	s2 =	sld [smem:$0x3FD0];
	(tm) =	ssettm $0x1  }
0x91: {  	s18 =	sld [smem:$0x3FFB];
	_ =	sdelay $0x3  }
0x92: {  	_ =	strace s18  }
0x93: {  	s3 =	sld [smem:$0x3FFC];
	_ =	sdelay $0x3  }
0x94: {  	_ =	strace s3  }
0x95: {  	s3 =	sld [smem:$0x3FFD];
	_ =	sdelay $0x3  }
0x96: {  	_ =	strace s3  }
0x97: {  	_ =	strace $0x8FFFFFFF  }
0x98: {  	s19 =	sld [smem:$0x3FDB];
	_ =	sdelay $0x1  }
0x99: {  	s4 =	simm.s32 $_scs_section_size  }
0x9a: {  	s5 =	simm.s32 $_size__tile_overlayer_lowered;
	s6 =	simm.s32 $_tile_overlayer_lowered  }
0x9b: {  	s22 =	simm.s32 $0x1BFF;
	s21 =	sshll.u32 s6, $0x1;
	s3 =	sadd.s32 s4, s19  }
0x9c: {  	s7 =	simm.s32 $0x0;
	s20 =	sshll.u32 s5, $0x1;
	s5 =	sadd.s32 s21, s3  }
0x9d: {  	[timem:s7], [sflag:s22] =	dma.local [hbm:s5], s20  }
0x9e: {  	_ =	swait.ge [sflag:s22], s20  }
0x9f: {  	s4 =	ssub.s32 $0x0, s20;
	[sflag:s22] =	ssyncset.done $0x0  }
0xa0: {  	[sflag:s22] =	ssyncadd.s32 s4;
	_ =	sdelay $0x1  }
0xa1: {  	s23 =	simm.s32 $0x1B8B  }
0xa2: {  	_ =	swait.ge [sflag:s23], $0x1  }
0xa3: {  	[sflag:s23] =	ssyncset.done $0x0  }
0xa4: {  	s25 =	simm.s32 $0x1B8E;
	s24 =	sld [smem:$0x3FFE];
	[sflag:s23] =	ssyncadd.s32 $0xFFFFFFFF  }
0xa5: {  	s26 =	simm.s32 $execute0_lowered;
	[smem:$0x3FD2] =	sst s25  }
0xa6: {  	s5 =	sshll.u32 s26, $0x1;
	_ =	strace $0x80000049;
	[dreg:$0x1] =	wrdreg $0xFFFFFFFF  }
0xa7: {  	s28 =	simm.s32 $_size_execute0_lowered;
	s3 =	sadd.s32 s3, s5;
	[dreg:$0x0] =	wrdreg $0x0  }
0xa8: {  	s5 =	sshll.u32 s28, $0x1;
	[dreg:$0x2] =	wrdreg s3  }
0xa9: {  	[dreg:$0x3] =	wrdreg s5  }
0xaa: {  	[dreg:$0x4] =	wrdreg $0xC0  }
0xab: {  	_ =	task [dreg:s7], $0x5FFFF  }
0xac: {  	[dreg:$0x1] =	wrdreg $0xFFFFFFFF  }
0xad: {  	[dreg:$0x0] =	wrdreg $0x60  }
0xae: {  	[dreg:$0x2] =	wrdreg s2  }
0xaf: {  	[dreg:$0x3] =	wrdreg s24  }
0xb0: {  	[dreg:$0x4] =	wrdreg $0xF0100  }
0xb1: {  	[dreg:$0x5] =	wrdreg $0x9  }
0xb2: {  	_ =	task.clear_ibuf [dreg:s7], $0x6FFFF;
	_ =	strace $0x90000049  }
0xb3: {  	s29 =	simm.s32 $0x9;
	_ =	strace $0x8000004B  }
0xb4: {  	_ =	swait.ge [sflag:s29], $0x1  }
0xb5: {  	[sflag:s29] =	ssyncadd.s32 $0xFFFFFFFF  }
0xb6: {  	_ =	strace $0x9000004B  }
0xb7: {  	_ =	sfence  }
0xb8: {  	s30 =	sld [smem:$0x0];
	_ =	sdelay $0x2  }
0xb9: {  	s31 =	sshll.u32 s1, $0xD;
	s1 =	sshrl.u32 s1, $0x2  }
0xba: {  	s3 =	sand.u32 $0x4000, s31;
	s1 =	sadd.s32 s1, s30  }
0xbb: {  	s0 =	sor.u32 s3, s0;
	s1 =	sshll.u32 s1, $0x11  }
0xbc: {  	s0 =	sor.u32 s1, s0  }
0xbd: {  	s0 =	sadd.s32 $0x8F2B, s0  }
0xbe: {  	[sflag:s0] =	ssyncadd.remote.s32 $0x1  }
0xbf: {  	_ =	sfence.sel $0xFFFF  }
0xc0: {  	[dreg:$0x0] =	wrdreg $0xFFFFFFFF;
	(pc) =	sbr.abs _section_cstart, $3  }
0xc1: {  	[dreg:$0x1] =	wrdreg $0xFFFFFFFF  }
0xc2: {  	_ =	task.clear_ibuf [dreg:s7], $0x2FFFF;
	_ =	strace $0x9FFFFFFF  }
0xc3: {  	(tm) =	ssettm $0x7FFFFFFF  }
tec
execute0_lowered:
.L_overlay_start_1:
0x0: {  	(tag) =	ssettag $0x1  }
0x1: {  	s0 =	rddreg [dreg:$0x0]  }
0x2: {  	s1 =	rddreg [dreg:$0x1]  }
0x3: {  	s2 =	rddreg [dreg:$0x2];
	s4 =	simm.s32 $0x0  }
0x4: {  	s8 =	stileid.u32;
	s3 =	srdreg.scid;
	s21 =	simm.s32 $0x1  }
0x5: {  	s20 =	simm.s32 $0x7000;
	s22 =	simm.s32 $0xAE80;
	s23 =	simm.s32 $0x7400  }
0x6: {  	s9 =	simm.s32 $0x0;
	s31 =	simm.s32 $0x0;
	[smem:$0x7FF] =	sst s4  }
0x7: {  	s24 =	sshll.u32 s8, $0x9;
	s3 =	sand.u32 $0x1, s3;
	s6 =	sadd.s32 $0x845A00, s1  }
0x8: {  	s25 =	sadd.s32 $0x5A00, s1;
	s28 =	sshll.u32 s8, $0xC;
	s29 =	sshll.u32 s8, $0x10  }
0x9: {  	s15 =	sshll.u32 s8, $0xD;
	s16 =	sadd.s32 $0x6A00, s1;
	s17 =	sadd.s32 $0x7200, s1  }
0xa: {  	s18 =	sadd.s32 $0x7A00, s1;
	s8 =	simm.s32 $0x7C00;
	_ =	strace $0x8000004A  }
0xb: {  	s4 =	sadd.s32 s24, s1;
	s5 =	ssub.s32 $0x2, s3;
	[dreg:$0x4] =	wrdreg s6  }
0xc: {  	[dreg:$0x5] =	wrdreg s25;
	s6 =	sadd.s32 $0x6200, s1;
	s0 =	sadd.s32 s0, s28  }
0xd: {  	s10 =	sshll.u32 s3, $0xA;
	s11 =	sadd.s32 s29, s2;
	s24 =	simm.s32 $0xB000  }
0xe: {  	s25 =	simm.s32 $0x80;
	s3 =	simm.s32 $0x6C00;
	s7 =	sshrl.u32 s5, $0x1  }
0xf: {  	s26 =	sadd.s32 $0x3A00, s4;
	s4 =	sadd.s32 $0x1A00, s4;
	[dreg:$0x8] =	wrdreg s0  }
0x10: {  	s12 =	sadd.s32 $0x4000, s11;
	s13 =	sadd.s32 $0x8000, s11;
	s14 =	sadd.s32 $0xC000, s11  }
0x11: {  	s0 =	simm.s32 $0xAE00;
	s5 =	ssub.s32 s5, s7;
	[dreg:$0x6] =	wrdreg s26  }
0x12: {  	[dreg:$0x7] =	wrdreg s4;
	s4 =	simm.s32 $0xAF00;
	s30 =	smax.u32 s5, $0x1  }
0x13: {  	v0 =	vlaneseq.u32;
	s7 =	simm.s32 $0xAF80;
	s5 =	simm.s32 $0x7800;
	[dreg:$0x9] =	wrdreg s30  }
.LBB2_1:
0x14: {  	[dreg:$0xa] =	wrdreg s9  }
0x15: {  	s1 =	simm.s32 $0x0;
	s28 =	rddreg [dreg:$0x4];
	s19 =	simm.s32 $0xF000  }
0x16: {  	[tilespmem:s19], [sflag:$0x1] =	stream.linear.gather [hbm4b:s28+s1], $0x10, $0x38;
	[tilespmem:$0x1F110] =	vst v63  }
0x17: {  	_ =	swait.ge [sflag:s21], $0x10  }
0x18: {  	[sflag:s21] =	ssyncset.done $0x0  }
0x19: {  	s30 =	simm.s32 $0x8000;
	s29 =	rddreg [dreg:$0x6];
	[sflag:s21] =	ssyncadd.s32 $0xFFFFFFF0  }
0x1a: {  	v1 =	vld [tilespmem:$0xF000];
	[tilespmem:s30], [sflag:$0x1] =	stream.linear.gather [hbm4b:s29+s1], $0x1000, $0x38  }
0x1b: {  	_ =	swait.ge [sflag:s21], $0x1000  }
0x1c: {  	[sflag:s21] =	ssyncset.done $0x0  }
0x1d: {  	s28 =	simm.s32 $0x9000;
	s26 =	rddreg [dreg:$0x7];
	[sflag:s21] =	ssyncadd.s32 $0xFFFFF000  }
0x1e: {  	[tilespmem:s28], [sflag:$0x1] =	stream.linear.gather [hbm4b:s26+s1], $0x1000, $0x38;
	[tilespmem:$0x1F110] =	vst v63  }
0x1f: {  	_ =	swait.ge [sflag:s21], $0x1000  }
0x20: {  	[sflag:s21] =	ssyncset.done $0x0  }
0x21: {  	s29 =	rddreg [dreg:$0x8];
	[sflag:s21] =	ssyncadd.s32 $0xFFFFF000  }
0x22: {  	[tilespmem:s1], [sflag:$0x1] =	stream.linear.gather [hbm4b:s29+s1], $0x8000, $0x38;
	[tilespmem:$0x1F110] =	vst v63  }
0x23: {  	_ =	swait.ge [sflag:s21], $0x8000  }
0x24: {  	[sflag:s21] =	ssyncset.done $0x0  }
0x25: {  	s30 =	rddreg [dreg:$0x5];
	[sflag:s21] =	ssyncadd.s32 $0xFFFF8000  }
0x26: {  	[tilespmem:s24], [sflag:$0x1] =	stream.linear.gather [hbm4b:s30+s1], $0x4000, $0x38;
	[tilespmem:$0x1F110] =	vst v63  }
0x27: {  	_ =	swait.ge [sflag:s21], $0x4000  }
0x28: {  	[sflag:s21] =	ssyncset.done $0x0  }
0x29: {  	s9 =	simm.s32 $0x0;
	[sflag:s21] =	ssyncadd.s32 $0xFFFFC000  }
.LBB2_2:
0x2a: {  	[spmem:s11] =	stream.linear.scatter [tilespmem:s24], [sflag:$0x1], $0x4000, $0x38;
	[tilespmem:$0x1F110] =	vst v63  }
0x2b: {  	_ =	swait.ge [sflag:s21], $0x4000  }
0x2c: {  	[sflag:s21] =	ssyncset.done $0x0  }
0x2d: {  	[sflag:s21] =	ssyncadd.s32 $0xFFFFC000  }
0x2e: {  	[spmem:s12] =	stream.linear.scatter [tilespmem:s24], [sflag:$0x1], $0x4000, $0x38;
	[tilespmem:$0x1F110] =	vst v63  }
0x2f: {  	_ =	swait.ge [sflag:s21], $0x4000  }
0x30: {  	[sflag:s21] =	ssyncset.done $0x0  }
0x31: {  	[sflag:s21] =	ssyncadd.s32 $0xFFFFC000  }
0x32: {  	[spmem:s13] =	stream.linear.scatter [tilespmem:s24], [sflag:$0x1], $0x4000, $0x38;
	[tilespmem:$0x1F110] =	vst v63  }
0x33: {  	_ =	swait.ge [sflag:s21], $0x4000  }
0x34: {  	[sflag:s21] =	ssyncset.done $0x0  }
0x35: {  	[sflag:s21] =	ssyncadd.s32 $0xFFFFC000  }
0x36: {  	[spmem:s14] =	stream.linear.scatter [tilespmem:s24], [sflag:$0x1], $0x4000, $0x38;
	[tilespmem:$0x1F110] =	vst v63  }
0x37: {  	_ =	swait.ge [sflag:s21], $0x4000  }
0x38: {  	[sflag:s21] =	ssyncset.done $0x0  }
0x39: {  	s1 =	sshll.u32 s9, $0x6;
	[sflag:s21] =	ssyncadd.s32 $0xFFFFC000  }
0x3a: {  	s26 =	simm.s32 $0x0;
	s19 =	sadd.s32 s10, s1;
	[bflag:$0x0] =	sbarrier.arrive $0xFFFF  }
0x3b: {  	v2 =	vmov s19;
	v3 =	vld [tilespmem:s26+$0x8000]  }
0x3c: {  	v2 =	vsub.s32 $0x0, v2;
	v4 =	vld [tilespmem:s26+$0x9000]  }
0x3d: {  	v2 =	vbroadcast v2, $0x0;
	_ =	sdelay $0x1  }
0x3e: {  	s1 =	simm.s32 $0x0;
	v2 =	vsub.s32 v2, v1  }
0x3f: {  	s26 =	sand.u32 $0x1F0, s1;
	v3 =	vadd.s32 v3, v2  }
0x40: {  	s28 =	sand.u32 $0x3E00, s1;
	s26 =	sor.u32 $0x20000, s26;
	v4 =	vsub.s32 v4, v1;
	v5 =	vshll.u32 v3, $0xB  }
0x41: {  	s30 =	sand.u32 $0x70, s1;
	s28 =	sshrl.u32 s28, $0x2;
	v63 =	vor.u32 s26, v0;
	vm0 =	vlt.u32 v3, $0x40;
	v3 =	vadd.s32 v5, v4  }
0x42: {  	s30 =	sor.u32 s30, s28;
	v3 =	vsel vm0, v3, v63  }
0x43: {  	s29 =	simm.s32 $0x10;
	s28 =	simm.s32 $0x80;
	s26 =	simm.s32 $0x40;
	[tilespmem:s30+$0xA000] =	vst v3  }
.LBB2_3:
0x44: {  	p0 =	sne.s32 s28, $0x3FC0;
	v3 =	vld [tilespmem:s29+$0x8000]  }
0x45: {  	v4 =	vld [tilespmem:s29+$0x9000];
	_ =	sdelay $0x2  }
0x46: {  	s1 =	sadd.s32 $0x10, s1  }
.Ltmp0:
0x47: {  	s29 =	sand.u32 $0x1F0, s1;
	v3 =	vadd.s32 v3, v2;
	(pc) =	sbr.rel @p0 .LBB2_3-.Ltmp0, $4  }
0x48: {  	s30 =	sand.u32 $0x3E00, s26;
	s26 =	smov.u32 s28;
	s29 =	sor.u32 $0x20000, s29;
	v4 =	vsub.s32 v4, v1;
	v5 =	vshll.u32 v3, $0xB  }
0x49: {  	s30 =	sshrl.u32 s30, $0x2;
	vm0 =	vlt.u32 v3, $0x40;
	v3 =	vadd.s32 v5, v4;
	v4 =	vor.u32 s29, v0;
	s29 =	sand.u32 $0x70, s1  }
0x4a: {  	v3 =	vsel vm0, v3, v4;
	s30 =	sor.u32 s29, s30  }
0x4b: {  	s28 =	sadd.s32 $0x40, s28;
	s29 =	sshra.s32 s26, $0x2;
	[tilespmem:s30+$0xA000] =	vst v3  }
0x4c: {  	v3 =	vld [tilespmem:s29+$0x8000]  }
0x4d: {  	v4 =	vld [tilespmem:s29+$0x9000];
	_ =	sdelay $0x2  }
0x4e: {  	s1 =	sadd.s32 $0x10, s1  }
0x4f: {  	s28 =	sand.u32 $0x1F0, s1;
	v2 =	vadd.s32 v3, v2  }
0x50: {  	s26 =	sand.u32 $0x3E00, s26;
	s28 =	sor.u32 $0x20000, s28;
	v3 =	vsub.s32 v4, v1;
	v63 =	vshll.u32 v2, $0xB  }
0x51: {  	s1 =	sand.u32 $0x70, s1;
	s26 =	sshrl.u32 s26, $0x2;
	vm0 =	vlt.u32 v2, $0x40;
	v2 =	vadd.s32 v63, v3;
	v3 =	vor.u32 s28, v0  }
0x52: {  	s1 =	sor.u32 s1, s26;
	v2 =	vsel vm0, v2, v3  }
0x53: {  	s30 =	simm.s32 $0xA000;
	[tilespmem:s1+$0xA000] =	vst v2  }
0x54: {  	[spmem:s2] =	stream.indirect.scatter.add.f32 [tilespmem:s31], [sflag:$0x1], $0x8, s30, s25, $0xb8;
	[tilespmem:$0x1F110] =	vst v63  }
0x55: {  	_ =	swait.ge [sflag:s21], $0x400  }
0x56: {  	[sflag:s21] =	ssyncset.done $0x0  }
0x57: {  	s26 =	simm.s32 $0xA080;
	s28 =	simm.s32 $0x400;
	[sflag:s21] =	ssyncadd.s32 $0xFFFFFC00  }
0x58: {  	[spmem:s2] =	stream.indirect.scatter.add.f32 [tilespmem:s28], [sflag:$0x1], $0x8, s26, s25, $0xb8;
	[tilespmem:$0x1F110] =	vst v63  }
0x59: {  	_ =	swait.ge [sflag:s21], $0x400  }
0x5a: {  	[sflag:s21] =	ssyncset.done $0x0  }
0x5b: {  	s29 =	simm.s32 $0xA100;
	s30 =	simm.s32 $0x800;
	[sflag:s21] =	ssyncadd.s32 $0xFFFFFC00  }
0x5c: {  	[spmem:s2] =	stream.indirect.scatter.add.f32 [tilespmem:s30], [sflag:$0x1], $0x8, s29, s25, $0xb8;
	[tilespmem:$0x1F110] =	vst v63  }
0x5d: {  	_ =	swait.ge [sflag:s21], $0x400  }
0x5e: {  	[sflag:s21] =	ssyncset.done $0x0  }
0x5f: {  	s26 =	simm.s32 $0xA180;
	s28 =	simm.s32 $0xC00;
	[sflag:s21] =	ssyncadd.s32 $0xFFFFFC00  }
0x60: {  	[spmem:s2] =	stream.indirect.scatter.add.f32 [tilespmem:s28], [sflag:$0x1], $0x8, s26, s25, $0xb8;
	[tilespmem:$0x1F110] =	vst v63  }
0x61: {  	_ =	swait.ge [sflag:s21], $0x400  }
0x62: {  	[sflag:s21] =	ssyncset.done $0x0  }
0x63: {  	s29 =	simm.s32 $0xA200;
	s30 =	simm.s32 $0x1000;
	[sflag:s21] =	ssyncadd.s32 $0xFFFFFC00  }
0x64: {  	[spmem:s2] =	stream.indirect.scatter.add.f32 [tilespmem:s30], [sflag:$0x1], $0x8, s29, s25, $0xb8;
	[tilespmem:$0x1F110] =	vst v63  }
0x65: {  	_ =	swait.ge [sflag:s21], $0x400  }
0x66: {  	[sflag:s21] =	ssyncset.done $0x0  }
0x67: {  	s26 =	simm.s32 $0xA280;
	s28 =	simm.s32 $0x1400;
	[sflag:s21] =	ssyncadd.s32 $0xFFFFFC00  }
0x68: {  	[spmem:s2] =	stream.indirect.scatter.add.f32 [tilespmem:s28], [sflag:$0x1], $0x8, s26, s25, $0xb8;
	[tilespmem:$0x1F110] =	vst v63  }
0x69: {  	_ =	swait.ge [sflag:s21], $0x400  }
0x6a: {  	[sflag:s21] =	ssyncset.done $0x0  }
0x6b: {  	s29 =	simm.s32 $0xA300;
	s30 =	simm.s32 $0x1800;
	[sflag:s21] =	ssyncadd.s32 $0xFFFFFC00  }
0x6c: {  	[spmem:s2] =	stream.indirect.scatter.add.f32 [tilespmem:s30], [sflag:$0x1], $0x8, s29, s25, $0xb8;
	[tilespmem:$0x1F110] =	vst v63  }
0x6d: {  	_ =	swait.ge [sflag:s21], $0x400  }
0x6e: {  	[sflag:s21] =	ssyncset.done $0x0  }
0x6f: {  	s26 =	simm.s32 $0xA380;
	s28 =	simm.s32 $0x1C00;
	[sflag:s21] =	ssyncadd.s32 $0xFFFFFC00  }
0x70: {  	[spmem:s2] =	stream.indirect.scatter.add.f32 [tilespmem:s28], [sflag:$0x1], $0x8, s26, s25, $0xb8;
	[tilespmem:$0x1F110] =	vst v63  }
0x71: {  	_ =	swait.ge [sflag:s21], $0x400  }
0x72: {  	[sflag:s21] =	ssyncset.done $0x0  }
0x73: {  	s29 =	simm.s32 $0xA400;
	s30 =	simm.s32 $0x2000;
	[sflag:s21] =	ssyncadd.s32 $0xFFFFFC00  }
0x74: {  	[spmem:s2] =	stream.indirect.scatter.add.f32 [tilespmem:s30], [sflag:$0x1], $0x8, s29, s25, $0xb8;
	[tilespmem:$0x1F110] =	vst v63  }
0x75: {  	_ =	swait.ge [sflag:s21], $0x400  }
0x76: {  	[sflag:s21] =	ssyncset.done $0x0  }
0x77: {  	s26 =	simm.s32 $0xA480;
	s28 =	simm.s32 $0x2400;
	[sflag:s21] =	ssyncadd.s32 $0xFFFFFC00  }
0x78: {  	[spmem:s2] =	stream.indirect.scatter.add.f32 [tilespmem:s28], [sflag:$0x1], $0x8, s26, s25, $0xb8;
	[tilespmem:$0x1F110] =	vst v63  }
0x79: {  	_ =	swait.ge [sflag:s21], $0x400  }
0x7a: {  	[sflag:s21] =	ssyncset.done $0x0  }
0x7b: {  	s29 =	simm.s32 $0xA500;
	s30 =	simm.s32 $0x2800;
	[sflag:s21] =	ssyncadd.s32 $0xFFFFFC00  }
0x7c: {  	[spmem:s2] =	stream.indirect.scatter.add.f32 [tilespmem:s30], [sflag:$0x1], $0x8, s29, s25, $0xb8;
	[tilespmem:$0x1F110] =	vst v63  }
0x7d: {  	_ =	swait.ge [sflag:s21], $0x400  }
0x7e: {  	[sflag:s21] =	ssyncset.done $0x0  }
0x7f: {  	s26 =	simm.s32 $0xA580;
	s28 =	simm.s32 $0x2C00;
	[sflag:s21] =	ssyncadd.s32 $0xFFFFFC00  }
0x80: {  	[spmem:s2] =	stream.indirect.scatter.add.f32 [tilespmem:s28], [sflag:$0x1], $0x8, s26, s25, $0xb8;
	[tilespmem:$0x1F110] =	vst v63  }
0x81: {  	_ =	swait.ge [sflag:s21], $0x400  }
0x82: {  	[sflag:s21] =	ssyncset.done $0x0  }
0x83: {  	s29 =	simm.s32 $0xA600;
	s30 =	simm.s32 $0x3000;
	[sflag:s21] =	ssyncadd.s32 $0xFFFFFC00  }
0x84: {  	[spmem:s2] =	stream.indirect.scatter.add.f32 [tilespmem:s30], [sflag:$0x1], $0x8, s29, s25, $0xb8;
	[tilespmem:$0x1F110] =	vst v63  }
0x85: {  	_ =	swait.ge [sflag:s21], $0x400  }
0x86: {  	[sflag:s21] =	ssyncset.done $0x0  }
0x87: {  	s26 =	simm.s32 $0xA680;
	s28 =	simm.s32 $0x3400;
	[sflag:s21] =	ssyncadd.s32 $0xFFFFFC00  }
0x88: {  	[spmem:s2] =	stream.indirect.scatter.add.f32 [tilespmem:s28], [sflag:$0x1], $0x8, s26, s25, $0xb8;
	[tilespmem:$0x1F110] =	vst v63  }
0x89: {  	_ =	swait.ge [sflag:s21], $0x400  }
0x8a: {  	[sflag:s21] =	ssyncset.done $0x0  }
0x8b: {  	s29 =	simm.s32 $0xA700;
	s30 =	simm.s32 $0x3800;
	[sflag:s21] =	ssyncadd.s32 $0xFFFFFC00  }
0x8c: {  	[spmem:s2] =	stream.indirect.scatter.add.f32 [tilespmem:s30], [sflag:$0x1], $0x8, s29, s25, $0xb8;
	[tilespmem:$0x1F110] =	vst v63  }
0x8d: {  	_ =	swait.ge [sflag:s21], $0x400  }
0x8e: {  	[sflag:s21] =	ssyncset.done $0x0  }
0x8f: {  	s26 =	simm.s32 $0xA780;
	s28 =	simm.s32 $0x3C00;
	[sflag:s21] =	ssyncadd.s32 $0xFFFFFC00  }
0x90: {  	[spmem:s2] =	stream.indirect.scatter.add.f32 [tilespmem:s28], [sflag:$0x1], $0x8, s26, s25, $0xb8;
	[tilespmem:$0x1F110] =	vst v63  }
0x91: {  	_ =	swait.ge [sflag:s21], $0x400  }
0x92: {  	[sflag:s21] =	ssyncset.done $0x0  }
0x93: {  	s29 =	simm.s32 $0xA800;
	s30 =	simm.s32 $0x4000;
	[sflag:s21] =	ssyncadd.s32 $0xFFFFFC00  }
0x94: {  	[spmem:s2] =	stream.indirect.scatter.add.f32 [tilespmem:s30], [sflag:$0x1], $0x8, s29, s25, $0xb8;
	[tilespmem:$0x1F110] =	vst v63  }
0x95: {  	_ =	swait.ge [sflag:s21], $0x400  }
0x96: {  	[sflag:s21] =	ssyncset.done $0x0  }
0x97: {  	s26 =	simm.s32 $0xA880;
	s28 =	simm.s32 $0x4400;
	[sflag:s21] =	ssyncadd.s32 $0xFFFFFC00  }
0x98: {  	[spmem:s2] =	stream.indirect.scatter.add.f32 [tilespmem:s28], [sflag:$0x1], $0x8, s26, s25, $0xb8;
	[tilespmem:$0x1F110] =	vst v63  }
0x99: {  	_ =	swait.ge [sflag:s21], $0x400  }
0x9a: {  	[sflag:s21] =	ssyncset.done $0x0  }
0x9b: {  	s29 =	simm.s32 $0xA900;
	s30 =	simm.s32 $0x4800;
	[sflag:s21] =	ssyncadd.s32 $0xFFFFFC00  }
0x9c: {  	[spmem:s2] =	stream.indirect.scatter.add.f32 [tilespmem:s30], [sflag:$0x1], $0x8, s29, s25, $0xb8;
	[tilespmem:$0x1F110] =	vst v63  }
0x9d: {  	_ =	swait.ge [sflag:s21], $0x400  }
0x9e: {  	[sflag:s21] =	ssyncset.done $0x0  }
0x9f: {  	s26 =	simm.s32 $0xA980;
	s28 =	simm.s32 $0x4C00;
	[sflag:s21] =	ssyncadd.s32 $0xFFFFFC00  }
0xa0: {  	[spmem:s2] =	stream.indirect.scatter.add.f32 [tilespmem:s28], [sflag:$0x1], $0x8, s26, s25, $0xb8;
	[tilespmem:$0x1F110] =	vst v63  }
0xa1: {  	_ =	swait.ge [sflag:s21], $0x400  }
0xa2: {  	[sflag:s21] =	ssyncset.done $0x0  }
0xa3: {  	s29 =	simm.s32 $0xAA00;
	s30 =	simm.s32 $0x5000;
	[sflag:s21] =	ssyncadd.s32 $0xFFFFFC00  }
0xa4: {  	[spmem:s2] =	stream.indirect.scatter.add.f32 [tilespmem:s30], [sflag:$0x1], $0x8, s29, s25, $0xb8;
	[tilespmem:$0x1F110] =	vst v63  }
0xa5: {  	_ =	swait.ge [sflag:s21], $0x400  }
0xa6: {  	[sflag:s21] =	ssyncset.done $0x0  }
0xa7: {  	s26 =	simm.s32 $0xAA80;
	s28 =	simm.s32 $0x5400;
	[sflag:s21] =	ssyncadd.s32 $0xFFFFFC00  }
0xa8: {  	[spmem:s2] =	stream.indirect.scatter.add.f32 [tilespmem:s28], [sflag:$0x1], $0x8, s26, s25, $0xb8;
	[tilespmem:$0x1F110] =	vst v63  }
0xa9: {  	_ =	swait.ge [sflag:s21], $0x400  }
0xaa: {  	[sflag:s21] =	ssyncset.done $0x0  }
0xab: {  	s29 =	simm.s32 $0xAB00;
	s30 =	simm.s32 $0x5800;
	[sflag:s21] =	ssyncadd.s32 $0xFFFFFC00  }
0xac: {  	[spmem:s2] =	stream.indirect.scatter.add.f32 [tilespmem:s30], [sflag:$0x1], $0x8, s29, s25, $0xb8;
	[tilespmem:$0x1F110] =	vst v63  }
0xad: {  	_ =	swait.ge [sflag:s21], $0x400  }
0xae: {  	[sflag:s21] =	ssyncset.done $0x0  }
0xaf: {  	s26 =	simm.s32 $0xAB80;
	s28 =	simm.s32 $0x5C00;
	[sflag:s21] =	ssyncadd.s32 $0xFFFFFC00  }
0xb0: {  	[spmem:s2] =	stream.indirect.scatter.add.f32 [tilespmem:s28], [sflag:$0x1], $0x8, s26, s25, $0xb8;
	[tilespmem:$0x1F110] =	vst v63  }
0xb1: {  	_ =	swait.ge [sflag:s21], $0x400  }
0xb2: {  	[sflag:s21] =	ssyncset.done $0x0  }
0xb3: {  	s29 =	simm.s32 $0xAC00;
	s30 =	simm.s32 $0x6000;
	[sflag:s21] =	ssyncadd.s32 $0xFFFFFC00  }
0xb4: {  	[spmem:s2] =	stream.indirect.scatter.add.f32 [tilespmem:s30], [sflag:$0x1], $0x8, s29, s25, $0xb8;
	[tilespmem:$0x1F110] =	vst v63  }
0xb5: {  	_ =	swait.ge [sflag:s21], $0x400  }
0xb6: {  	[sflag:s21] =	ssyncset.done $0x0  }
0xb7: {  	s26 =	simm.s32 $0xAC80;
	s28 =	simm.s32 $0x6400;
	[sflag:s21] =	ssyncadd.s32 $0xFFFFFC00  }
0xb8: {  	[spmem:s2] =	stream.indirect.scatter.add.f32 [tilespmem:s28], [sflag:$0x1], $0x8, s26, s25, $0xb8;
	[tilespmem:$0x1F110] =	vst v63  }
0xb9: {  	_ =	swait.ge [sflag:s21], $0x400  }
0xba: {  	[sflag:s21] =	ssyncset.done $0x0  }
0xbb: {  	s29 =	simm.s32 $0xAD00;
	s30 =	simm.s32 $0x6800;
	[sflag:s21] =	ssyncadd.s32 $0xFFFFFC00  }
0xbc: {  	[spmem:s2] =	stream.indirect.scatter.add.f32 [tilespmem:s30], [sflag:$0x1], $0x8, s29, s25, $0xb8;
	[tilespmem:$0x1F110] =	vst v63  }
0xbd: {  	_ =	swait.ge [sflag:s21], $0x400  }
0xbe: {  	[sflag:s21] =	ssyncset.done $0x0  }
0xbf: {  	s26 =	simm.s32 $0xAD80;
	[sflag:s21] =	ssyncadd.s32 $0xFFFFFC00  }
0xc0: {  	[spmem:s2] =	stream.indirect.scatter.add.f32 [tilespmem:s3], [sflag:$0x1], $0x8, s26, s25, $0xb8;
	[tilespmem:$0x1F110] =	vst v63  }
0xc1: {  	_ =	swait.ge [sflag:s21], $0x400  }
0xc2: {  	[sflag:s21] =	ssyncset.done $0x0  }
0xc3: {  	[sflag:s21] =	ssyncadd.s32 $0xFFFFFC00  }
0xc4: {  	[spmem:s2] =	stream.indirect.scatter.add.f32 [tilespmem:s20], [sflag:$0x1], $0x8, s0, s25, $0xb8;
	[tilespmem:$0x1F110] =	vst v63  }
0xc5: {  	_ =	swait.ge [sflag:s21], $0x400  }
0xc6: {  	[sflag:s21] =	ssyncset.done $0x0  }
0xc7: {  	[sflag:s21] =	ssyncadd.s32 $0xFFFFFC00  }
0xc8: {  	[spmem:s2] =	stream.indirect.scatter.add.f32 [tilespmem:s23], [sflag:$0x1], $0x8, s22, s25, $0xb8;
	[tilespmem:$0x1F110] =	vst v63  }
0xc9: {  	_ =	swait.ge [sflag:s21], $0x400  }
0xca: {  	[sflag:s21] =	ssyncset.done $0x0  }
0xcb: {  	[sflag:s21] =	ssyncadd.s32 $0xFFFFFC00  }
0xcc: {  	[spmem:s2] =	stream.indirect.scatter.add.f32 [tilespmem:s5], [sflag:$0x1], $0x8, s4, s25, $0xb8;
	[tilespmem:$0x1F110] =	vst v63  }
0xcd: {  	_ =	swait.ge [sflag:s21], $0x400  }
0xce: {  	[sflag:s21] =	ssyncset.done $0x0  }
0xcf: {  	[sflag:s21] =	ssyncadd.s32 $0xFFFFFC00  }
0xd0: {  	[spmem:s2] =	stream.indirect.scatter.add.f32 [tilespmem:s8], [sflag:$0x1], $0x8, s7, s25, $0xb8;
	[tilespmem:$0x1F110] =	vst v63  }
0xd1: {  	s28 =	sshll.u32 s19, $0xB;
	_ =	swait.ge [sflag:s21], $0x400  }
0xd2: {  	s1 =	sor.u32 s15, s28;
	s29 =	stileid.u32;
	[sflag:s21] =	ssyncset.done $0x0  }
0xd3: {  	s30 =	sadd.s32 s6, s1;
	s19 =	sshll.u32 s29, $0x6;
	[sflag:s21] =	ssyncadd.s32 $0xFFFFFC00  }
0xd4: {  	s29 =	sshrl.u32 s11, $0x3;
	s19 =	sor.u32 $0x1C01, s19;
	[bflag:$0x0] =	sbarrier.arrive $0xFFFF  }
0xd5: {  	[hbm:s30], [sflag:s19] =	dma.local [spmem:s29], $0x800  }
0xd6: {  	_ =	swait.ge [sflag:s21], $0x800  }
0xd7: {  	[sflag:s21] =	ssyncset.done $0x0  }
0xd8: {  	s30 =	sadd.s32 s1, s16;
	s29 =	sshrl.u32 s12, $0x3;
	[sflag:s21] =	ssyncadd.s32 $0xFFFFF800  }
0xd9: {  	[hbm:s30], [sflag:s19] =	dma.local [spmem:s29], $0x800  }
0xda: {  	_ =	swait.ge [sflag:s21], $0x800  }
0xdb: {  	[sflag:s21] =	ssyncset.done $0x0  }
0xdc: {  	s30 =	sadd.s32 s1, s17;
	s29 =	sshrl.u32 s13, $0x3;
	[sflag:s21] =	ssyncadd.s32 $0xFFFFF800  }
0xdd: {  	[hbm:s30], [sflag:s19] =	dma.local [spmem:s29], $0x800  }
0xde: {  	s9 =	sadd.s32 $0x1, s9;
	_ =	swait.ge [sflag:s21], $0x800  }
0xdf: {  	p0 =	sne.s32 s9, $0x10;
	s1 =	sadd.s32 s1, s18;
	[sflag:s21] =	ssyncset.done $0x0  }
.Ltmp1:
0xe0: {  	s30 =	sshrl.u32 s14, $0x3;
	[sflag:s21] =	ssyncadd.s32 $0xFFFFF800;
	(pc) =	sbr.rel @p0 .LBB2_2-.Ltmp1, $4  }
0xe1: {  	[hbm:s1], [sflag:s19] =	dma.local [spmem:s30], $0x800  }
0xe2: {  	_ =	swait.ge [sflag:s21], $0x800  }
0xe3: {  	[sflag:s21] =	ssyncset.done $0x0  }
0xe4: {  	[sflag:s21] =	ssyncadd.s32 $0xFFFFF800  }
0xe5: {  	s9 =	rddreg [dreg:$0xa]  }
0xe6: {  	s1 =	rddreg [dreg:$0x9];
	s9 =	sadd.s32 $0x1, s9  }
0xe7: {  	p0 =	sne.s32 s9, s1  }
.Ltmp2:
0xe8: {  	_ = 	snop;
	(pc) =	sbr.rel @p0 .LBB2_1-.Ltmp2, $1  }
0xe9: {  	_ =	sdelay $0x3  }
0xea: {  	_ =	sfence.sel $0x180000  }
0xeb: {  	[bflag:$0x0] =	sbarrier.arrive $0xFFFF  }
0xec: {  	_ =	strace $0x9000004A  }
0xed: {  	s0 =	stileid.u32;
	[bflag:$0x2] =	sbarrier.arrive $0xFFFF  }
0xee: {  	p0 =	sne.s32 s0, $0x0;
	s0 =	rddreg [dreg:$0x3]  }
0xef: {  	s0 =	sadd.s32 @!p0 $0x100000, s0  }
0xf0: {  	[sflag:s0] =	ssyncadd.tile.s32 @!p0 $0x1;
	_ =	shalt  }
.Lfunc_end2:
_tile_overlayer_lowered:
.L_overlay_start_2:
0xf1: {  	(tag) =	ssettag $0x2  }
0xf2: {  	s0 =	rddreg [dreg:$0x0];
	s2 =	stileid.u32  }
0xf3: {  	s1 =	rddreg [dreg:$0x1];
	p0 =	sne.s32 s2, $0x0  }
0xf4: {  	s3 =	rddreg [dreg:$0x2];
	[bflag:$0x3] =	sbarrier.arrive $0xFFFF;
	s2 =	simm.s32 @!p0 $0x1C01  }
0xf5: {  	[timem:s3], [sflag:s2] =	dma.local @!p0 [hbm:s0], s1  }
0xf6: {  	s0 =	simm.s32 @!p0 $0x1  }
0xf7: {  	_ =	swait.ge @!p0 [sflag:s0], s1  }
0xf8: {  	s1 =	ssub.s32 @!p0 $0x0, s1;
	[sflag:s0] =	ssyncset.done @!p0 $0x0  }
0xf9: {  	[sflag:s0] =	ssyncadd.s32 @!p0 s1  }
0xfa: {  	[bflag:$0x3] =	sbarrier.arrive $0xFFFF  }
0xfb: {  	_ =	shalt  }

// kernel: kernel.8.cloned.1.call-start
scs
__scs_entry_jumppad:
0x0: {  	(pc) =	sbr.rel $0x88, $3  }
0x1: {  	(tag) =	ssettag $0x0;
	lr =	simm.s32 $0x1  }
0x2: {  	[smem:$0x3F97] =	sst lr;
	_ =	strace $0xD0000000  }
0x3: {  	_ = 	snop  }
0x4: {  	_ = 	snop  }
0x5: {  	_ = 	snop  }
0x6: {  	_ = 	snop  }
0x7: {  	_ = 	snop  }
__scs_overlays_trampoline_lowered:
0x8: {  	[smem:$0x3FA6] =	sst s0  }
0x9: {  	[smem:$0x3FA7] =	sst s1  }
0xa: {  	[smem:$0x3FA8] =	sst s2  }
0xb: {  	[smem:$0x3FA9] =	sst s3  }
0xc: {  	[smem:$0x3FAA] =	sst s4  }
0xd: {  	[smem:$0x3FAB] =	sst s5  }
0xe: {  	[smem:$0x3FAC] =	sst s6  }
0xf: {  	[smem:$0x3FAD] =	sst s7  }
0x10: {  	[smem:$0x3FAE] =	sst s8  }
0x11: {  	[smem:$0x3FAF] =	sst s9;
	s0 =	simm.s32 @!p0 $0x0  }
0x12: {  	s1 =	sld [smem:$0x3F95];
	s0 =	simm.s32 @p0 $0x1  }
0x13: {  	[smem:$0x3FB0] =	sst s0;
	s0 =	simm.s32 @!p1 $0x0  }
0x14: {  	s2 =	sld [smem:$0x3F94];
	s0 =	simm.s32 @p1 $0x1  }
0x15: {  	[smem:$0x3FB1] =	sst s0;
	s0 =	simm.s32 @!p2 $0x0  }
0x16: {  	s3 =	sld [smem:$0x3FDB];
	s0 =	simm.s32 @p2 $0x1  }
0x17: {  	s4 =	simm.s32 $0x1BF5;
	[smem:$0x3FB3] =	sst s0  }
0x18: {  	s0 =	sld [smem:$0x3F96];
	_ =	swait.ge [sflag:s4], $0x0  }
0x19: {  	s7 =	sld [smem:$0x3F97]  }
0x1a: {  	s8 =	sadd.s32 $0xFFFFE003, lr  }
0x1b: {  	s9 =	sadd.s32 $0xFFFFFEF7, lr;
	s5 =	simm.s32 $0xFFFFFFFF;
	p2 =	slt.u32 s8, $0xFFFFF086  }
0x1c: {  	p1 =	slt.u32 s9, $0xF7A;
	s5 =	simm.s32 @!p2 $0x0  }
0x1d: {  	s5 =	simm.s32 @p1 $0x1;
	p0 =	seq.s32 s7, s2  }
0x1e: {  	s7 =	smul.u32 @!p0 $0xF7A, s2;
	p2 =	seq.s32 @!p0 s5, $0x0  }
0x1f: {  	s9 =	smul.u32 $0xF7A, s1;
	s8 =	simm.s32 @!p0 $0x1BF5;
	p2 =	por !p2, p0  }
0x20: {  	[sflag:s8] =	ssyncset.s32 @!p0 $0xFFFFF086;
	s6 =	sadd.s32 @!p0 s3, s7;
	s7 =	simm.s32 @!p0 $0x108  }
0x21: {  	s3 =	sadd.s32 s3, s9;
	s6 =	sadd.s32 @!p0 $0x88, s6;
	s7 =	simm.s32 @p2 $0x1082  }
0x22: {  	[simem:s7], [sflag:s8] =	dma.local @!p0 [hbm:s6], $0xF7A  }
0x23: {  	s9 =	sor.u32 $0xD0000000, s2;
	s6 =	simm.s32 $0x108;
	_ =	swait.ge @!p0 [sflag:s8], $0x0  }
0x24: {  	s3 =	sadd.s32 $0x88, s3;
	s6 =	simm.s32 @!p1 $0x1082;
	[sflag:s4] =	ssyncset.s32 $0xFFFFF086  }
0x25: {  	[simem:s6], [sflag:s4] =	dma.local [hbm:s3], $0xF7A  }
0x26: {  	[smem:$0x3F97] =	sst s1;
	(tag) =	ssettag s2;
	_ =	strace s9  }
0x27: {  	s1 =	sld [smem:$0x3FA7]  }
0x28: {  	s2 =	sld [smem:$0x3FA8]  }
0x29: {  	s4 =	sld [smem:$0x3FAA]  }
0x2a: {  	p0 =	seq.s32 s5, $0x0;
	s5 =	sld [smem:$0x3FAB]  }
0x2b: {  	s6 =	sld [smem:$0x3FAC]  }
0x2c: {  	s7 =	sld [smem:$0x3FAD]  }
0x2d: {  	s3 =	simm.s32 $0x108;
	s8 =	sld [smem:$0x3FAE]  }
0x2e: {  	s3 =	simm.s32 @!p0 $0x1082;
	s9 =	sld [smem:$0x3FAF]  }
0x2f: {  	lr =	sadd.s32 s0, s3;
	s0 =	sld [smem:$0x3FA6]  }
0x30: {  	s3 =	sld [smem:$0x3FA9]  }
0x31: {  	[smem:$0x3FB2] =	sst s10  }
0x32: {  	s10 =	sld [smem:$0x3FB0];
	_ =	sdelay $0x3  }
0x33: {  	p0 =	seq.s32 s10, $0x1;
	s10 =	sld [smem:$0x3FB2];
	_ =	sdelay $0x3  }
0x34: {  	[smem:$0x3FB2] =	sst s10  }
0x35: {  	s10 =	sld [smem:$0x3FB1];
	_ =	sdelay $0x3  }
0x36: {  	p1 =	seq.s32 s10, $0x1;
	s10 =	sld [smem:$0x3FB2];
	_ =	sdelay $0x3  }
0x37: {  	[smem:$0x3FB2] =	sst s10  }
0x38: {  	s10 =	sld [smem:$0x3FB3]  }
0x39: {  	_ = 	snop;
	(pc) =	sbr.ind lr, $3  }
0x3a: {  	_ = 	snop  }
0x3b: {  	_ = 	snop  }
0x3c: {  	p2 =	seq.s32 s10, $0x1;
	s10 =	sld [smem:$0x3FB2]  }
0x3d: {  	_ =	shalt  }
0x3e: {  	_ =	shalt  }
0x3f: {  	_ =	shalt  }
0x40: {  	_ =	shalt  }
0x41: {  	_ =	shalt  }
0x42: {  	_ =	shalt  }
0x43: {  	_ =	shalt  }
0x44: {  	_ =	shalt  }
0x45: {  	_ =	shalt  }
0x46: {  	_ =	shalt  }
0x47: {  	_ =	shalt  }
0x48: {  	_ =	shalt  }
0x49: {  	_ =	shalt  }
0x4a: {  	_ =	shalt  }
0x4b: {  	_ =	shalt  }
0x4c: {  	_ =	shalt  }
0x4d: {  	_ =	shalt  }
0x4e: {  	_ =	shalt  }
0x4f: {  	_ =	shalt  }
0x50: {  	_ =	shalt  }
0x51: {  	_ =	shalt  }
0x52: {  	_ =	shalt  }
0x53: {  	_ =	shalt  }
0x54: {  	_ =	shalt  }
0x55: {  	_ =	shalt  }
0x56: {  	_ =	shalt  }
0x57: {  	_ =	shalt  }
0x58: {  	_ =	shalt  }
0x59: {  	_ =	shalt  }
0x5a: {  	_ =	shalt  }
0x5b: {  	_ =	shalt  }
0x5c: {  	_ =	shalt  }
0x5d: {  	_ =	shalt  }
0x5e: {  	_ =	shalt  }
0x5f: {  	_ =	shalt  }
0x60: {  	_ =	shalt  }
0x61: {  	_ =	shalt  }
0x62: {  	_ =	shalt  }
0x63: {  	_ =	shalt  }
0x64: {  	_ =	shalt  }
0x65: {  	_ =	shalt  }
0x66: {  	_ =	shalt  }
0x67: {  	_ =	shalt  }
0x68: {  	_ =	shalt  }
0x69: {  	_ =	shalt  }
0x6a: {  	_ =	shalt  }
0x6b: {  	_ =	shalt  }
0x6c: {  	_ =	shalt  }
0x6d: {  	_ =	shalt  }
0x6e: {  	_ =	shalt  }
0x6f: {  	_ =	shalt  }
0x70: {  	_ =	shalt  }
0x71: {  	_ =	shalt  }
0x72: {  	_ =	shalt  }
0x73: {  	_ =	shalt  }
0x74: {  	_ =	shalt  }
0x75: {  	_ =	shalt  }
0x76: {  	_ =	shalt  }
0x77: {  	_ =	shalt  }
0x78: {  	_ =	shalt  }
0x79: {  	_ =	shalt  }
0x7a: {  	_ =	shalt  }
0x7b: {  	_ =	shalt  }
0x7c: {  	_ =	shalt  }
0x7d: {  	_ =	shalt  }
0x7e: {  	_ =	shalt  }
0x7f: {  	_ =	shalt  }
0x80: {  	_ =	shalt  }
0x81: {  	_ =	shalt  }
0x82: {  	_ =	shalt  }
0x83: {  	_ =	shalt  }
0x84: {  	_ =	shalt  }
0x85: {  	_ =	shalt  }
0x86: {  	_ =	shalt  }
0x87: {  	_ =	shalt  }
.Lfunc_end0:
.L_simem_size_0:
called_computation.1_lowered:
.L_overlay_start_0:
0x88: {  	s2 =	sld [smem:$0x3FD9]  }
0x89: {  	s3 =	sld [smem:$0x3FFE];
	_ =	sdelay $0x1  }
0x8a: {  	s1 =	srdreg.scid  }
0x8b: {  	s0 =	sand.u32 $0x1, s1  }
0x8c: {  	s16 =	sshll.u32 s0, $0xA;
	s2 =	sadd.s32 s3, s2  }
0x8d: {  	s2 =	sadd.s32 s2, s16  }
0x8e: {  	[smem:$0x3FBE] =	sst s2  }
0x8f: {  	_ = 	snop  }
0x90: {  	(tm) =	ssettm $0x1  }
0x91: {  	s17 =	sld [smem:$0x3FFB];
	_ =	sdelay $0x3  }
0x92: {  	_ =	strace s17  }
0x93: {  	s2 =	sld [smem:$0x3FFC];
	_ =	sdelay $0x3  }
0x94: {  	_ =	strace s2  }
0x95: {  	s2 =	sld [smem:$0x3FFD];
	_ =	sdelay $0x3  }
0x96: {  	_ =	strace s2  }
0x97: {  	_ =	strace $0x8FFFFFFF  }
0x98: {  	s18 =	sld [smem:$0x3FDB];
	_ =	sdelay $0x1  }
0x99: {  	s19 =	simm.s32 $_scs_section_size  }
0x9a: {  	s4 =	simm.s32 $_size__tile_overlayer_lowered;
	s5 =	simm.s32 $_tile_overlayer_lowered  }
0x9b: {  	s22 =	simm.s32 $0x1BFF;
	s21 =	sshll.u32 s5, $0x1;
	s2 =	sadd.s32 s19, s18  }
0x9c: {  	s6 =	simm.s32 $0x0;
	s20 =	sshll.u32 s4, $0x1;
	s4 =	sadd.s32 s21, s2  }
0x9d: {  	[timem:s6], [sflag:s22] =	dma.local [hbm:s4], s20  }
0x9e: {  	_ =	swait.ge [sflag:s22], s20  }
0x9f: {  	s3 =	ssub.s32 $0x0, s20;
	[sflag:s22] =	ssyncset.done $0x0  }
0xa0: {  	[sflag:s22] =	ssyncadd.s32 s3;
	_ =	sdelay $0x1  }
0xa1: {  	s23 =	simm.s32 $0x1B8B  }
0xa2: {  	_ =	swait.ge [sflag:s23], $0x1  }
0xa3: {  	[sflag:s23] =	ssyncset.done $0x0  }
0xa4: {  	s25 =	simm.s32 $0x1B8E;
	s24 =	sld [smem:$0x3FFE];
	[sflag:s23] =	ssyncadd.s32 $0xFFFFFFFF  }
0xa5: {  	s26 =	simm.s32 $execute0_lowered;
	[smem:$0x3FD2] =	sst s25  }
0xa6: {  	s4 =	sshll.u32 s26, $0x1;
	_ =	strace $0x80000046;
	[dreg:$0x1] =	wrdreg $0xFFFFFFFF  }
0xa7: {  	s28 =	simm.s32 $_size_execute0_lowered;
	s2 =	sadd.s32 s2, s4;
	[dreg:$0x0] =	wrdreg $0x0  }
0xa8: {  	s4 =	sshll.u32 s28, $0x1;
	[dreg:$0x2] =	wrdreg s2  }
0xa9: {  	[dreg:$0x3] =	wrdreg s4  }
0xaa: {  	[dreg:$0x4] =	wrdreg $0xC0  }
0xab: {  	_ =	task [dreg:s6], $0x5FFFF  }
0xac: {  	[dreg:$0x1] =	wrdreg $0xFFFFFFFF  }
0xad: {  	[dreg:$0x0] =	wrdreg $0x60  }
0xae: {  	[dreg:$0x2] =	wrdreg s24  }
0xaf: {  	[dreg:$0x3] =	wrdreg $0x9  }
0xb0: {  	_ =	task.clear_ibuf [dreg:s6], $0x4FFFF;
	_ =	strace $0x90000046  }
0xb1: {  	s29 =	simm.s32 $0x9;
	_ =	strace $0x80000048  }
0xb2: {  	_ =	swait.ge [sflag:s29], $0x1  }
0xb3: {  	[sflag:s29] =	ssyncadd.s32 $0xFFFFFFFF  }
0xb4: {  	_ =	strace $0x90000048  }
0xb5: {  	_ =	sfence  }
0xb6: {  	s30 =	sld [smem:$0x0];
	_ =	sdelay $0x2  }
0xb7: {  	s31 =	sshll.u32 s1, $0xD;
	s1 =	sshrl.u32 s1, $0x2  }
0xb8: {  	s3 =	sand.u32 $0x4000, s31;
	s1 =	sadd.s32 s1, s30  }
0xb9: {  	s0 =	sor.u32 s3, s0;
	s1 =	sshll.u32 s1, $0x11  }
0xba: {  	s0 =	sor.u32 s1, s0  }
0xbb: {  	s0 =	sadd.s32 $0x8F2B, s0  }
0xbc: {  	[sflag:s0] =	ssyncadd.remote.s32 $0x1  }
0xbd: {  	_ =	sfence.sel $0xFFFF  }
0xbe: {  	[dreg:$0x0] =	wrdreg $0xFFFFFFFF;
	(pc) =	sbr.abs _section_cstart, $3  }
0xbf: {  	[dreg:$0x1] =	wrdreg $0xFFFFFFFF  }
0xc0: {  	_ =	task.clear_ibuf [dreg:s6], $0x2FFFF;
	_ =	strace $0x9FFFFFFF  }
0xc1: {  	(tm) =	ssettm $0x7FFFFFFF  }
tec
execute0_lowered:
.L_overlay_start_1:
0x0: {  	(tag) =	ssettag $0x1  }
0x1: {  	s5 =	rddreg [dreg:$0x0]  }
0x2: {  	s0 =	rddreg [dreg:$0x1];
	s2 =	simm.s32 $0x0;
	s3 =	srdreg.scid  }
0x3: {  	s1 =	stileid.u32;
	s12 =	simm.s32 $0x1;
	s13 =	simm.s32 $0x0  }
0x4: {  	[smem:$0x7FF] =	sst s2;
	s6 =	sand.u32 $0x1, s3;
	s7 =	sshll.u32 s1, $0xC  }
0x5: {  	s3 =	sadd.s32 $0x5A00, s5;
	s4 =	sadd.s32 $0x25A00, s5;
	s29 =	sshll.u32 s1, $0x12  }
0x6: {  	_ =	strace $0x80000047;
	s8 =	sshll.u32 s6, $0xB;
	s9 =	ssub.s32 $0x2, s6  }
0x7: {  	s6 =	sshll.u32 s6, $0x11;
	s7 =	sor.u32 s8, s7;
	s10 =	sshrl.u32 s9, $0x1  }
0x8: {  	s8 =	sadd.s32 s29, s5;
	s7 =	sshrl.u32 s7, $0x3;
	s30 =	ssub.s32 s9, s10  }
0x9: {  	s31 =	sadd.s32 s6, s8;
	s10 =	simm.s32 $0x2;
	s11 =	sadd.s32 s7, s5  }
0xa: {  	s5 =	smax.u32 s30, $0x1;
	s6 =	sadd.s32 $0x445A00, s31;
	s7 =	sadd.s32 $0x45A00, s31  }
0xb: {  	s8 =	sadd.s32 $0x1A00, s11;
	s9 =	sadd.s32 $0x3A00, s11;
	s11 =	simm.s32 $0x80  }
.LBB2_1:
0xc: {  	s14 =	sadd.s32 $0x0, s9  }
0xd: {  	[tilespmem:s2], [sflag:$0x2] =	stream.linear.gather [hbm4b:s14+s2], $0x80, $0x38;
	[tilespmem:$0x10080] =	vst v63  }
0xe: {  	_ =	swait.ge [sflag:s10], $0x80  }
0xf: {  	[sflag:s10] =	ssyncset.done $0x0  }
0x10: {  	[sflag:s10] =	ssyncadd.s32 $0xFFFFFF80  }
0x11: {  	[tilespmem:s11], [sflag:$0x1] =	stream.indirect.gather [hbm4b:s3+s11], $0x200, s2, s11, $0xb8;
	[tilespmem:$0x10080] =	vst v63  }
0x12: {  	_ =	swait.ge [sflag:s12], $0x10000  }
0x13: {  	[sflag:s12] =	ssyncset.done $0x0  }
0x14: {  	[sflag:s12] =	ssyncadd.s32 $0xFFFF0000  }
0x15: {  	[hbm4b:s7+s2] =	stream.linear.scatter [tilespmem:s11], [sflag:$0x2], $0x10000, $0x38;
	[tilespmem:$0x10080] =	vst v63  }
0x16: {  	_ =	swait.ge [sflag:s10], $0x10000  }
0x17: {  	[sflag:s10] =	ssyncset.done $0x0  }
0x18: {  	s31 =	sadd.s32 $0x0, s8;
	[sflag:s10] =	ssyncadd.s32 $0xFFFF0000  }
0x19: {  	[tilespmem:s2], [sflag:$0x2] =	stream.linear.gather [hbm4b:s31+s2], $0x80, $0x38;
	[tilespmem:$0x10080] =	vst v63  }
0x1a: {  	_ =	swait.ge [sflag:s10], $0x80  }
0x1b: {  	[sflag:s10] =	ssyncset.done $0x0  }
0x1c: {  	[sflag:s10] =	ssyncadd.s32 $0xFFFFFF80  }
0x1d: {  	[tilespmem:s11], [sflag:$0x1] =	stream.indirect.gather [hbm4b:s4+s11], $0x200, s2, s11, $0xb8;
	[tilespmem:$0x10080] =	vst v63  }
0x1e: {  	_ =	swait.ge [sflag:s12], $0x10000  }
0x1f: {  	[sflag:s12] =	ssyncset.done $0x0  }
0x20: {  	[sflag:s12] =	ssyncadd.s32 $0xFFFF0000  }
0x21: {  	[hbm4b:s6+s2] =	stream.linear.scatter [tilespmem:s11], [sflag:$0x2], $0x10000, $0x38;
	[tilespmem:$0x10080] =	vst v63  }
0x22: {  	s15 =	simm.s32 $0x10;
	s17 =	simm.s32 $0x20;
	_ =	swait.ge [sflag:s10], $0x10000  }
0x23: {  	s16 =	sadd.s32 $0x2000, s7;
	s14 =	sadd.s32 $0x2000, s6;
	[sflag:s10] =	ssyncset.done $0x0  }
.LBB2_2:
0x24: {  	s18 =	sadd.s32 s15, s9  }
0x25: {  	[sflag:s10] =	ssyncadd.s32 $0xFFFF0000;
	s19 =	smov.u32 s17;
	s20 =	sadd.s32 $0x10, s17  }
0x26: {  	[tilespmem:s2], [sflag:$0x2] =	stream.linear.gather [hbm4b:s18+s2], $0x80, $0x38;
	[tilespmem:$0x10080] =	vst v63  }
0x27: {  	p0 =	sne.s32 s17, $0xF0;
	_ =	swait.ge [sflag:s10], $0x80  }
0x28: {  	[sflag:s10] =	ssyncset.done $0x0  }
0x29: {  	[sflag:s10] =	ssyncadd.s32 $0xFFFFFF80  }
0x2a: {  	[tilespmem:s11], [sflag:$0x1] =	stream.indirect.gather [hbm4b:s3+s11], $0x200, s2, s11, $0xb8;
	[tilespmem:$0x10080] =	vst v63  }
0x2b: {  	_ =	swait.ge [sflag:s12], $0x10000  }
0x2c: {  	[sflag:s12] =	ssyncset.done $0x0  }
0x2d: {  	[sflag:s12] =	ssyncadd.s32 $0xFFFF0000  }
0x2e: {  	[hbm4b:s16+s2] =	stream.linear.scatter [tilespmem:s11], [sflag:$0x2], $0x10000, $0x38;
	[tilespmem:$0x10080] =	vst v63  }
0x2f: {  	_ =	swait.ge [sflag:s10], $0x10000  }
0x30: {  	[sflag:s10] =	ssyncset.done $0x0  }
0x31: {  	s17 =	sadd.s32 s15, s8;
	s15 =	smov.u32 s19;
	[sflag:s10] =	ssyncadd.s32 $0xFFFF0000  }
0x32: {  	[tilespmem:s2], [sflag:$0x2] =	stream.linear.gather [hbm4b:s17+s2], $0x80, $0x38;
	[tilespmem:$0x10080] =	vst v63  }
0x33: {  	_ =	swait.ge [sflag:s10], $0x80  }
0x34: {  	[sflag:s10] =	ssyncset.done $0x0  }
0x35: {  	[sflag:s10] =	ssyncadd.s32 $0xFFFFFF80  }
0x36: {  	[tilespmem:s11], [sflag:$0x1] =	stream.indirect.gather [hbm4b:s4+s11], $0x200, s2, s11, $0xb8;
	[tilespmem:$0x10080] =	vst v63  }
0x37: {  	_ =	swait.ge [sflag:s12], $0x10000  }
.Ltmp0:
0x38: {  	[sflag:s12] =	ssyncset.done $0x0;
	(pc) =	sbr.rel @p0 .LBB2_2-.Ltmp0, $4  }
0x39: {  	[sflag:s12] =	ssyncadd.s32 $0xFFFF0000  }
0x3a: {  	[hbm4b:s14+s2] =	stream.linear.scatter [tilespmem:s11], [sflag:$0x2], $0x10000, $0x38;
	[tilespmem:$0x10080] =	vst v63  }
0x3b: {  	s16 =	sadd.s32 $0x2000, s16;
	_ =	swait.ge [sflag:s10], $0x10000  }
0x3c: {  	s17 =	smov.u32 s20;
	s14 =	sadd.s32 $0x2000, s14;
	[sflag:s10] =	ssyncset.done $0x0  }
0x3d: {  	s17 =	sadd.s32 s15, s9;
	[sflag:s10] =	ssyncadd.s32 $0xFFFF0000  }
0x3e: {  	[tilespmem:s2], [sflag:$0x2] =	stream.linear.gather [hbm4b:s17+s2], $0x80, $0x38;
	[tilespmem:$0x10080] =	vst v63  }
0x3f: {  	_ =	swait.ge [sflag:s10], $0x80  }
0x40: {  	[sflag:s10] =	ssyncset.done $0x0  }
0x41: {  	[sflag:s10] =	ssyncadd.s32 $0xFFFFFF80  }
0x42: {  	[tilespmem:s11], [sflag:$0x1] =	stream.indirect.gather [hbm4b:s3+s11], $0x200, s2, s11, $0xb8;
	[tilespmem:$0x10080] =	vst v63  }
0x43: {  	_ =	swait.ge [sflag:s12], $0x10000  }
0x44: {  	[sflag:s12] =	ssyncset.done $0x0  }
0x45: {  	[sflag:s12] =	ssyncadd.s32 $0xFFFF0000  }
0x46: {  	[hbm4b:s16+s2] =	stream.linear.scatter [tilespmem:s11], [sflag:$0x2], $0x10000, $0x38;
	[tilespmem:$0x10080] =	vst v63  }
0x47: {  	_ =	swait.ge [sflag:s10], $0x10000  }
0x48: {  	[sflag:s10] =	ssyncset.done $0x0  }
0x49: {  	s31 =	sadd.s32 s15, s8;
	[sflag:s10] =	ssyncadd.s32 $0xFFFF0000  }
0x4a: {  	[tilespmem:s2], [sflag:$0x2] =	stream.linear.gather [hbm4b:s31+s2], $0x80, $0x38;
	[tilespmem:$0x10080] =	vst v63  }
0x4b: {  	_ =	swait.ge [sflag:s10], $0x80  }
0x4c: {  	[sflag:s10] =	ssyncset.done $0x0  }
0x4d: {  	[sflag:s10] =	ssyncadd.s32 $0xFFFFFF80  }
0x4e: {  	[tilespmem:s11], [sflag:$0x1] =	stream.indirect.gather [hbm4b:s4+s11], $0x200, s2, s11, $0xb8;
	[tilespmem:$0x10080] =	vst v63  }
0x4f: {  	s13 =	sadd.s32 $0x1, s13;
	_ =	swait.ge [sflag:s12], $0x10000  }
0x50: {  	p0 =	sne.s32 s13, s5;
	[sflag:s12] =	ssyncset.done $0x0  }
.Ltmp1:
0x51: {  	[sflag:s12] =	ssyncadd.s32 $0xFFFF0000;
	(pc) =	sbr.rel @p0 .LBB2_1-.Ltmp1, $4  }
0x52: {  	[hbm4b:s14+s2] =	stream.linear.scatter [tilespmem:s11], [sflag:$0x2], $0x10000, $0x38;
	[tilespmem:$0x10080] =	vst v63  }
0x53: {  	_ =	swait.ge [sflag:s10], $0x10000  }
0x54: {  	[sflag:s10] =	ssyncset.done $0x0  }
0x55: {  	[sflag:s10] =	ssyncadd.s32 $0xFFFF0000  }
0x56: {  	_ =	sfence.sel $0x180000  }
0x57: {  	[bflag:$0x0] =	sbarrier.arrive $0xFFFF  }
0x58: {  	p0 =	sne.s32 s1, $0x0;
	_ =	strace $0x90000047  }
0x59: {  	s0 =	sadd.s32 @!p0 $0x100000, s0;
	[bflag:$0x2] =	sbarrier.arrive $0xFFFF  }
0x5a: {  	[sflag:s0] =	ssyncadd.tile.s32 @!p0 $0x1;
	_ =	shalt  }
.Lfunc_end2:
_tile_overlayer_lowered:
.L_overlay_start_2:
0x5b: {  	(tag) =	ssettag $0x2  }
0x5c: {  	s0 =	rddreg [dreg:$0x0];
	s2 =	stileid.u32  }
0x5d: {  	s1 =	rddreg [dreg:$0x1];
	p0 =	sne.s32 s2, $0x0  }
0x5e: {  	s3 =	rddreg [dreg:$0x2];
	[bflag:$0x3] =	sbarrier.arrive $0xFFFF;
	s2 =	simm.s32 @!p0 $0x1C02  }
0x5f: {  	[timem:s3], [sflag:s2] =	dma.local @!p0 [hbm:s0], s1  }
0x60: {  	s0 =	simm.s32 @!p0 $0x2  }
0x61: {  	_ =	swait.ge @!p0 [sflag:s0], s1  }
0x62: {  	s1 =	ssub.s32 @!p0 $0x0, s1;
	[sflag:s0] =	ssyncset.done @!p0 $0x0  }
0x63: {  	[sflag:s0] =	ssyncadd.s32 @!p0 s1  }
0x64: {  	[bflag:$0x3] =	sbarrier.arrive $0xFFFF  }
0x65: {  	_ =	shalt  }

// kernel: sparse-core-data-format-call.cloned.1.call-start
scs
called_computation_lowered:
.L_overlay_start_0:
0x0: {  	s2 =	sld [smem:$0x3FD9]  }
0x1: {  	s3 =	sld [smem:$0x3FFE];
	_ =	sdelay $0x1  }
0x2: {  	s1 =	srdreg.scid  }
0x3: {  	s0 =	sand.u32 $0x1, s1  }
0x4: {  	s18 =	sshll.u32 s0, $0xA;
	s2 =	sadd.s32 s3, s2  }
0x5: {  	s2 =	sadd.s32 s2, s18  }
0x6: {  	[smem:$0x3FBE] =	sst s2  }
0x7: {  	_ = 	snop  }
0x8: {  	s2 =	sld [smem:$0x3FD0];
	(tm) =	ssettm $0x1  }
0x9: {  	s19 =	sld [smem:$0x3FFB];
	_ =	sdelay $0x3  }
0xa: {  	_ =	strace s19  }
0xb: {  	s3 =	sld [smem:$0x3FFC];
	_ =	sdelay $0x3  }
0xc: {  	_ =	strace s3  }
0xd: {  	s3 =	sld [smem:$0x3FFD];
	_ =	sdelay $0x3  }
0xe: {  	_ =	strace s3  }
0xf: {  	_ =	strace $0x8FFFFFFF  }
0x10: {  	s20 =	sld [smem:$0x3FDB];
	_ =	sdelay $0x1  }
0x11: {  	s4 =	simm.s32 $_scs_section_size  }
0x12: {  	s5 =	simm.s32 $_size__tile_overlayer_lowered;
	s6 =	simm.s32 $_tile_overlayer_lowered  }
0x13: {  	s23 =	simm.s32 $0x1BFF;
	s22 =	sshll.u32 s6, $0x1;
	s3 =	sadd.s32 s4, s20  }
0x14: {  	s7 =	simm.s32 $0x0;
	s21 =	sshll.u32 s5, $0x1;
	s5 =	sadd.s32 s22, s3  }
0x15: {  	[timem:s7], [sflag:s23] =	dma.local [hbm:s5], s21  }
0x16: {  	_ =	swait.ge [sflag:s23], s21  }
0x17: {  	s4 =	ssub.s32 $0x0, s21;
	[sflag:s23] =	ssyncset.done $0x0  }
0x18: {  	[sflag:s23] =	ssyncadd.s32 s4;
	_ =	sdelay $0x1  }
0x19: {  	s24 =	simm.s32 $0x1B8B  }
0x1a: {  	_ =	swait.ge [sflag:s24], $0x1  }
0x1b: {  	[sflag:s24] =	ssyncset.done $0x0  }
0x1c: {  	s26 =	simm.s32 $0x1B8E;
	s25 =	sld [smem:$0x3FFE];
	[sflag:s24] =	ssyncadd.s32 $0xFFFFFFFF  }
0x1d: {  	s27 =	simm.s32 $execute0_lowered;
	[smem:$0x3FD2] =	sst s26  }
0x1e: {  	s5 =	sshll.u32 s27, $0x1;
	_ =	strace $0x8000004C;
	[dreg:$0x1] =	wrdreg $0xFFFFFFFF  }
0x1f: {  	s28 =	simm.s32 $_size_execute0_lowered;
	s3 =	sadd.s32 s3, s5;
	[dreg:$0x0] =	wrdreg $0x0  }
0x20: {  	s5 =	sshll.u32 s28, $0x1;
	[dreg:$0x2] =	wrdreg s3  }
0x21: {  	[dreg:$0x3] =	wrdreg s5  }
0x22: {  	[dreg:$0x4] =	wrdreg $0xC0  }
0x23: {  	_ =	task [dreg:s7], $0x5FFFF  }
0x24: {  	[dreg:$0x1] =	wrdreg $0xFFFFFFFF  }
0x25: {  	[dreg:$0x0] =	wrdreg $0x60  }
0x26: {  	[dreg:$0x2] =	wrdreg s25  }
0x27: {  	[dreg:$0x3] =	wrdreg s2  }
0x28: {  	[dreg:$0x4] =	wrdreg $0x9  }
0x29: {  	_ =	task.clear_ibuf [dreg:s7], $0x5FFFF;
	_ =	strace $0x9000004C  }
0x2a: {  	s29 =	simm.s32 $0x9;
	_ =	strace $0x8000004E  }
0x2b: {  	_ =	swait.ge [sflag:s29], $0x1  }
0x2c: {  	[sflag:s29] =	ssyncadd.s32 $0xFFFFFFFF  }
0x2d: {  	_ =	strace $0x9000004E  }
0x2e: {  	_ =	sfence  }
0x2f: {  	s30 =	sld [smem:$0x0];
	_ =	sdelay $0x2  }
0x30: {  	s31 =	sshll.u32 s1, $0xD;
	s1 =	sshrl.u32 s1, $0x2  }
0x31: {  	s3 =	sand.u32 $0x4000, s31;
	s1 =	sadd.s32 s1, s30  }
0x32: {  	s0 =	sor.u32 s3, s0;
	s1 =	sshll.u32 s1, $0x11  }
0x33: {  	s0 =	sor.u32 s1, s0  }
0x34: {  	s0 =	sadd.s32 $0x8F2B, s0  }
0x35: {  	[sflag:s0] =	ssyncadd.remote.s32 $0x1  }
0x36: {  	_ =	sfence.sel $0xFFFF  }
0x37: {  	[dreg:$0x0] =	wrdreg $0xFFFFFFFF;
	(pc) =	sbr.abs _section_cstart, $3  }
0x38: {  	[dreg:$0x1] =	wrdreg $0xFFFFFFFF  }
0x39: {  	_ =	task.clear_ibuf [dreg:s7], $0x2FFFF;
	_ =	strace $0x9FFFFFFF  }
0x3a: {  	(tm) =	ssettm $0x7FFFFFFF  }
0x3b: {  	_ =	shalt  }
tec
execute0_lowered:
.L_overlay_start_1:
0x0: {  	(tag) =	ssettag $0x1  }
0x1: {  	s15 =	rddreg [dreg:$0x0]  }
0x2: {  	s0 =	srdreg.scid;
	s1 =	stileid.u32;
	s16 =	sadd.s32 $0x1A00, s15  }
0x3: {  	_ =	strace $0x8000004D;
	s17 =	sadd.s32 $0x9A00, s15;
	[dreg:$0x3] =	wrdreg s16  }
0x4: {  	s4 =	simm.s32 $0x1;
	s18 =	sadd.s32 $0x11A00, s15;
	[dreg:$0x4] =	wrdreg s17  }
0x5: {  	s5 =	simm.s32 $0x2;
	s19 =	sadd.s32 $0x19A00, s15;
	[dreg:$0x5] =	wrdreg s18  }
0x6: {  	s29 =	simm.s32 $0x0;
	s20 =	sadd.s32 $0x21A00, s15;
	[dreg:$0x6] =	wrdreg s19  }
0x7: {  	s30 =	simm.s32 $0x0;
	s21 =	sadd.s32 $0x29A00, s15;
	[dreg:$0x7] =	wrdreg s20  }
0x8: {  	s28 =	simm.s32 $0x0;
	s22 =	sadd.s32 $0x31A00, s15;
	[dreg:$0x8] =	wrdreg s21  }
0x9: {  	s0 =	sshll.u32 s0, $0x4;
	s23 =	sadd.s32 $0x39A00, s15;
	[dreg:$0x9] =	wrdreg s22  }
0xa: {  	[sflag:s4] =	ssyncpa.u1 $0x0;
	s24 =	sadd.s32 $0x41A00, s15;
	[dreg:$0xa] =	wrdreg s23  }
0xb: {  	s25 =	sadd.s32 $0x49A00, s15;
	s0 =	sand.u32 $0x10, s0;
	[dreg:$0xb] =	wrdreg s24  }
0xc: {  	s26 =	sadd.s32 $0x51A00, s15;
	[dreg:$0xc] =	wrdreg s25;
	s0 =	sor.u32 s1, s0  }
0xd: {  	s31 =	sadd.s32 $0x59A00, s15;
	[dreg:$0xd] =	wrdreg s26;
	s2 =	sshll.u32 s0, $0x4  }
0xe: {  	[sflag:s5] =	ssyncpa.u1 $0x0;
	[dreg:$0xe] =	wrdreg s31;
	s0 =	ssub.s32 $0x800, s2  }
0xf: {  	s18 =	sadd.s32 $0x61A00, s15;
	s19 =	sadd.s32 $0x69A00, s15;
	s3 =	sand.u32 $0x1F0, s0  }
.Ltmp0:
0x10: {  	p0 =	sne.s32 s3, $0x0;
	s3 =	simm.s32 $0x1;
	(pc) =	sbr.rel .LBB1_1-.Ltmp0, $4  }
0x11: {  	s20 =	sadd.s32 $0x71A00, s15;
	s0 =	sshrl.u32 s0, $0x9;
	s3 =	simm.s32 @!p0 $0x0  }
0x12: {  	s21 =	sadd.s32 $0x79A00, s15;
	s23 =	simm.s32 $0x8;
	s0 =	sadd.s32 s3, s0  }
0x13: {  	s24 =	simm.s32 $0x80;
	s26 =	simm.s32 $0x0;
	s6 =	sshll.u32 s0, $0x4  }
0x14: {  	s27 =	smov.u32 s2;
	p0 =	por $0x0, $0x0;
	s22 =	sor.u32 $0x1, s6  }
.LBB1_9:
0x15: {  	s0 =	sadd.s32 $0x80, s26  }
0x16: {  	s3 =	sadd.s32 $0x200, s27;
	s5 =	smov.u32 s27;
	p2 =	sgt.s32 s0, $0x7FF  }
0x17: {  	s5 =	smov.u32 @p2 s3  }
0x18: {  	s0 =	simm.s32 @p2 $0x0;
	p2 =	sgt.s32 s5, $0x7FF  }
0x19: {  	s5 =	smov.u32 @p2 s2;
	p2 =	sne.s32 s28, s22  }
.Ltmp1:
0x1a: {  	p1 =	slt.u32 s28, $0x2;
	(pc) =	sbr.rel @!p2 .LBB1_10-.Ltmp1, $4  }
0x1b: {  	s1 =	simm.s32 @!p1 $0x2  }
0x1c: {  	s29 =	smov.u32 s26;
	s30 =	smov.u32 s27;
	_ =	swait.ge @!p1 [sflag:s1], $0x4000  }
0x1d: {  	p0 =	por !p0, !p0;
	[sflag:s1] =	ssyncset.done @!p1 $0x0;
	s26 =	smov.u32 s0  }
0x1e: {  	s28 =	sadd.s32 $0x1, s28;
	[sflag:s1] =	ssyncadd.s32 @!p1 $0xFFFFC000;
	s27 =	smov.u32 s5  }
.LBB1_1:
0x1f: {  	p1 =	sge.u32 s28, s6  }
.Ltmp2:
0x20: {  	_ = 	snop;
	(pc) =	sbr.rel @p1 .LBB1_3-.Ltmp2, $1  }
0x21: {  	_ =	sdelay $0x3  }
0x22: {  	s0 =	sxor.u32 $0xFFFFFFFF, s28  }
0x23: {  	s1 =	sshll.u32 s27, $0xF;
	s3 =	sshll.u32 s26, $0x4;
	s5 =	rddreg [dreg:$0x3]  }
0x24: {  	s0 =	sshll.u32 s0, $0xE;
	s3 =	sand.u32 $0x7FF0, s3;
	s5 =	sadd.s32 s5, s1  }
0x25: {  	s17 =	rddreg [dreg:$0x4];
	s0 =	sand.u32 $0x4000, s0;
	s5 =	sadd.s32 s3, s5  }
0x26: {  	[tilespmem:s0], [sflag:$0x1] =	stream.strided.gather [hbm4b:s5+s23], $0x400, s24, s23, $0x38;
	[tilespmem:$0x10100] =	vst v63  }
0x27: {  	s5 =	sadd.s32 s1, s17  }
0x28: {  	s25 =	rddreg [dreg:$0x5];
	s7 =	sor.u32 $0x400, s0;
	s5 =	sadd.s32 s3, s5  }
0x29: {  	[tilespmem:s7], [sflag:$0x1] =	stream.strided.gather [hbm4b:s5+s23], $0x400, s24, s23, $0x38;
	[tilespmem:$0x10100] =	vst v63  }
0x2a: {  	s5 =	sadd.s32 s1, s25  }
0x2b: {  	s8 =	rddreg [dreg:$0x6];
	s31 =	sor.u32 $0x800, s0;
	s5 =	sadd.s32 s3, s5  }
0x2c: {  	[tilespmem:s31], [sflag:$0x1] =	stream.strided.gather [hbm4b:s5+s23], $0x400, s24, s23, $0x38;
	[tilespmem:$0x10100] =	vst v63  }
0x2d: {  	s5 =	sadd.s32 s1, s8  }
0x2e: {  	s10 =	rddreg [dreg:$0x7];
	s9 =	sor.u32 $0xC00, s0;
	s5 =	sadd.s32 s3, s5  }
0x2f: {  	[tilespmem:s9], [sflag:$0x1] =	stream.strided.gather [hbm4b:s5+s23], $0x400, s24, s23, $0x38;
	[tilespmem:$0x10100] =	vst v63  }
0x30: {  	s5 =	sadd.s32 s1, s10  }
0x31: {  	s12 =	rddreg [dreg:$0x8];
	s11 =	sor.u32 $0x1000, s0;
	s5 =	sadd.s32 s3, s5  }
0x32: {  	[tilespmem:s11], [sflag:$0x1] =	stream.strided.gather [hbm4b:s5+s23], $0x400, s24, s23, $0x38;
	[tilespmem:$0x10100] =	vst v63  }
0x33: {  	s5 =	sadd.s32 s1, s12  }
0x34: {  	s14 =	rddreg [dreg:$0x9];
	s13 =	sor.u32 $0x1400, s0;
	s5 =	sadd.s32 s3, s5  }
0x35: {  	[tilespmem:s13], [sflag:$0x1] =	stream.strided.gather [hbm4b:s5+s23], $0x400, s24, s23, $0x38;
	[tilespmem:$0x10100] =	vst v63  }
0x36: {  	s5 =	sadd.s32 s1, s14  }
0x37: {  	s16 =	rddreg [dreg:$0xa];
	s15 =	sor.u32 $0x1800, s0;
	s5 =	sadd.s32 s3, s5  }
0x38: {  	[tilespmem:s15], [sflag:$0x1] =	stream.strided.gather [hbm4b:s5+s23], $0x400, s24, s23, $0x38;
	[tilespmem:$0x10100] =	vst v63  }
0x39: {  	s5 =	sadd.s32 s1, s16  }
0x3a: {  	s17 =	sor.u32 $0x1C00, s0;
	s25 =	rddreg [dreg:$0xb];
	s5 =	sadd.s32 s3, s5  }
0x3b: {  	[tilespmem:s17], [sflag:$0x1] =	stream.strided.gather [hbm4b:s5+s23], $0x400, s24, s23, $0x38;
	[tilespmem:$0x10100] =	vst v63  }
0x3c: {  	s5 =	sadd.s32 s1, s25  }
0x3d: {  	s31 =	sor.u32 $0x2000, s0;
	s8 =	rddreg [dreg:$0xc];
	s5 =	sadd.s32 s3, s5  }
0x3e: {  	[tilespmem:s31], [sflag:$0x1] =	stream.strided.gather [hbm4b:s5+s23], $0x400, s24, s23, $0x38;
	[tilespmem:$0x10100] =	vst v63  }
0x3f: {  	s5 =	sadd.s32 s1, s8  }
0x40: {  	s9 =	sor.u32 $0x2400, s0;
	s10 =	rddreg [dreg:$0xd];
	s5 =	sadd.s32 s3, s5  }
0x41: {  	[tilespmem:s9], [sflag:$0x1] =	stream.strided.gather [hbm4b:s5+s23], $0x400, s24, s23, $0x38;
	[tilespmem:$0x10100] =	vst v63  }
0x42: {  	s5 =	sadd.s32 s1, s10  }
0x43: {  	s11 =	sor.u32 $0x2800, s0;
	s12 =	rddreg [dreg:$0xe];
	s5 =	sadd.s32 s3, s5  }
0x44: {  	[tilespmem:s11], [sflag:$0x1] =	stream.strided.gather [hbm4b:s5+s23], $0x400, s24, s23, $0x38;
	[tilespmem:$0x10100] =	vst v63  }
0x45: {  	s5 =	sadd.s32 s1, s12  }
0x46: {  	s13 =	sor.u32 $0x2C00, s0;
	s14 =	sadd.s32 s1, s18;
	s5 =	sadd.s32 s3, s5  }
0x47: {  	[tilespmem:s13], [sflag:$0x1] =	stream.strided.gather [hbm4b:s5+s23], $0x400, s24, s23, $0x38;
	[tilespmem:$0x10100] =	vst v63  }
0x48: {  	s15 =	sor.u32 $0x3000, s0;
	s16 =	sadd.s32 s1, s19;
	s5 =	sadd.s32 s3, s14  }
0x49: {  	[tilespmem:s15], [sflag:$0x1] =	stream.strided.gather [hbm4b:s5+s23], $0x400, s24, s23, $0x38;
	[tilespmem:$0x10100] =	vst v63  }
0x4a: {  	s17 =	sor.u32 $0x3400, s0;
	s25 =	sadd.s32 s1, s20;
	s5 =	sadd.s32 s3, s16  }
0x4b: {  	[tilespmem:s17], [sflag:$0x1] =	stream.strided.gather [hbm4b:s5+s23], $0x400, s24, s23, $0x38;
	[tilespmem:$0x10100] =	vst v63  }
0x4c: {  	s31 =	sor.u32 $0x3800, s0;
	s1 =	sadd.s32 s1, s21;
	s5 =	sadd.s32 s3, s25  }
0x4d: {  	[tilespmem:s31], [sflag:$0x1] =	stream.strided.gather [hbm4b:s5+s23], $0x400, s24, s23, $0x38;
	[tilespmem:$0x10100] =	vst v63  }
0x4e: {  	s0 =	sor.u32 $0x3C00, s0;
	s1 =	sadd.s32 s3, s1  }
0x4f: {  	[tilespmem:s0], [sflag:$0x1] =	stream.strided.gather [hbm4b:s1+s23], $0x400, s24, s23, $0x38;
	[tilespmem:$0x10100] =	vst v63  }
.LBB1_3:
0x50: {  	s0 =	sadd.s32 $0xFFFFFFFF, s28  }
0x51: {  	p1 =	sge.u32 s0, s6  }
.Ltmp3:
0x52: {  	_ = 	snop;
	(pc) =	sbr.rel @p1 .LBB1_9-.Ltmp3, $1  }
0x53: {  	_ =	sdelay $0x3  }
0x54: {  	s0 =	simm.s32 $0x1;
	s3 =	sand.u32 $0x1, s28  }
0x55: {  	_ =	swait.ge [sflag:s4], $0x4000;
	s0 =	simm.s32 @!p0 $0x0;
	s3 =	smul.u32 $0x10200, s3  }
0x56: {  	[sflag:s4] =	ssyncset.done $0x0;
	s1 =	smul.u32 $0x10200, s0  }
0x57: {  	s0 =	sshll.u32 s0, $0xE;
	[sflag:s4] =	ssyncadd.s32 $0xFFFFC000  }
0x58: {  	s0 =	sor.u32 $0x20, s0;
	s25 =	sshrl.u32 s3, $0x2;
	s1 =	sshrl.u32 s1, $0x2  }
0x59: {  	s3 =	simm.s32 $0x0;
	s31 =	sor.u32 $0x8000, s25;
	s15 =	sor.u32 $0x8007, s1  }
.LBB1_5:
0x5a: {  	v0 =	vld.msk [tilespmem:s0+$0xFFFFFFE0], $0xff;
	_ =	sdelay $0x4  }
0x5b: {  	[tilespmem:s15+$0xFFFFFFF9 ss:$0x81] =	vst.msk $0xff, v0  }
0x5c: {  	v0 =	vld.msk [tilespmem:s0+$0xFFFFFFE8], $0xff  }
0x5d: {  	s5 =	sadd.s32 $0x40, s0  }
0x5e: {  	v1 =	vld.msk [tilespmem:s5+$0xFFFFFFE0], $0xff;
	_ =	sdelay $0x2  }
0x5f: {  	[tilespmem:s15+$0xFFFFFFFA ss:$0x81] =	vst.msk $0xff, v0  }
0x60: {  	s25 =	sadd.s32 $0x8, s15;
	v0 =	vld.msk [tilespmem:s0+$0xFFFFFFF0], $0xff  }
0x61: {  	[tilespmem:s25+$0xFFFFFFF9 ss:$0x81] =	vst.msk $0xff, v1  }
0x62: {  	v1 =	vld.msk [tilespmem:s5+$0xFFFFFFE8], $0xff  }
0x63: {  	s8 =	sadd.s32 $0x40, s5  }
0x64: {  	v2 =	vld.msk [tilespmem:s8+$0xFFFFFFE0], $0xff  }
0x65: {  	[tilespmem:s15+$0xFFFFFFFB ss:$0x81] =	vst.msk $0xff, v0  }
0x66: {  	v0 =	vld.msk [tilespmem:s0+$0xFFFFFFF8], $0xff  }
0x67: {  	[tilespmem:s25+$0xFFFFFFFA ss:$0x81] =	vst.msk $0xff, v1  }
0x68: {  	s7 =	sadd.s32 $0x8, s25;
	v1 =	vld.msk [tilespmem:s5+$0xFFFFFFF0], $0xff  }
0x69: {  	[tilespmem:s7+$0xFFFFFFF9 ss:$0x81] =	vst.msk $0xff, v2  }
0x6a: {  	s10 =	sadd.s32 $0x40, s8;
	v2 =	vld.msk [tilespmem:s8+$0xFFFFFFE8], $0xff  }
0x6b: {  	[tilespmem:s15+$0xFFFFFFFC ss:$0x81] =	vst.msk $0xff, v0;
	v0 =	vld.msk [tilespmem:s10+$0xFFFFFFE0], $0xff  }
0x6c: {  	v3 =	vld.msk [tilespmem:s0+$0x0], $0xff  }
0x6d: {  	[tilespmem:s25+$0xFFFFFFFB ss:$0x81] =	vst.msk $0xff, v1  }
0x6e: {  	v1 =	vld.msk [tilespmem:s5+$0xFFFFFFF8], $0xff  }
0x6f: {  	s9 =	sadd.s32 $0x8, s7;
	[tilespmem:s7+$0xFFFFFFFA ss:$0x81] =	vst.msk $0xff, v2  }
0x70: {  	v2 =	vld.msk [tilespmem:s8+$0xFFFFFFF0], $0xff;
	[tilespmem:s9+$0xFFFFFFF9 ss:$0x81] =	vst.msk $0xff, v0  }
0x71: {  	v0 =	vld.msk [tilespmem:s10+$0xFFFFFFE8], $0xff;
	[tilespmem:s15+$0xFFFFFFFD ss:$0x81] =	vst.msk $0xff, v3  }
0x72: {  	s11 =	sadd.s32 $0x40, s10;
	v3 =	vld.msk [tilespmem:s0+$0x8], $0xff  }
0x73: {  	[tilespmem:s25+$0xFFFFFFFC ss:$0x81] =	vst.msk $0xff, v1;
	v1 =	vld.msk [tilespmem:s11+$0xFFFFFFE0], $0xff  }
0x74: {  	v4 =	vld.msk [tilespmem:s5+$0x0], $0xff  }
0x75: {  	[tilespmem:s7+$0xFFFFFFFB ss:$0x81] =	vst.msk $0xff, v2  }
0x76: {  	v2 =	vld.msk [tilespmem:s8+$0xFFFFFFF8], $0xff;
	[tilespmem:s9+$0xFFFFFFFA ss:$0x81] =	vst.msk $0xff, v0  }
0x77: {  	s12 =	sadd.s32 $0x8, s9;
	v0 =	vld.msk [tilespmem:s10+$0xFFFFFFF0], $0xff;
	[tilespmem:s15+$0xFFFFFFFE ss:$0x81] =	vst.msk $0xff, v3  }
0x78: {  	[tilespmem:s12+$0xFFFFFFF9 ss:$0x81] =	vst.msk $0xff, v1;
	v1 =	vld.msk [tilespmem:s0+$0x10], $0xff  }
0x79: {  	[tilespmem:s25+$0xFFFFFFFD ss:$0x81] =	vst.msk $0xff, v4;
	v3 =	vld.msk [tilespmem:s11+$0xFFFFFFE8], $0xff  }
0x7a: {  	s13 =	sadd.s32 $0x40, s11;
	v4 =	vld.msk [tilespmem:s5+$0x8], $0xff  }
0x7b: {  	[tilespmem:s7+$0xFFFFFFFC ss:$0x81] =	vst.msk $0xff, v2;
	v2 =	vld.msk [tilespmem:s13+$0xFFFFFFE0], $0xff  }
0x7c: {  	v5 =	vld.msk [tilespmem:s8+$0x0], $0xff;
	[tilespmem:s9+$0xFFFFFFFB ss:$0x81] =	vst.msk $0xff, v0  }
0x7d: {  	v6 =	vld.msk [tilespmem:s10+$0xFFFFFFF8], $0xff;
	[tilespmem:s15+$0xFFFFFFFF ss:$0x81] =	vst.msk $0xff, v1  }
0x7e: {  	[tilespmem:s12+$0xFFFFFFFA ss:$0x81] =	vst.msk $0xff, v3;
	v0 =	vld.msk [tilespmem:s0+$0x18], $0xff  }
0x7f: {  	s14 =	sadd.s32 $0x8, s12;
	[tilespmem:s25+$0xFFFFFFFE ss:$0x81] =	vst.msk $0xff, v4;
	v3 =	vld.msk [tilespmem:s11+$0xFFFFFFF0], $0xff  }
0x80: {  	[tilespmem:s14+$0xFFFFFFF9 ss:$0x81] =	vst.msk $0xff, v2;
	v1 =	vld.msk [tilespmem:s5+$0x10], $0xff  }
0x81: {  	[tilespmem:s7+$0xFFFFFFFD ss:$0x81] =	vst.msk $0xff, v5;
	v4 =	vld.msk [tilespmem:s13+$0xFFFFFFE8], $0xff  }
0x82: {  	s16 =	simm.s32 $0x28;
	s1 =	smov.u32 s15;
	s17 =	sadd.s32 $0x40, s13;
	v2 =	vld.msk [tilespmem:s8+$0x8], $0xff;
	[tilespmem:s9+$0xFFFFFFFC ss:$0x81] =	vst.msk $0xff, v6  }
.LBB1_6:
0x83: {  	v5 =	vld.msk [tilespmem:s17+$0xFFFFFFE0], $0xff;
	[tilespmem:s1+$0x0 ss:$0x81] =	vst.msk $0xff, v0;
	s1 =	smov.u32 s25;
	s25 =	smov.u32 s7;
	s7 =	smov.u32 s9  }
0x84: {  	s16 =	sadd.s32 $0x8, s16;
	s9 =	smov.u32 s12;
	[tilespmem:s12+$0xFFFFFFFB ss:$0x81] =	vst.msk $0xff, v3;
	v6 =	vld.msk [tilespmem:s10+$0x0], $0xff;
	s12 =	smov.u32 s14  }
0x85: {  	p1 =	slt.u32 s16, $0x78;
	v7 =	vld.msk [tilespmem:s11+$0xFFFFFFF8], $0xff;
	[tilespmem:s1+$0xFFFFFFFF ss:$0x81] =	vst.msk $0xff, v1  }
.Ltmp4:
0x86: {  	[tilespmem:s14+$0xFFFFFFFA ss:$0x81] =	vst.msk $0xff, v4;
	v0 =	vld.msk [tilespmem:s5+$0x18], $0xff;
	s5 =	smov.u32 s8;
	s8 =	smov.u32 s10;
	(pc) =	sbr.rel @p1 .LBB1_6-.Ltmp4, $4  }
0x87: {  	s14 =	sadd.s32 $0x8, s14;
	s10 =	smov.u32 s11;
	s11 =	smov.u32 s13;
	v3 =	vld.msk [tilespmem:s13+$0xFFFFFFF0], $0xff;
	[tilespmem:s25+$0xFFFFFFFE ss:$0x81] =	vst.msk $0xff, v2  }
0x88: {  	s13 =	smov.u32 s17;
	[tilespmem:s14+$0xFFFFFFF9 ss:$0x81] =	vst.msk $0xff, v5;
	v1 =	vld.msk [tilespmem:s5+$0x10], $0xff  }
0x89: {  	v4 =	vld.msk [tilespmem:s17+$0xFFFFFFE8], $0xff;
	[tilespmem:s7+$0xFFFFFFFD ss:$0x81] =	vst.msk $0xff, v6  }
0x8a: {  	s17 =	sadd.s32 $0x40, s17;
	[tilespmem:s9+$0xFFFFFFFC ss:$0x81] =	vst.msk $0xff, v7;
	v2 =	vld.msk [tilespmem:s8+$0x8], $0xff  }
0x8b: {  	_ =	sdelay $0x2  }
0x8c: {  	[tilespmem:s14+$0xFFFFFFFA ss:$0x81] =	vst.msk $0xff, v4  }
0x8d: {  	v4 =	vld.msk [tilespmem:s13+$0xFFFFFFF0], $0xff;
	_ =	sdelay $0x3  }
0x8e: {  	[tilespmem:s12+$0xFFFFFFFB ss:$0x81] =	vst.msk $0xff, v3  }
0x8f: {  	v3 =	vld.msk [tilespmem:s11+$0xFFFFFFF8], $0xff;
	[tilespmem:s14+$0xFFFFFFFB ss:$0x81] =	vst.msk $0xff, v4  }
0x90: {  	v4 =	vld.msk [tilespmem:s13+$0xFFFFFFF8], $0xff;
	_ =	sdelay $0x3  }
0x91: {  	v5 =	vld.msk [tilespmem:s10+$0x0], $0xff;
	[tilespmem:s12+$0xFFFFFFFC ss:$0x81] =	vst.msk $0xff, v3  }
0x92: {  	v3 =	vld.msk [tilespmem:s11+$0x0], $0xff;
	[tilespmem:s14+$0xFFFFFFFC ss:$0x81] =	vst.msk $0xff, v4  }
0x93: {  	v4 =	vld.msk [tilespmem:s13+$0x0], $0xff;
	_ =	sdelay $0x2  }
0x94: {  	[tilespmem:s9+$0xFFFFFFFD ss:$0x81] =	vst.msk $0xff, v5  }
0x95: {  	v5 =	vld.msk [tilespmem:s10+$0x8], $0xff;
	[tilespmem:s12+$0xFFFFFFFD ss:$0x81] =	vst.msk $0xff, v3  }
0x96: {  	v3 =	vld.msk [tilespmem:s11+$0x8], $0xff;
	[tilespmem:s14+$0xFFFFFFFD ss:$0x81] =	vst.msk $0xff, v4  }
0x97: {  	v4 =	vld.msk [tilespmem:s13+$0x8], $0xff;
	_ =	sdelay $0x1  }
0x98: {  	[tilespmem:s7+$0xFFFFFFFE ss:$0x81] =	vst.msk $0xff, v2  }
0x99: {  	v2 =	vld.msk [tilespmem:s8+$0x10], $0xff;
	[tilespmem:s9+$0xFFFFFFFE ss:$0x81] =	vst.msk $0xff, v5  }
0x9a: {  	v5 =	vld.msk [tilespmem:s10+$0x10], $0xff;
	[tilespmem:s12+$0xFFFFFFFE ss:$0x81] =	vst.msk $0xff, v3  }
0x9b: {  	v3 =	vld.msk [tilespmem:s11+$0x10], $0xff;
	[tilespmem:s14+$0xFFFFFFFE ss:$0x81] =	vst.msk $0xff, v4  }
0x9c: {  	v4 =	vld.msk [tilespmem:s13+$0x10], $0xff  }
0x9d: {  	[tilespmem:s25+$0xFFFFFFFF ss:$0x81] =	vst.msk $0xff, v1  }
0x9e: {  	v1 =	vld.msk [tilespmem:s5+$0x18], $0xff;
	[tilespmem:s7+$0xFFFFFFFF ss:$0x81] =	vst.msk $0xff, v2  }
0x9f: {  	v2 =	vld.msk [tilespmem:s8+$0x18], $0xff;
	[tilespmem:s9+$0xFFFFFFFF ss:$0x81] =	vst.msk $0xff, v5  }
0xa0: {  	v61 =	vld.msk [tilespmem:s10+$0x18], $0xff;
	[tilespmem:s12+$0xFFFFFFFF ss:$0x81] =	vst.msk $0xff, v3  }
0xa1: {  	s3 =	sadd.s32 $0x1, s3;
	v62 =	vld.msk [tilespmem:s11+$0x18], $0xff;
	[tilespmem:s14+$0xFFFFFFFF ss:$0x81] =	vst.msk $0xff, v4  }
0xa2: {  	[tilespmem:s1+$0x0 ss:$0x81] =	vst.msk $0xff, v0;
	p1 =	sne.s32 s3, $0x10;
	v63 =	vld.msk [tilespmem:s13+$0x18], $0xff  }
.Ltmp5:
0xa3: {  	[tilespmem:s25+$0x0 ss:$0x81] =	vst.msk $0xff, v1;
	(pc) =	sbr.rel @p1 .LBB1_5-.Ltmp5, $4  }
0xa4: {  	[tilespmem:s7+$0x0 ss:$0x81] =	vst.msk $0xff, v2  }
0xa5: {  	[tilespmem:s9+$0x0 ss:$0x81] =	vst.msk $0xff, v61  }
0xa6: {  	[tilespmem:s12+$0x0 ss:$0x81] =	vst.msk $0xff, v62  }
0xa7: {  	s15 =	sadd.s32 $0x408, s15;
	s0 =	sadd.s32 $0x400, s0;
	[tilespmem:s14+$0x0 ss:$0x81] =	vst.msk $0xff, v63  }
0xa8: {  	s0 =	sshll.u32 s29, $0x3  }
0xa9: {  	s1 =	sand.u32 $0x78, s29;
	s16 =	sshll.u32 s30, $0xB;
	s3 =	sand.u32 $0x700, s29  }
.Ltmp6:
0xaa: {  	s5 =	rddreg [dreg:$0x1];
	s0 =	sand.u32 $0x400, s0;
	(pc) =	sbr.rel .LBB1_9-.Ltmp6, $4  }
0xab: {  	s17 =	sand.u32 $0x7, s29;
	s0 =	sor.u32 s1, s0;
	s1 =	sadd.s32 s5, s16  }
0xac: {  	s25 =	sshll.u32 s17, $0x12;
	s0 =	sshrl.u32 s0, $0x3;
	s1 =	sadd.s32 s3, s1  }
0xad: {  	s30 =	simm.s32 $0x4000;
	s29 =	sor.u32 $0x400, s25;
	s0 =	sadd.s32 s0, s1  }
0xae: {  	[hbm4b:s0+s29] =	stream.strided.scatter [tilespmem:s31], [sflag:$0x2], $0x4000, s30, s29, $0x20;
	[tilespmem:$0x10100] =	vst v63  }
.LBB1_10:
0xaf: {  	_ =	sfence.sel $0x180000  }
0xb0: {  	s0 =	simm.s32 $0x1;
	[bflag:$0x0] =	sbarrier.arrive $0xFFFF  }
0xb1: {  	s30 =	simm.s32 $0x2;
	[sflag:s0] =	ssyncpa.u1 $0x1  }
0xb2: {  	[sflag:s30] =	ssyncpa.u1 $0x1  }
0xb3: {  	_ =	strace $0x9000004D  }
0xb4: {  	s31 =	stileid.u32;
	[bflag:$0x2] =	sbarrier.arrive $0xFFFF  }
0xb5: {  	p0 =	sne.s32 s31, $0x0;
	s0 =	rddreg [dreg:$0x2]  }
0xb6: {  	s0 =	sadd.s32 @!p0 $0x100000, s0  }
0xb7: {  	[sflag:s0] =	ssyncadd.tile.s32 @!p0 $0x1;
	_ =	shalt  }
.Lfunc_end1:
_tile_overlayer_lowered:
.L_overlay_start_2:
0xb8: {  	(tag) =	ssettag $0x2  }
0xb9: {  	s0 =	rddreg [dreg:$0x0];
	s2 =	stileid.u32  }
0xba: {  	s1 =	rddreg [dreg:$0x1];
	p0 =	sne.s32 s2, $0x0  }
0xbb: {  	s3 =	rddreg [dreg:$0x2];
	[bflag:$0x3] =	sbarrier.arrive $0xFFFF;
	s2 =	simm.s32 @!p0 $0x1C01  }
0xbc: {  	[timem:s3], [sflag:s2] =	dma.local @!p0 [hbm:s0], s1  }
0xbd: {  	s0 =	simm.s32 @!p0 $0x1  }
0xbe: {  	_ =	swait.ge @!p0 [sflag:s0], s1  }
0xbf: {  	s1 =	ssub.s32 @!p0 $0x0, s1;
	[sflag:s0] =	ssyncset.done @!p0 $0x0  }
0xc0: {  	[sflag:s0] =	ssyncadd.s32 @!p0 s1  }
0xc1: {  	[bflag:$0x3] =	sbarrier.arrive $0xFFFF  }
0xc2: {  	_ =	shalt  }

</sc_bundles>
